<compile_context>
chip_gen: v7x
topology: tpu7x:2x2x1
jax: 0.10.2.dev20260603
libtpu: 0.0.44.dev20260713+nightly
codegen_flags: <defaults>
</compile_context>

<pallas_src>
import jax
import jax.numpy as jnp
from jax import lax
from jax.experimental import pallas as pl
from jax.experimental.pallas import tpu as pltpu
from jax.experimental.pallas import tpu_sc as plsc

_N = 10000
_E = 320000
_D = 128
_DE = 16
_C = 2
_W272 = 2 * _D + _DE

_NC = 2
_NS = 16
_NW = _NC * _NS
_CH = 128
_NCHUNK = _E // _CH
_NFULLT = _NCHUNK // _NW
_TAILW = _NCHUNK - _NFULLT * _NW
_L = 16


def _sc_body(src_hbm, dst_hbm, emb_hbm, ef_hbm, nproj_hbm,
             out_hbm, psc_hbm,
             ixs0, ixd0, ixs1, ixd1, rws0, rws1, rwd0, rwd1, scv0, scv1,
             efv, nsv,
             six0, six1, sgs0, sgs1, sgd0, sgd1, sw0, sw1, sef, sefw):
  wid = lax.axis_index("s") * _NC + lax.axis_index("c")
  pltpu.sync_copy(nproj_hbm, nsv)

  bufs = ((ixs0, ixd0, rws0, rwd0, scv0, six0, sgs0, sgd0, sw0),
          (ixs1, ixd1, rws1, rwd1, scv1, six1, sgs1, sgd1, sw1))

  def cbase(t):
    return (wid + t * _NW) * _CH

  def idx_descs(t, bs):
    ixs, ixd, six = bs[0], bs[1], bs[5]
    base = cbase(t)
    return (pltpu.make_async_copy(src_hbm.at[pl.ds(base, _CH)], ixs, six),
            pltpu.make_async_copy(dst_hbm.at[pl.ds(base, _CH)], ixd, six))

  def issue(t, bs):
    ixs, ixd, rws, rwd = bs[0], bs[1], bs[2], bs[3]
    sgs, sgd = bs[6], bs[7]
    pltpu.async_copy(emb_hbm.at[ixs], rws, sgs)
    pltpu.async_copy(emb_hbm.at[ixd], rwd, sgd)

  def scores(ixs, ixd, scv):
    for i in range(_CH // _L):
      si = ixs[pl.ds(i * _L, _L)] * 4
      di = ixd[pl.ds(i * _L, _L)] * 4
      scv[0, pl.ds(i * _L, _L)] = (
          plsc.load_gather(nsv, [si]) + plsc.load_gather(nsv, [di + 2]))
      scv[1, pl.ds(i * _L, _L)] = (
          plsc.load_gather(nsv, [si + 1]) + plsc.load_gather(nsv, [di + 3]))

  def write_descs(t, bs):
    rws, rwd, scv, sw = bs[2], bs[3], bs[4], bs[8]
    base = cbase(t)
    return (
        pltpu.make_async_copy(rws, out_hbm.at[pl.ds(base, _CH), pl.ds(0, _D)], sw),
        pltpu.make_async_copy(rwd, out_hbm.at[pl.ds(base, _CH), pl.ds(_D, _D)], sw),
        pltpu.make_async_copy(scv, psc_hbm.at[:, pl.ds(base, _CH)], sw),
    )

  def ef_write_desc(t):
    return pltpu.make_async_copy(
        efv, out_hbm.at[pl.ds(cbase(t), _CH), pl.ds(2 * _D, _DE)], sefw)

  def ef_load(t):
    pltpu.async_copy(ef_hbm.at[pl.ds(cbase(t), _CH)], efv, sef)

  def ef_load_wait(t):
    pltpu.make_async_copy(ef_hbm.at[pl.ds(cbase(t), _CH)], efv, sef).wait()

  def finish(t, bs):
    ixs, ixd, rws, rwd, scv = bs[0], bs[1], bs[2], bs[3], bs[4]
    sgs, sgd = bs[6], bs[7]
    scores(ixs, ixd, scv)
    d1, d2, d3 = write_descs(t, bs)
    d3.start()
    ef_load_wait(t)
    ef_write_desc(t).start()
    pltpu.make_async_copy(emb_hbm.at[ixs], rws, sgs).wait()
    d1.start()
    pltpu.make_async_copy(emb_hbm.at[ixd], rwd, sgd).wait()
    d2.start()

  def drain(t, bs):
    for d in write_descs(t, bs):
      d.wait()

  for d in idx_descs(0, bufs[0]):
    d.start()

  def body(s, carry):
    for b in (0, 1):
      t = s * 2 + b
      cur, prev = bufs[b], bufs[1 - b]

      @pl.when(t >= 2)
      def _():
        drain(t - 2, cur)

      @pl.when(t >= 1)
      def _():
        finish(t - 1, prev)

      for d in idx_descs(t, cur):
        d.wait()
      issue(t, cur)

      @pl.when(jnp.logical_or(t + 1 < _NFULLT, wid < _TAILW))
      def _():
        for d in idx_descs(t + 1, prev):
          d.start()

      @pl.when(t >= 1)
      def _():
        ef_write_desc(t - 1).wait()
      ef_load(t)
    return carry

  lax.fori_loop(0, _NFULLT // 2, body, 0)
  t_last = _NFULLT
  drain(_NFULLT - 2, bufs[0])
  finish(_NFULLT - 1, bufs[1])

  @pl.when(wid < _TAILW)
  def _():
    for d in idx_descs(t_last, bufs[0]):
      d.wait()
    issue(t_last, bufs[0])

  ef_write_desc(_NFULLT - 1).wait()

  @pl.when(wid < _TAILW)
  def _():
    ef_load(t_last)

  drain(_NFULLT - 1, bufs[1])

  @pl.when(wid < _TAILW)
  def _():
    finish(t_last, bufs[0])
    drain(t_last, bufs[0])
    ef_write_desc(t_last).wait()


def _nproj_body(x_ref, w_ref, o_ref):
  o_ref[...] = jnp.dot(x_ref[...], w_ref[...],
                       preferred_element_type=jnp.float32)


def _epi_body(eft_ref, w_ref, psc_ref, osc_ref):
  proj = lax.dot_general(w_ref[...], eft_ref[...],
                         dimension_numbers=(((1,), (0,)), ((), ())),
                         preferred_element_type=jnp.float32)
  osc_ref[...] = psc_ref[...] + proj


def kernel(edge_index, edge_feat, node_emb, weight):
  w_nodes = jnp.concatenate([weight[:, :_D].T, weight[:, _D:2 * _D].T], axis=1)

  node_proj = pl.pallas_call(
      _nproj_body,
      out_shape=jax.ShapeDtypeStruct((_N, 2 * _C), jnp.float32),
  )(node_emb, w_nodes)

  sc_fn = pl.kernel(
      _sc_body,
      out_type=(jax.ShapeDtypeStruct((_E, _W272), jnp.float32),
                jax.ShapeDtypeStruct((_C, _E), jnp.float32)),
      mesh=plsc.VectorSubcoreMesh(core_axis_name="c", subcore_axis_name="s",
                                  num_cores=_NC, num_subcores=_NS),
      compiler_params=pltpu.CompilerParams(needs_layout_passes=False,
                                           use_tc_tiling_on_sc=True),
      scratch_types=[
          pltpu.VMEM((_CH,), jnp.int32),
          pltpu.VMEM((_CH,), jnp.int32),
          pltpu.VMEM((_CH,), jnp.int32),
          pltpu.VMEM((_CH,), jnp.int32),
          pltpu.VMEM((_CH, _D), jnp.float32),
          pltpu.VMEM((_CH, _D), jnp.float32),
          pltpu.VMEM((_CH, _D), jnp.float32),
          pltpu.VMEM((_CH, _D), jnp.float32),
          pltpu.VMEM((_C, _CH), jnp.float32),
          pltpu.VMEM((_C, _CH), jnp.float32),
          pltpu.VMEM((_CH, _DE), jnp.float32),
          pltpu.VMEM((_N * 2 * _C,), jnp.float32),
          pltpu.SemaphoreType.DMA,
          pltpu.SemaphoreType.DMA,
          pltpu.SemaphoreType.DMA,
          pltpu.SemaphoreType.DMA,
          pltpu.SemaphoreType.DMA,
          pltpu.SemaphoreType.DMA,
          pltpu.SemaphoreType.DMA,
          pltpu.SemaphoreType.DMA,
          pltpu.SemaphoreType.DMA,
          pltpu.SemaphoreType.DMA,
      ],
  )
  edge_embeds, psc = sc_fn(edge_index[0], edge_index[1], node_emb,
                           edge_feat, node_proj.reshape(-1))

  _EB = 12800
  osc = pl.pallas_call(
      _epi_body,
      grid=(_E // _EB,),
      in_specs=[pl.BlockSpec((_DE, _EB), lambda i: (0, i)),
                pl.BlockSpec((_C, _DE), lambda i: (0, 0)),
                pl.BlockSpec((_C, _EB), lambda i: (0, i))],
      out_specs=pl.BlockSpec((_C, _EB), lambda i: (0, i)),
      out_shape=jax.ShapeDtypeStruct((_C, _E), jnp.float32),
  )(edge_feat.T, weight[:, 2 * _D:], psc)

  return osc.T, edge_embeds

# --- scband reference (transcript-rebuilt; emitter-appended) ---
"""Pipeline reference for scband-egraph-sage-49280454754450 (READ-ONLY COPY).

The authoritative reference and input builder live on the scoring server;
editing this copy changes nothing except your own understanding.
"""

import jax, jax.numpy as jnp
import numpy as np

N_NODES = 10000
N_EDGES = 320000
EMBED_DIM = 128
EDGE_FEAT_DIM = 16
NUM_CLASSES = 2

def setup_inputs(seed: int = 0) -> dict:
    key = jax.random.key(seed)
    k1, k2, k3, k4 = jax.random.split(key, 4)
    # edges: for each edge id, adj[edge] = (src_node, dst_node)
    edge_index = jax.random.randint(k1, (2, N_EDGES), 0, N_NODES, dtype=jnp.int32)
    # enc(nodes_id) output: node embedding table (stand-in for the GraphSAGE encoder output)
    node_emb = jax.random.normal(k2, (N_NODES, EMBED_DIM), dtype=jnp.float32)
    # self.edge_features[edge]
    edge_feat = jax.random.normal(k3, (N_EDGES, EDGE_FEAT_DIM), dtype=jnp.float32)
    # self.weight: xavier_uniform_([num_classes, 2*embed_dim + edge_feat_dim])
    fan_in = 2 * EMBED_DIM + EDGE_FEAT_DIM
    fan_out = NUM_CLASSES
    limit = float(np.sqrt(6.0 / (fan_in + fan_out)))
    weight = jax.random.uniform(k4, (NUM_CLASSES, 2 * EMBED_DIM + EDGE_FEAT_DIM),
                                minval=-limit, maxval=limit, dtype=jnp.float32)
    return {"edge_index": edge_index, "edge_feat": edge_feat,
            "node_emb": node_emb, "weight": weight}

def reference(edge_index, edge_feat, node_emb, weight):
    # adj[edge] -> (src, dst); enc lookup -> gather rows of node_emb
    src = edge_index[0]
    dst = edge_index[1]
    h_src = jnp.take(node_emb, src, axis=0)   # [E, d]
    h_dst = jnp.take(node_emb, dst, axis=0)   # [E, d]
    # residual=True: concat(src_emb, dst_emb, edge_features)
    edge_embeds = jnp.concatenate([h_src, h_dst, edge_feat], axis=1)  # [E, 2d+d_e]
    # scores = self.weight.mm(edge_embeds.t()); returned as scores.t()
    scores = edge_embeds @ weight.T  # [E, num_classes]
    return (scores, edge_embeds)

if __name__ == "__main__":
    import jax
    _d = setup_inputs()
    print(jax.jit(kernel)(*tuple(_d.values())))

</pallas_src>

<mosaic_0001>
#map = affine_map<(d0, d1) -> (0)>
#map1 = affine_map<(d0, d1) -> (0, 0)>
module attributes {stable_mosaic.version = 14 : i64} {
  func.func @_sc_body(%arg0: i32, %arg1: i32, %arg2: memref<320000xi32, #tpu.memory_space<hbm>>, %arg3: memref<320000xi32, #tpu.memory_space<hbm>>, %arg4: memref<10000x128xf32, #tpu.memory_space<hbm>>, %arg5: memref<320000x16xf32, #tpu.memory_space<hbm>>, %arg6: memref<40000xf32, #tpu.memory_space<hbm>>, %arg7: memref<320000x272xf32, #tpu.memory_space<hbm>>, %arg8: memref<2x320000xf32, #tpu.memory_space<hbm>>, %arg9: memref<128xi32, #tpu.memory_space<vmem>>, %arg10: memref<128xi32, #tpu.memory_space<vmem>>, %arg11: memref<128xi32, #tpu.memory_space<vmem>>, %arg12: memref<128xi32, #tpu.memory_space<vmem>>, %arg13: memref<128x128xf32, #tpu.memory_space<vmem>>, %arg14: memref<128x128xf32, #tpu.memory_space<vmem>>, %arg15: memref<128x128xf32, #tpu.memory_space<vmem>>, %arg16: memref<128x128xf32, #tpu.memory_space<vmem>>, %arg17: memref<2x128xf32, #tpu.memory_space<vmem>>, %arg18: memref<2x128xf32, #tpu.memory_space<vmem>>, %arg19: memref<128x16xf32, #tpu.memory_space<vmem>>, %arg20: memref<40000xf32, #tpu.memory_space<vmem>>, %arg21: memref<!tpu.dma_semaphore, #tpu.memory_space<semaphore_mem>>, %arg22: memref<!tpu.dma_semaphore, #tpu.memory_space<semaphore_mem>>, %arg23: memref<!tpu.dma_semaphore, #tpu.memory_space<semaphore_mem>>, %arg24: memref<!tpu.dma_semaphore, #tpu.memory_space<semaphore_mem>>, %arg25: memref<!tpu.dma_semaphore, #tpu.memory_space<semaphore_mem>>, %arg26: memref<!tpu.dma_semaphore, #tpu.memory_space<semaphore_mem>>, %arg27: memref<!tpu.dma_semaphore, #tpu.memory_space<semaphore_mem>>, %arg28: memref<!tpu.dma_semaphore, #tpu.memory_space<semaphore_mem>>, %arg29: memref<!tpu.dma_semaphore, #tpu.memory_space<semaphore_mem>>, %arg30: memref<!tpu.dma_semaphore, #tpu.memory_space<semaphore_mem>>) attributes {dimension_semantics = [#tpu.dimension_semantics<core_parallel>, #tpu.dimension_semantics<subcore_parallel>], iteration_bounds = array<i64: 2, 16>, scalar_prefetch = 0 : i64, scratch_operands = 22 : i64, tpu.core_type = #tpu.core_type<sc_vector_subcore>, window_params = [{transform_indices = #map}, {transform_indices = #map}, {transform_indices = #map1}, {transform_indices = #map1}, {transform_indices = #map}, {transform_indices = #map1}, {transform_indices = #map1}]} {
    %mul3A = arith.constant 2 : i32
    %mul3A_0 = arith.muli %arg1, %mul3A : i32
    %add3A = arith.addi %mul3A_0, %arg0 : i32
    "tpu.region"() ({
      %run_scoped3A = tpu.sem_alloc : memref<!tpu.dma_semaphore, #tpu.memory_space<semaphore_mem>>
      tpu.enqueue_dma source(%arg6 : memref<40000xf32, #tpu.memory_space<hbm>>) target(%arg20 : memref<40000xf32, #tpu.memory_space<vmem>>) target_semaphore(%run_scoped3A : memref<!tpu.dma_semaphore, #tpu.memory_space<semaphore_mem>>)
      tpu.wait_dma2 semaphore(%run_scoped3A : memref<!tpu.dma_semaphore, #tpu.memory_space<semaphore_mem>>) src(%arg6 : memref<40000xf32, #tpu.memory_space<hbm>>) dst(%arg20 : memref<40000xf32, #tpu.memory_space<vmem>>)
      tpu.yield
    }) : () -> ()
    %add3A_1 = arith.constant 0 : i32
    %add3A_2 = arith.addi %add3A, %add3A_1 : i32
    %mul3A_3 = arith.constant 128 : i32
    %mul3A_4 = arith.muli %add3A_2, %mul3A_3 : i32
    %dma_start3A = tpu.memref_slice %arg2[%mul3A_4] : memref<320000xi32, #tpu.memory_space<hbm>> -> memref<128xi32, #tpu.memory_space<hbm>>
    %dma_start3A_5 = tpu.memref_slice %arg2[%mul3A_4] : memref<320000xi32, #tpu.memory_space<hbm>> -> memref<128xi32, #tpu.memory_space<hbm>>
    tpu.enqueue_dma source(%dma_start3A_5 : memref<128xi32, #tpu.memory_space<hbm>>) target(%arg9 : memref<128xi32, #tpu.memory_space<vmem>>) target_semaphore(%arg21 : memref<!tpu.dma_semaphore, #tpu.memory_space<semaphore_mem>>)
    %dma_start3A_6 = tpu.memref_slice %arg3[%mul3A_4] : memref<320000xi32, #tpu.memory_space<hbm>> -> memref<128xi32, #tpu.memory_space<hbm>>
    %dma_start3A_7 = tpu.memref_slice %arg3[%mul3A_4] : memref<320000xi32, #tpu.memory_space<hbm>> -> memref<128xi32, #tpu.memory_space<hbm>>
    tpu.enqueue_dma source(%dma_start3A_7 : memref<128xi32, #tpu.memory_space<hbm>>) target(%arg10 : memref<128xi32, #tpu.memory_space<vmem>>) target_semaphore(%arg21 : memref<!tpu.dma_semaphore, #tpu.memory_space<semaphore_mem>>)
    %scan3A = arith.constant 0 : i32
    %scan3A_8 = arith.constant 0 : i32
    %scan3A_9 = arith.constant 39 : i32
    %scan3A_10 = arith.addi %scan3A_8, %scan3A_9 : i32
    %scan3A_11 = arith.constant 1 : i32
    scf.for %scan3A_363 = %scan3A_8 to %scan3A_10 step %scan3A_11  : i32 {
      %mul3A_364 = arith.constant 2 : i32
      %mul3A_365 = arith.muli %scan3A_363, %mul3A_364 : i32
      %add3A_366 = arith.constant 0 : i32
      %add3A_367 = arith.addi %mul3A_365, %add3A_366 : i32
      %ge3A = arith.constant 2 : i32
      %ge3A_368 = arith.cmpi sge, %add3A_367, %ge3A : i32
      %convert_element_type3A_369 = arith.extui %ge3A_368 : i1 to i32
      %cond3A_370 = arith.constant 0 : i32
      %cond3A_371 = arith.cmpi ne, %convert_element_type3A_369, %cond3A_370 : i32
      scf.if %cond3A_371 {
        %sub3A = arith.constant 2 : i32
        %sub3A_468 = arith.subi %add3A_367, %sub3A : i32
        %mul3A_469 = arith.constant 32 : i32
        %mul3A_470 = arith.muli %sub3A_468, %mul3A_469 : i32
        %add3A_471 = arith.addi %add3A, %mul3A_470 : i32
        %mul3A_472 = arith.constant 128 : i32
        %mul3A_473 = arith.muli %add3A_471, %mul3A_472 : i32
        %dma_wait3A_474 = arith.constant 0 : i32
        %dma_wait3A_475 = tpu.memref_slice %arg7[%mul3A_473, %dma_wait3A_474] : memref<320000x272xf32, #tpu.memory_space<hbm>> -> memref<128x128xf32, #tpu.memory_space<hbm>>
        %dma_wait3A_476 = arith.constant 0 : i32
        %dma_wait3A_477 = tpu.memref_slice %arg7[%mul3A_473, %dma_wait3A_476] : memref<320000x272xf32, #tpu.memory_space<hbm>> -> memref<128x128xf32, #tpu.memory_space<hbm>>
        tpu.wait_dma2 semaphore(%arg27 : memref<!tpu.dma_semaphore, #tpu.memory_space<semaphore_mem>>) src(%arg13 : memref<128x128xf32, #tpu.memory_space<vmem>>) dst(%dma_wait3A_477 : memref<128x128xf32, #tpu.memory_space<hbm>>)
        %dma_wait3A_478 = arith.constant 128 : i32
        %dma_wait3A_479 = tpu.memref_slice %arg7[%mul3A_473, %dma_wait3A_478] : memref<320000x272xf32, #tpu.memory_space<hbm>> -> memref<128x128xf32, #tpu.memory_space<hbm>>
        %dma_wait3A_480 = arith.constant 128 : i32
        %dma_wait3A_481 = tpu.memref_slice %arg7[%mul3A_473, %dma_wait3A_480] : memref<320000x272xf32, #tpu.memory_space<hbm>> -> memref<128x128xf32, #tpu.memory_space<hbm>>
        tpu.wait_dma2 semaphore(%arg27 : memref<!tpu.dma_semaphore, #tpu.memory_space<semaphore_mem>>) src(%arg15 : memref<128x128xf32, #tpu.memory_space<vmem>>) dst(%dma_wait3A_481 : memref<128x128xf32, #tpu.memory_space<hbm>>)
        %dma_wait3A_482 = arith.constant 0 : i32
        %dma_wait3A_483 = tpu.memref_slice %arg8[%dma_wait3A_482, %mul3A_473] : memref<2x320000xf32, #tpu.memory_space<hbm>> -> memref<2x128xf32, #tpu.memory_space<hbm>>
        %dma_wait3A_484 = arith.constant 0 : i32
        %dma_wait3A_485 = tpu.memref_slice %arg8[%dma_wait3A_484, %mul3A_473] : memref<2x320000xf32, #tpu.memory_space<hbm>> -> memref<2x128xf32, #tpu.memory_space<hbm>>
        tpu.wait_dma2 semaphore(%arg27 : memref<!tpu.dma_semaphore, #tpu.memory_space<semaphore_mem>>) src(%arg17 : memref<2x128xf32, #tpu.memory_space<vmem>>) dst(%dma_wait3A_485 : memref<2x128xf32, #tpu.memory_space<hbm>>)
      } else {
      }
      %ge3A_372 = arith.constant 1 : i32
      %ge3A_373 = arith.cmpi sge, %add3A_367, %ge3A_372 : i32
      %convert_element_type3A_374 = arith.extui %ge3A_373 : i1 to i32
      %cond3A_375 = arith.constant 0 : i32
      %cond3A_376 = arith.cmpi ne, %convert_element_type3A_374, %cond3A_375 : i32
      scf.if %cond3A_376 {
        %sub3A = arith.constant 1 : i32
        %sub3A_468 = arith.subi %add3A_367, %sub3A : i32
        %get3A_469 = arith.constant 0 : index
        %get3A_470 = tpu.vector_load %arg11[%get3A_469] {strides = array<i32>} : memref<128xi32, #tpu.memory_space<vmem>>, vector<16xi32>,
        %mul3A_471 = arith.constant 4 : i32
        %mul3A_472 = vector.broadcast %mul3A_471 : i32 to vector<16xi32>
        %mul3A_473 = arith.muli %get3A_470, %mul3A_472 : vector<16xi32>
        %get3A_474 = arith.constant 0 : index
        %get3A_475 = tpu.vector_load %arg12[%get3A_474] {strides = array<i32>} : memref<128xi32, #tpu.memory_space<vmem>>, vector<16xi32>,
        %mul3A_476 = arith.constant 4 : i32
        %mul3A_477 = vector.broadcast %mul3A_476 : i32 to vector<16xi32>
        %mul3A_478 = arith.muli %get3A_475, %mul3A_477 : vector<16xi32>
        %gather3A_479 = tpu.vector_load_idx %arg20[%mul3A_473] : memref<40000xf32, #tpu.memory_space<vmem>>[vector<16xi32>], vector<16xf32>,
        %add3A_480 = arith.constant 2 : i32
        %add3A_481 = vector.broadcast %add3A_480 : i32 to vector<16xi32>
        %add3A_482 = arith.addi %mul3A_478, %add3A_481 : vector<16xi32>
        %gather3A_483 = tpu.vector_load_idx %arg20[%add3A_482] : memref<40000xf32, #tpu.memory_space<vmem>>[vector<16xi32>], vector<16xf32>,
        %add3A_484 = arith.addf %gather3A_479, %gather3A_483 : vector<16xf32>
        %swap3A_485 = arith.constant 0 : i32
        %swap3A_486 = arith.index_cast %swap3A_485 : i32 to index
        %swap3A_487 = arith.constant 0 : index
        %swap3A_488 = tpu.vector_load %arg18[%swap3A_486, %swap3A_487] {strides = array<i32>} : memref<2x128xf32, #tpu.memory_space<vmem>>, vector<16xf32>,
        tpu.vector_store %arg18[%swap3A_486, %swap3A_487], %add3A_484 {strides = array<i32>} : memref<2x128xf32, #tpu.memory_space<vmem>>, vector<16xf32>,
        %add3A_489 = arith.constant 1 : i32
        %add3A_490 = vector.broadcast %add3A_489 : i32 to vector<16xi32>
        %add3A_491 = arith.addi %mul3A_473, %add3A_490 : vector<16xi32>
        %gather3A_492 = tpu.vector_load_idx %arg20[%add3A_491] : memref<40000xf32, #tpu.memory_space<vmem>>[vector<16xi32>], vector<16xf32>,
        %add3A_493 = arith.constant 3 : i32
        %add3A_494 = vector.broadcast %add3A_493 : i32 to vector<16xi32>
        %add3A_495 = arith.addi %mul3A_478, %add3A_494 : vector<16xi32>
        %gather3A_496 = tpu.vector_load_idx %arg20[%add3A_495] : memref<40000xf32, #tpu.memory_space<vmem>>[vector<16xi32>], vector<16xf32>,
        %add3A_497 = arith.addf %gather3A_492, %gather3A_496 : vector<16xf32>
        %swap3A_498 = arith.constant 1 : i32
        %swap3A_499 = arith.index_cast %swap3A_498 : i32 to index
        %swap3A_500 = arith.constant 0 : index
        %swap3A_501 = tpu.vector_load %arg18[%swap3A_499, %swap3A_500] {strides = array<i32>} : memref<2x128xf32, #tpu.memory_space<vmem>>, vector<16xf32>,
        tpu.vector_store %arg18[%swap3A_499, %swap3A_500], %add3A_497 {strides = array<i32>} : memref<2x128xf32, #tpu.memory_space<vmem>>, vector<16xf32>,
        %get3A_502 = arith.constant 16 : index
        %get3A_503 = tpu.vector_load %arg11[%get3A_502] {strides = array<i32>} : memref<128xi32, #tpu.memory_space<vmem>>, vector<16xi32>,
        %mul3A_504 = arith.constant 4 : i32
        %mul3A_505 = vector.broadcast %mul3A_504 : i32 to vector<16xi32>
        %mul3A_506 = arith.muli %get3A_503, %mul3A_505 : vector<16xi32>
        %get3A_507 = arith.constant 16 : index
        %get3A_508 = tpu.vector_load %arg12[%get3A_507] {strides = array<i32>} : memref<128xi32, #tpu.memory_space<vmem>>, vector<16xi32>,
        %mul3A_509 = arith.constant 4 : i32
        %mul3A_510 = vector.broadcast %mul3A_509 : i32 to vector<16xi32>
        %mul3A_511 = arith.muli %get3A_508, %mul3A_510 : vector<16xi32>
        %gather3A_512 = tpu.vector_load_idx %arg20[%mul3A_506] : memref<40000xf32, #tpu.memory_space<vmem>>[vector<16xi32>], vector<16xf32>,
        %add3A_513 = arith.constant 2 : i32
        %add3A_514 = vector.broadcast %add3A_513 : i32 to vector<16xi32>
        %add3A_515 = arith.addi %mul3A_511, %add3A_514 : vector<16xi32>
        %gather3A_516 = tpu.vector_load_idx %arg20[%add3A_515] : memref<40000xf32, #tpu.memory_space<vmem>>[vector<16xi32>], vector<16xf32>,
        %add3A_517 = arith.addf %gather3A_512, %gather3A_516 : vector<16xf32>
        %swap3A_518 = arith.constant 0 : i32
        %swap3A_519 = arith.index_cast %swap3A_518 : i32 to index
        %swap3A_520 = arith.constant 16 : index
        %swap3A_521 = tpu.vector_load %arg18[%swap3A_519, %swap3A_520] {strides = array<i32>} : memref<2x128xf32, #tpu.memory_space<vmem>>, vector<16xf32>,
        tpu.vector_store %arg18[%swap3A_519, %swap3A_520], %add3A_517 {strides = array<i32>} : memref<2x128xf32, #tpu.memory_space<vmem>>, vector<16xf32>,
        %add3A_522 = arith.constant 1 : i32
        %add3A_523 = vector.broadcast %add3A_522 : i32 to vector<16xi32>
        %add3A_524 = arith.addi %mul3A_506, %add3A_523 : vector<16xi32>
        %gather3A_525 = tpu.vector_load_idx %arg20[%add3A_524] : memref<40000xf32, #tpu.memory_space<vmem>>[vector<16xi32>], vector<16xf32>,
        %add3A_526 = arith.constant 3 : i32
        %add3A_527 = vector.broadcast %add3A_526 : i32 to vector<16xi32>
        %add3A_528 = arith.addi %mul3A_511, %add3A_527 : vector<16xi32>
        %gather3A_529 = tpu.vector_load_idx %arg20[%add3A_528] : memref<40000xf32, #tpu.memory_space<vmem>>[vector<16xi32>], vector<16xf32>,
        %add3A_530 = arith.addf %gather3A_525, %gather3A_529 : vector<16xf32>
        %swap3A_531 = arith.constant 1 : i32
        %swap3A_532 = arith.index_cast %swap3A_531 : i32 to index
        %swap3A_533 = arith.constant 16 : index
        %swap3A_534 = tpu.vector_load %arg18[%swap3A_532, %swap3A_533] {strides = array<i32>} : memref<2x128xf32, #tpu.memory_space<vmem>>, vector<16xf32>,
        tpu.vector_store %arg18[%swap3A_532, %swap3A_533], %add3A_530 {strides = array<i32>} : memref<2x128xf32, #tpu.memory_space<vmem>>, vector<16xf32>,
        %get3A_535 = arith.constant 32 : index
        %get3A_536 = tpu.vector_load %arg11[%get3A_535] {strides = array<i32>} : memref<128xi32, #tpu.memory_space<vmem>>, vector<16xi32>,
        %mul3A_537 = arith.constant 4 : i32
        %mul3A_538 = vector.broadcast %mul3A_537 : i32 to vector<16xi32>
        %mul3A_539 = arith.muli %get3A_536, %mul3A_538 : vector<16xi32>
        %get3A_540 = arith.constant 32 : index
        %get3A_541 = tpu.vector_load %arg12[%get3A_540] {strides = array<i32>} : memref<128xi32, #tpu.memory_space<vmem>>, vector<16xi32>,
        %mul3A_542 = arith.constant 4 : i32
        %mul3A_543 = vector.broadcast %mul3A_542 : i32 to vector<16xi32>
        %mul3A_544 = arith.muli %get3A_541, %mul3A_543 : vector<16xi32>
        %gather3A_545 = tpu.vector_load_idx %arg20[%mul3A_539] : memref<40000xf32, #tpu.memory_space<vmem>>[vector<16xi32>], vector<16xf32>,
        %add3A_546 = arith.constant 2 : i32
        %add3A_547 = vector.broadcast %add3A_546 : i32 to vector<16xi32>
        %add3A_548 = arith.addi %mul3A_544, %add3A_547 : vector<16xi32>
        %gather3A_549 = tpu.vector_load_idx %arg20[%add3A_548] : memref<40000xf32, #tpu.memory_space<vmem>>[vector<16xi32>], vector<16xf32>,
        %add3A_550 = arith.addf %gather3A_545, %gather3A_549 : vector<16xf32>
        %swap3A_551 = arith.constant 0 : i32
        %swap3A_552 = arith.index_cast %swap3A_551 : i32 to index
        %swap3A_553 = arith.constant 32 : index
        %swap3A_554 = tpu.vector_load %arg18[%swap3A_552, %swap3A_553] {strides = array<i32>} : memref<2x128xf32, #tpu.memory_space<vmem>>, vector<16xf32>,
        tpu.vector_store %arg18[%swap3A_552, %swap3A_553], %add3A_550 {strides = array<i32>} : memref<2x128xf32, #tpu.memory_space<vmem>>, vector<16xf32>,
        %add3A_555 = arith.constant 1 : i32
        %add3A_556 = vector.broadcast %add3A_555 : i32 to vector<16xi32>
        %add3A_557 = arith.addi %mul3A_539, %add3A_556 : vector<16xi32>
        %gather3A_558 = tpu.vector_load_idx %arg20[%add3A_557] : memref<40000xf32, #tpu.memory_space<vmem>>[vector<16xi32>], vector<16xf32>,
        %add3A_559 = arith.constant 3 : i32
        %add3A_560 = vector.broadcast %add3A_559 : i32 to vector<16xi32>
        %add3A_561 = arith.addi %mul3A_544, %add3A_560 : vector<16xi32>
        %gather3A_562 = tpu.vector_load_idx %arg20[%add3A_561] : memref<40000xf32, #tpu.memory_space<vmem>>[vector<16xi32>], vector<16xf32>,
        %add3A_563 = arith.addf %gather3A_558, %gather3A_562 : vector<16xf32>
        %swap3A_564 = arith.constant 1 : i32
        %swap3A_565 = arith.index_cast %swap3A_564 : i32 to index
        %swap3A_566 = arith.constant 32 : index
        %swap3A_567 = tpu.vector_load %arg18[%swap3A_565, %swap3A_566] {strides = array<i32>} : memref<2x128xf32, #tpu.memory_space<vmem>>, vector<16xf32>,
        tpu.vector_store %arg18[%swap3A_565, %swap3A_566], %add3A_563 {strides = array<i32>} : memref<2x128xf32, #tpu.memory_space<vmem>>, vector<16xf32>,
        %get3A_568 = arith.constant 48 : index
        %get3A_569 = tpu.vector_load %arg11[%get3A_568] {strides = array<i32>} : memref<128xi32, #tpu.memory_space<vmem>>, vector<16xi32>,
        %mul3A_570 = arith.constant 4 : i32
        %mul3A_571 = vector.broadcast %mul3A_570 : i32 to vector<16xi32>
        %mul3A_572 = arith.muli %get3A_569, %mul3A_571 : vector<16xi32>
        %get3A_573 = arith.constant 48 : index
        %get3A_574 = tpu.vector_load %arg12[%get3A_573] {strides = array<i32>} : memref<128xi32, #tpu.memory_space<vmem>>, vector<16xi32>,
        %mul3A_575 = arith.constant 4 : i32
        %mul3A_576 = vector.broadcast %mul3A_575 : i32 to vector<16xi32>
        %mul3A_577 = arith.muli %get3A_574, %mul3A_576 : vector<16xi32>
        %gather3A_578 = tpu.vector_load_idx %arg20[%mul3A_572] : memref<40000xf32, #tpu.memory_space<vmem>>[vector<16xi32>], vector<16xf32>,
        %add3A_579 = arith.constant 2 : i32
        %add3A_580 = vector.broadcast %add3A_579 : i32 to vector<16xi32>
        %add3A_581 = arith.addi %mul3A_577, %add3A_580 : vector<16xi32>
        %gather3A_582 = tpu.vector_load_idx %arg20[%add3A_581] : memref<40000xf32, #tpu.memory_space<vmem>>[vector<16xi32>], vector<16xf32>,
        %add3A_583 = arith.addf %gather3A_578, %gather3A_582 : vector<16xf32>
        %swap3A_584 = arith.constant 0 : i32
        %swap3A_585 = arith.index_cast %swap3A_584 : i32 to index
        %swap3A_586 = arith.constant 48 : index
        %swap3A_587 = tpu.vector_load %arg18[%swap3A_585, %swap3A_586] {strides = array<i32>} : memref<2x128xf32, #tpu.memory_space<vmem>>, vector<16xf32>,
        tpu.vector_store %arg18[%swap3A_585, %swap3A_586], %add3A_583 {strides = array<i32>} : memref<2x128xf32, #tpu.memory_space<vmem>>, vector<16xf32>,
        %add3A_588 = arith.constant 1 : i32
        %add3A_589 = vector.broadcast %add3A_588 : i32 to vector<16xi32>
        %add3A_590 = arith.addi %mul3A_572, %add3A_589 : vector<16xi32>
        %gather3A_591 = tpu.vector_load_idx %arg20[%add3A_590] : memref<40000xf32, #tpu.memory_space<vmem>>[vector<16xi32>], vector<16xf32>,
        %add3A_592 = arith.constant 3 : i32
        %add3A_593 = vector.broadcast %add3A_592 : i32 to vector<16xi32>
        %add3A_594 = arith.addi %mul3A_577, %add3A_593 : vector<16xi32>
        %gather3A_595 = tpu.vector_load_idx %arg20[%add3A_594] : memref<40000xf32, #tpu.memory_space<vmem>>[vector<16xi32>], vector<16xf32>,
        %add3A_596 = arith.addf %gather3A_591, %gather3A_595 : vector<16xf32>
        %swap3A_597 = arith.constant 1 : i32
        %swap3A_598 = arith.index_cast %swap3A_597 : i32 to index
        %swap3A_599 = arith.constant 48 : index
        %swap3A_600 = tpu.vector_load %arg18[%swap3A_598, %swap3A_599] {strides = array<i32>} : memref<2x128xf32, #tpu.memory_space<vmem>>, vector<16xf32>,
        tpu.vector_store %arg18[%swap3A_598, %swap3A_599], %add3A_596 {strides = array<i32>} : memref<2x128xf32, #tpu.memory_space<vmem>>, vector<16xf32>,
        %get3A_601 = arith.constant 64 : index
        %get3A_602 = tpu.vector_load %arg11[%get3A_601] {strides = array<i32>} : memref<128xi32, #tpu.memory_space<vmem>>, vector<16xi32>,
        %mul3A_603 = arith.constant 4 : i32
        %mul3A_604 = vector.broadcast %mul3A_603 : i32 to vector<16xi32>
        %mul3A_605 = arith.muli %get3A_602, %mul3A_604 : vector<16xi32>
        %get3A_606 = arith.constant 64 : index
        %get3A_607 = tpu.vector_load %arg12[%get3A_606] {strides = array<i32>} : memref<128xi32, #tpu.memory_space<vmem>>, vector<16xi32>,
        %mul3A_608 = arith.constant 4 : i32
        %mul3A_609 = vector.broadcast %mul3A_608 : i32 to vector<16xi32>
        %mul3A_610 = arith.muli %get3A_607, %mul3A_609 : vector<16xi32>
        %gather3A_611 = tpu.vector_load_idx %arg20[%mul3A_605] : memref<40000xf32, #tpu.memory_space<vmem>>[vector<16xi32>], vector<16xf32>,
        %add3A_612 = arith.constant 2 : i32
        %add3A_613 = vector.broadcast %add3A_612 : i32 to vector<16xi32>
        %add3A_614 = arith.addi %mul3A_610, %add3A_613 : vector<16xi32>
        %gather3A_615 = tpu.vector_load_idx %arg20[%add3A_614] : memref<40000xf32, #tpu.memory_space<vmem>>[vector<16xi32>], vector<16xf32>,
        %add3A_616 = arith.addf %gather3A_611, %gather3A_615 : vector<16xf32>
        %swap3A_617 = arith.constant 0 : i32
        %swap3A_618 = arith.index_cast %swap3A_617 : i32 to index
        %swap3A_619 = arith.constant 64 : index
        %swap3A_620 = tpu.vector_load %arg18[%swap3A_618, %swap3A_619] {strides = array<i32>} : memref<2x128xf32, #tpu.memory_space<vmem>>, vector<16xf32>,
        tpu.vector_store %arg18[%swap3A_618, %swap3A_619], %add3A_616 {strides = array<i32>} : memref<2x128xf32, #tpu.memory_space<vmem>>, vector<16xf32>,
        %add3A_621 = arith.constant 1 : i32
        %add3A_622 = vector.broadcast %add3A_621 : i32 to vector<16xi32>
        %add3A_623 = arith.addi %mul3A_605, %add3A_622 : vector<16xi32>
        %gather3A_624 = tpu.vector_load_idx %arg20[%add3A_623] : memref<40000xf32, #tpu.memory_space<vmem>>[vector<16xi32>], vector<16xf32>,
        %add3A_625 = arith.constant 3 : i32
        %add3A_626 = vector.broadcast %add3A_625 : i32 to vector<16xi32>
        %add3A_627 = arith.addi %mul3A_610, %add3A_626 : vector<16xi32>
        %gather3A_628 = tpu.vector_load_idx %arg20[%add3A_627] : memref<40000xf32, #tpu.memory_space<vmem>>[vector<16xi32>], vector<16xf32>,
        %add3A_629 = arith.addf %gather3A_624, %gather3A_628 : vector<16xf32>
        %swap3A_630 = arith.constant 1 : i32
        %swap3A_631 = arith.index_cast %swap3A_630 : i32 to index
        %swap3A_632 = arith.constant 64 : index
        %swap3A_633 = tpu.vector_load %arg18[%swap3A_631, %swap3A_632] {strides = array<i32>} : memref<2x128xf32, #tpu.memory_space<vmem>>, vector<16xf32>,
        tpu.vector_store %arg18[%swap3A_631, %swap3A_632], %add3A_629 {strides = array<i32>} : memref<2x128xf32, #tpu.memory_space<vmem>>, vector<16xf32>,
        %get3A_634 = arith.constant 80 : index
        %get3A_635 = tpu.vector_load %arg11[%get3A_634] {strides = array<i32>} : memref<128xi32, #tpu.memory_space<vmem>>, vector<16xi32>,
        %mul3A_636 = arith.constant 4 : i32
        %mul3A_637 = vector.broadcast %mul3A_636 : i32 to vector<16xi32>
        %mul3A_638 = arith.muli %get3A_635, %mul3A_637 : vector<16xi32>
        %get3A_639 = arith.constant 80 : index
        %get3A_640 = tpu.vector_load %arg12[%get3A_639] {strides = array<i32>} : memref<128xi32, #tpu.memory_space<vmem>>, vector<16xi32>,
        %mul3A_641 = arith.constant 4 : i32
        %mul3A_642 = vector.broadcast %mul3A_641 : i32 to vector<16xi32>
        %mul3A_643 = arith.muli %get3A_640, %mul3A_642 : vector<16xi32>
        %gather3A_644 = tpu.vector_load_idx %arg20[%mul3A_638] : memref<40000xf32, #tpu.memory_space<vmem>>[vector<16xi32>], vector<16xf32>,
        %add3A_645 = arith.constant 2 : i32
        %add3A_646 = vector.broadcast %add3A_645 : i32 to vector<16xi32>
        %add3A_647 = arith.addi %mul3A_643, %add3A_646 : vector<16xi32>
        %gather3A_648 = tpu.vector_load_idx %arg20[%add3A_647] : memref<40000xf32, #tpu.memory_space<vmem>>[vector<16xi32>], vector<16xf32>,
        %add3A_649 = arith.addf %gather3A_644, %gather3A_648 : vector<16xf32>
        %swap3A_650 = arith.constant 0 : i32
        %swap3A_651 = arith.index_cast %swap3A_650 : i32 to index
        %swap3A_652 = arith.constant 80 : index
        %swap3A_653 = tpu.vector_load %arg18[%swap3A_651, %swap3A_652] {strides = array<i32>} : memref<2x128xf32, #tpu.memory_space<vmem>>, vector<16xf32>,
        tpu.vector_store %arg18[%swap3A_651, %swap3A_652], %add3A_649 {strides = array<i32>} : memref<2x128xf32, #tpu.memory_space<vmem>>, vector<16xf32>,
        %add3A_654 = arith.constant 1 : i32
        %add3A_655 = vector.broadcast %add3A_654 : i32 to vector<16xi32>
        %add3A_656 = arith.addi %mul3A_638, %add3A_655 : vector<16xi32>
        %gather3A_657 = tpu.vector_load_idx %arg20[%add3A_656] : memref<40000xf32, #tpu.memory_space<vmem>>[vector<16xi32>], vector<16xf32>,
        %add3A_658 = arith.constant 3 : i32
        %add3A_659 = vector.broadcast %add3A_658 : i32 to vector<16xi32>
        %add3A_660 = arith.addi %mul3A_643, %add3A_659 : vector<16xi32>
        %gather3A_661 = tpu.vector_load_idx %arg20[%add3A_660] : memref<40000xf32, #tpu.memory_space<vmem>>[vector<16xi32>], vector<16xf32>,
        %add3A_662 = arith.addf %gather3A_657, %gather3A_661 : vector<16xf32>
        %swap3A_663 = arith.constant 1 : i32
        %swap3A_664 = arith.index_cast %swap3A_663 : i32 to index
        %swap3A_665 = arith.constant 80 : index
        %swap3A_666 = tpu.vector_load %arg18[%swap3A_664, %swap3A_665] {strides = array<i32>} : memref<2x128xf32, #tpu.memory_space<vmem>>, vector<16xf32>,
        tpu.vector_store %arg18[%swap3A_664, %swap3A_665], %add3A_662 {strides = array<i32>} : memref<2x128xf32, #tpu.memory_space<vmem>>, vector<16xf32>,
        %get3A_667 = arith.constant 96 : index
        %get3A_668 = tpu.vector_load %arg11[%get3A_667] {strides = array<i32>} : memref<128xi32, #tpu.memory_space<vmem>>, vector<16xi32>,
        %mul3A_669 = arith.constant 4 : i32
        %mul3A_670 = vector.broadcast %mul3A_669 : i32 to vector<16xi32>
        %mul3A_671 = arith.muli %get3A_668, %mul3A_670 : vector<16xi32>
        %get3A_672 = arith.constant 96 : index
        %get3A_673 = tpu.vector_load %arg12[%get3A_672] {strides = array<i32>} : memref<128xi32, #tpu.memory_space<vmem>>, vector<16xi32>,
        %mul3A_674 = arith.constant 4 : i32
        %mul3A_675 = vector.broadcast %mul3A_674 : i32 to vector<16xi32>
        %mul3A_676 = arith.muli %get3A_673, %mul3A_675 : vector<16xi32>
        %gather3A_677 = tpu.vector_load_idx %arg20[%mul3A_671] : memref<40000xf32, #tpu.memory_space<vmem>>[vector<16xi32>], vector<16xf32>,
        %add3A_678 = arith.constant 2 : i32
        %add3A_679 = vector.broadcast %add3A_678 : i32 to vector<16xi32>
        %add3A_680 = arith.addi %mul3A_676, %add3A_679 : vector<16xi32>
        %gather3A_681 = tpu.vector_load_idx %arg20[%add3A_680] : memref<40000xf32, #tpu.memory_space<vmem>>[vector<16xi32>], vector<16xf32>,
        %add3A_682 = arith.addf %gather3A_677, %gather3A_681 : vector<16xf32>
        %swap3A_683 = arith.constant 0 : i32
        %swap3A_684 = arith.index_cast %swap3A_683 : i32 to index
        %swap3A_685 = arith.constant 96 : index
        %swap3A_686 = tpu.vector_load %arg18[%swap3A_684, %swap3A_685] {strides = array<i32>} : memref<2x128xf32, #tpu.memory_space<vmem>>, vector<16xf32>,
        tpu.vector_store %arg18[%swap3A_684, %swap3A_685], %add3A_682 {strides = array<i32>} : memref<2x128xf32, #tpu.memory_space<vmem>>, vector<16xf32>,
        %add3A_687 = arith.constant 1 : i32
        %add3A_688 = vector.broadcast %add3A_687 : i32 to vector<16xi32>
        %add3A_689 = arith.addi %mul3A_671, %add3A_688 : vector<16xi32>
        %gather3A_690 = tpu.vector_load_idx %arg20[%add3A_689] : memref<40000xf32, #tpu.memory_space<vmem>>[vector<16xi32>], vector<16xf32>,
        %add3A_691 = arith.constant 3 : i32
        %add3A_692 = vector.broadcast %add3A_691 : i32 to vector<16xi32>
        %add3A_693 = arith.addi %mul3A_676, %add3A_692 : vector<16xi32>
        %gather3A_694 = tpu.vector_load_idx %arg20[%add3A_693] : memref<40000xf32, #tpu.memory_space<vmem>>[vector<16xi32>], vector<16xf32>,
        %add3A_695 = arith.addf %gather3A_690, %gather3A_694 : vector<16xf32>
        %swap3A_696 = arith.constant 1 : i32
        %swap3A_697 = arith.index_cast %swap3A_696 : i32 to index
        %swap3A_698 = arith.constant 96 : index
        %swap3A_699 = tpu.vector_load %arg18[%swap3A_697, %swap3A_698] {strides = array<i32>} : memref<2x128xf32, #tpu.memory_space<vmem>>, vector<16xf32>,
        tpu.vector_store %arg18[%swap3A_697, %swap3A_698], %add3A_695 {strides = array<i32>} : memref<2x128xf32, #tpu.memory_space<vmem>>, vector<16xf32>,
        %get3A_700 = arith.constant 112 : index
        %get3A_701 = tpu.vector_load %arg11[%get3A_700] {strides = array<i32>} : memref<128xi32, #tpu.memory_space<vmem>>, vector<16xi32>,
        %mul3A_702 = arith.constant 4 : i32
        %mul3A_703 = vector.broadcast %mul3A_702 : i32 to vector<16xi32>
        %mul3A_704 = arith.muli %get3A_701, %mul3A_703 : vector<16xi32>
        %get3A_705 = arith.constant 112 : index
        %get3A_706 = tpu.vector_load %arg12[%get3A_705] {strides = array<i32>} : memref<128xi32, #tpu.memory_space<vmem>>, vector<16xi32>,
        %mul3A_707 = arith.constant 4 : i32
        %mul3A_708 = vector.broadcast %mul3A_707 : i32 to vector<16xi32>
        %mul3A_709 = arith.muli %get3A_706, %mul3A_708 : vector<16xi32>
        %gather3A_710 = tpu.vector_load_idx %arg20[%mul3A_704] : memref<40000xf32, #tpu.memory_space<vmem>>[vector<16xi32>], vector<16xf32>,
        %add3A_711 = arith.constant 2 : i32
        %add3A_712 = vector.broadcast %add3A_711 : i32 to vector<16xi32>
        %add3A_713 = arith.addi %mul3A_709, %add3A_712 : vector<16xi32>
        %gather3A_714 = tpu.vector_load_idx %arg20[%add3A_713] : memref<40000xf32, #tpu.memory_space<vmem>>[vector<16xi32>], vector<16xf32>,
        %add3A_715 = arith.addf %gather3A_710, %gather3A_714 : vector<16xf32>
        %swap3A_716 = arith.constant 0 : i32
        %swap3A_717 = arith.index_cast %swap3A_716 : i32 to index
        %swap3A_718 = arith.constant 112 : index
        %swap3A_719 = tpu.vector_load %arg18[%swap3A_717, %swap3A_718] {strides = array<i32>} : memref<2x128xf32, #tpu.memory_space<vmem>>, vector<16xf32>,
        tpu.vector_store %arg18[%swap3A_717, %swap3A_718], %add3A_715 {strides = array<i32>} : memref<2x128xf32, #tpu.memory_space<vmem>>, vector<16xf32>,
        %add3A_720 = arith.constant 1 : i32
        %add3A_721 = vector.broadcast %add3A_720 : i32 to vector<16xi32>
        %add3A_722 = arith.addi %mul3A_704, %add3A_721 : vector<16xi32>
        %gather3A_723 = tpu.vector_load_idx %arg20[%add3A_722] : memref<40000xf32, #tpu.memory_space<vmem>>[vector<16xi32>], vector<16xf32>,
        %add3A_724 = arith.constant 3 : i32
        %add3A_725 = vector.broadcast %add3A_724 : i32 to vector<16xi32>
        %add3A_726 = arith.addi %mul3A_709, %add3A_725 : vector<16xi32>
        %gather3A_727 = tpu.vector_load_idx %arg20[%add3A_726] : memref<40000xf32, #tpu.memory_space<vmem>>[vector<16xi32>], vector<16xf32>,
        %add3A_728 = arith.addf %gather3A_723, %gather3A_727 : vector<16xf32>
        %swap3A_729 = arith.constant 1 : i32
        %swap3A_730 = arith.index_cast %swap3A_729 : i32 to index
        %swap3A_731 = arith.constant 112 : index
        %swap3A_732 = tpu.vector_load %arg18[%swap3A_730, %swap3A_731] {strides = array<i32>} : memref<2x128xf32, #tpu.memory_space<vmem>>, vector<16xf32>,
        tpu.vector_store %arg18[%swap3A_730, %swap3A_731], %add3A_728 {strides = array<i32>} : memref<2x128xf32, #tpu.memory_space<vmem>>, vector<16xf32>,
        %mul3A_733 = arith.constant 32 : i32
        %mul3A_734 = arith.muli %sub3A_468, %mul3A_733 : i32
        %add3A_735 = arith.addi %add3A, %mul3A_734 : i32
        %mul3A_736 = arith.constant 128 : i32
        %mul3A_737 = arith.muli %add3A_735, %mul3A_736 : i32
        %dma_start3A_738 = arith.constant 0 : i32
        %dma_start3A_739 = tpu.memref_slice %arg8[%dma_start3A_738, %mul3A_737] : memref<2x320000xf32, #tpu.memory_space<hbm>> -> memref<2x128xf32, #tpu.memory_space<hbm>>
        %dma_start3A_740 = arith.constant 0 : i32
        %dma_start3A_741 = tpu.memref_slice %arg8[%dma_start3A_740, %mul3A_737] : memref<2x320000xf32, #tpu.memory_space<hbm>> -> memref<2x128xf32, #tpu.memory_space<hbm>>
        tpu.enqueue_dma source(%arg18 : memref<2x128xf32, #tpu.memory_space<vmem>>) target(%dma_start3A_741 : memref<2x128xf32, #tpu.memory_space<hbm>>) target_semaphore(%arg28 : memref<!tpu.dma_semaphore, #tpu.memory_space<semaphore_mem>>)
        %mul3A_742 = arith.constant 32 : i32
        %mul3A_743 = arith.muli %sub3A_468, %mul3A_742 : i32
        %add3A_744 = arith.addi %add3A, %mul3A_743 : i32
        %mul3A_745 = arith.constant 128 : i32
        %mul3A_746 = arith.muli %add3A_744, %mul3A_745 : i32
        %dma_wait3A_747 = arith.constant 0 : i32
        %dma_wait3A_748 = tpu.memref_slice %arg5[%mul3A_746, %dma_wait3A_747] : memref<320000x16xf32, #tpu.memory_space<hbm>> -> memref<128x16xf32, #tpu.memory_space<hbm>>
        %dma_wait3A_749 = arith.constant 0 : i32
        %dma_wait3A_750 = tpu.memref_slice %arg5[%mul3A_746, %dma_wait3A_749] : memref<320000x16xf32, #tpu.memory_space<hbm>> -> memref<128x16xf32, #tpu.memory_space<hbm>>
        tpu.wait_dma2 semaphore(%arg29 : memref<!tpu.dma_semaphore, #tpu.memory_space<semaphore_mem>>) src(%dma_wait3A_750 : memref<128x16xf32, #tpu.memory_space<hbm>>) dst(%arg19 : memref<128x16xf32, #tpu.memory_space<vmem>>)
        %mul3A_751 = arith.constant 32 : i32
        %mul3A_752 = arith.muli %sub3A_468, %mul3A_751 : i32
        %add3A_753 = arith.addi %add3A, %mul3A_752 : i32
        %mul3A_754 = arith.constant 128 : i32
        %mul3A_755 = arith.muli %add3A_753, %mul3A_754 : i32
        %dma_start3A_756 = arith.constant 256 : i32
        %dma_start3A_757 = tpu.memref_slice %arg7[%mul3A_755, %dma_start3A_756] : memref<320000x272xf32, #tpu.memory_space<hbm>> -> memref<128x16xf32, #tpu.memory_space<hbm>>
        %dma_start3A_758 = arith.constant 256 : i32
        %dma_start3A_759 = tpu.memref_slice %arg7[%mul3A_755, %dma_start3A_758] : memref<320000x272xf32, #tpu.memory_space<hbm>> -> memref<128x16xf32, #tpu.memory_space<hbm>>
        tpu.enqueue_dma source(%arg19 : memref<128x16xf32, #tpu.memory_space<vmem>>) target(%dma_start3A_759 : memref<128x16xf32, #tpu.memory_space<hbm>>) target_semaphore(%arg30 : memref<!tpu.dma_semaphore, #tpu.memory_space<semaphore_mem>>)
        %dma_wait3A_760 = arith.constant 0 : i32
        %dma_wait3A_761 = arith.constant 0 : i32
        %dma_wait3A_762 = tpu.memref_slice %arg4[%dma_wait3A_760, %dma_wait3A_761] : memref<10000x128xf32, #tpu.memory_space<hbm>> -> memref<10000x128xf32, #tpu.memory_space<hbm>>
        tpu.wait_indirect_dma semaphore(%arg24 : memref<!tpu.dma_semaphore, #tpu.memory_space<semaphore_mem>>) src(%dma_wait3A_762 : memref<10000x128xf32, #tpu.memory_space<hbm>>) dst(%arg14 : memref<128x128xf32, #tpu.memory_space<vmem>>)
        %dma_start3A_763 = arith.constant 0 : i32
        %dma_start3A_764 = tpu.memref_slice %arg7[%mul3A_737, %dma_start3A_763] : memref<320000x272xf32, #tpu.memory_space<hbm>> -> memref<128x128xf32, #tpu.memory_space<hbm>>
        %dma_start3A_765 = arith.constant 0 : i32
        %dma_start3A_766 = tpu.memref_slice %arg7[%mul3A_737, %dma_start3A_765] : memref<320000x272xf32, #tpu.memory_space<hbm>> -> memref<128x128xf32, #tpu.memory_space<hbm>>
        tpu.enqueue_dma source(%arg14 : memref<128x128xf32, #tpu.memory_space<vmem>>) target(%dma_start3A_766 : memref<128x128xf32, #tpu.memory_space<hbm>>) target_semaphore(%arg28 : memref<!tpu.dma_semaphore, #tpu.memory_space<semaphore_mem>>)
        %dma_wait3A_767 = arith.constant 0 : i32
        %dma_wait3A_768 = arith.constant 0 : i32
        %dma_wait3A_769 = tpu.memref_slice %arg4[%dma_wait3A_767, %dma_wait3A_768] : memref<10000x128xf32, #tpu.memory_space<hbm>> -> memref<10000x128xf32, #tpu.memory_space<hbm>>
        tpu.wait_indirect_dma semaphore(%arg26 : memref<!tpu.dma_semaphore, #tpu.memory_space<semaphore_mem>>) src(%dma_wait3A_769 : memref<10000x128xf32, #tpu.memory_space<hbm>>) dst(%arg16 : memref<128x128xf32, #tpu.memory_space<vmem>>)
        %dma_start3A_770 = arith.constant 128 : i32
        %dma_start3A_771 = tpu.memref_slice %arg7[%mul3A_737, %dma_start3A_770] : memref<320000x272xf32, #tpu.memory_space<hbm>> -> memref<128x128xf32, #tpu.memory_space<hbm>>
        %dma_start3A_772 = arith.constant 128 : i32
        %dma_start3A_773 = tpu.memref_slice %arg7[%mul3A_737, %dma_start3A_772] : memref<320000x272xf32, #tpu.memory_space<hbm>> -> memref<128x128xf32, #tpu.memory_space<hbm>>
        tpu.enqueue_dma source(%arg16 : memref<128x128xf32, #tpu.memory_space<vmem>>) target(%dma_start3A_773 : memref<128x128xf32, #tpu.memory_space<hbm>>) target_semaphore(%arg28 : memref<!tpu.dma_semaphore, #tpu.memory_space<semaphore_mem>>)
      } else {
      }
      %mul3A_377 = arith.constant 32 : i32
      %mul3A_378 = arith.muli %add3A_367, %mul3A_377 : i32
      %add3A_379 = arith.addi %add3A, %mul3A_378 : i32
      %mul3A_380 = arith.constant 128 : i32
      %mul3A_381 = arith.muli %add3A_379, %mul3A_380 : i32
      %dma_wait3A_382 = tpu.memref_slice %arg2[%mul3A_381] : memref<320000xi32, #tpu.memory_space<hbm>> -> memref<128xi32, #tpu.memory_space<hbm>>
      %dma_wait3A_383 = tpu.memref_slice %arg2[%mul3A_381] : memref<320000xi32, #tpu.memory_space<hbm>> -> memref<128xi32, #tpu.memory_space<hbm>>
      tpu.wait_dma2 semaphore(%arg21 : memref<!tpu.dma_semaphore, #tpu.memory_space<semaphore_mem>>) src(%dma_wait3A_383 : memref<128xi32, #tpu.memory_space<hbm>>) dst(%arg9 : memref<128xi32, #tpu.memory_space<vmem>>)
      %dma_wait3A_384 = tpu.memref_slice %arg3[%mul3A_381] : memref<320000xi32, #tpu.memory_space<hbm>> -> memref<128xi32, #tpu.memory_space<hbm>>
      %dma_wait3A_385 = tpu.memref_slice %arg3[%mul3A_381] : memref<320000xi32, #tpu.memory_space<hbm>> -> memref<128xi32, #tpu.memory_space<hbm>>
      tpu.wait_dma2 semaphore(%arg21 : memref<!tpu.dma_semaphore, #tpu.memory_space<semaphore_mem>>) src(%dma_wait3A_385 : memref<128xi32, #tpu.memory_space<hbm>>) dst(%arg10 : memref<128xi32, #tpu.memory_space<vmem>>)
      %dma_start3A_386 = arith.constant 0 : i32
      %dma_start3A_387 = arith.constant 0 : i32
      %dma_start3A_388 = tpu.memref_slice %arg4[%dma_start3A_386, %dma_start3A_387] : memref<10000x128xf32, #tpu.memory_space<hbm>> -> memref<10000x128xf32, #tpu.memory_space<hbm>>
      tpu.enqueue_indirect_dma source(%dma_start3A_388 : memref<10000x128xf32, #tpu.memory_space<hbm>>) target(%arg13 : memref<128x128xf32, #tpu.memory_space<vmem>>) offsets(%arg9 : memref<128xi32, #tpu.memory_space<vmem>>) semaphore(%arg23 : memref<!tpu.dma_semaphore, #tpu.memory_space<semaphore_mem>>)
      %dma_start3A_389 = arith.constant 0 : i32
      %dma_start3A_390 = arith.constant 0 : i32
      %dma_start3A_391 = tpu.memref_slice %arg4[%dma_start3A_389, %dma_start3A_390] : memref<10000x128xf32, #tpu.memory_space<hbm>> -> memref<10000x128xf32, #tpu.memory_space<hbm>>
      tpu.enqueue_indirect_dma source(%dma_start3A_391 : memref<10000x128xf32, #tpu.memory_space<hbm>>) target(%arg15 : memref<128x128xf32, #tpu.memory_space<vmem>>) offsets(%arg10 : memref<128xi32, #tpu.memory_space<vmem>>) semaphore(%arg25 : memref<!tpu.dma_semaphore, #tpu.memory_space<semaphore_mem>>)
      %add3A_392 = arith.constant 1 : i32
      %add3A_393 = arith.addi %add3A_367, %add3A_392 : i32
      %lt3A_394 = arith.constant 78 : i32
      %lt3A_395 = arith.cmpi slt, %add3A_393, %lt3A_394 : i32
      %lt3A_396 = arith.constant 4 : i32
      %lt3A_397 = arith.cmpi slt, %add3A, %lt3A_396 : i32
      %or3A = arith.ori %lt3A_395, %lt3A_397 : i1
      %convert_element_type3A_398 = arith.extui %or3A : i1 to i32
      %cond3A_399 = arith.constant 0 : i32
      %cond3A_400 = arith.cmpi ne, %convert_element_type3A_398, %cond3A_399 : i32
      scf.if %cond3A_400 {
        %add3A_468 = arith.constant 1 : i32
        %add3A_469 = arith.addi %add3A_367, %add3A_468 : i32
        %mul3A_470 = arith.constant 32 : i32
        %mul3A_471 = arith.muli %add3A_469, %mul3A_470 : i32
        %add3A_472 = arith.addi %add3A, %mul3A_471 : i32
        %mul3A_473 = arith.constant 128 : i32
        %mul3A_474 = arith.muli %add3A_472, %mul3A_473 : i32
        %dma_start3A_475 = tpu.memref_slice %arg2[%mul3A_474] : memref<320000xi32, #tpu.memory_space<hbm>> -> memref<128xi32, #tpu.memory_space<hbm>>
        %dma_start3A_476 = tpu.memref_slice %arg2[%mul3A_474] : memref<320000xi32, #tpu.memory_space<hbm>> -> memref<128xi32, #tpu.memory_space<hbm>>
        tpu.enqueue_dma source(%dma_start3A_476 : memref<128xi32, #tpu.memory_space<hbm>>) target(%arg11 : memref<128xi32, #tpu.memory_space<vmem>>) target_semaphore(%arg22 : memref<!tpu.dma_semaphore, #tpu.memory_space<semaphore_mem>>)
        %dma_start3A_477 = tpu.memref_slice %arg3[%mul3A_474] : memref<320000xi32, #tpu.memory_space<hbm>> -> memref<128xi32, #tpu.memory_space<hbm>>
        %dma_start3A_478 = tpu.memref_slice %arg3[%mul3A_474] : memref<320000xi32, #tpu.memory_space<hbm>> -> memref<128xi32, #tpu.memory_space<hbm>>
        tpu.enqueue_dma source(%dma_start3A_478 : memref<128xi32, #tpu.memory_space<hbm>>) target(%arg12 : memref<128xi32, #tpu.memory_space<vmem>>) target_semaphore(%arg22 : memref<!tpu.dma_semaphore, #tpu.memory_space<semaphore_mem>>)
      } else {
      }
      %ge3A_401 = arith.constant 1 : i32
      %ge3A_402 = arith.cmpi sge, %add3A_367, %ge3A_401 : i32
      %convert_element_type3A_403 = arith.extui %ge3A_402 : i1 to i32
      %cond3A_404 = arith.constant 0 : i32
      %cond3A_405 = arith.cmpi ne, %convert_element_type3A_403, %cond3A_404 : i32
      scf.if %cond3A_405 {
        %sub3A = arith.constant 1 : i32
        %sub3A_468 = arith.subi %add3A_367, %sub3A : i32
        %mul3A_469 = arith.constant 32 : i32
        %mul3A_470 = arith.muli %sub3A_468, %mul3A_469 : i32
        %add3A_471 = arith.addi %add3A, %mul3A_470 : i32
        %mul3A_472 = arith.constant 128 : i32
        %mul3A_473 = arith.muli %add3A_471, %mul3A_472 : i32
        %dma_wait3A_474 = arith.constant 256 : i32
        %dma_wait3A_475 = tpu.memref_slice %arg7[%mul3A_473, %dma_wait3A_474] : memref<320000x272xf32, #tpu.memory_space<hbm>> -> memref<128x16xf32, #tpu.memory_space<hbm>>
        %dma_wait3A_476 = arith.constant 256 : i32
        %dma_wait3A_477 = tpu.memref_slice %arg7[%mul3A_473, %dma_wait3A_476] : memref<320000x272xf32, #tpu.memory_space<hbm>> -> memref<128x16xf32, #tpu.memory_space<hbm>>
        tpu.wait_dma2 semaphore(%arg30 : memref<!tpu.dma_semaphore, #tpu.memory_space<semaphore_mem>>) src(%arg19 : memref<128x16xf32, #tpu.memory_space<vmem>>) dst(%dma_wait3A_477 : memref<128x16xf32, #tpu.memory_space<hbm>>)
      } else {
      }
      %mul3A_406 = arith.constant 32 : i32
      %mul3A_407 = arith.muli %add3A_367, %mul3A_406 : i32
      %add3A_408 = arith.addi %add3A, %mul3A_407 : i32
      %mul3A_409 = arith.constant 128 : i32
      %mul3A_410 = arith.muli %add3A_408, %mul3A_409 : i32
      %dma_start3A_411 = arith.constant 0 : i32
      %dma_start3A_412 = tpu.memref_slice %arg5[%mul3A_410, %dma_start3A_411] : memref<320000x16xf32, #tpu.memory_space<hbm>> -> memref<128x16xf32, #tpu.memory_space<hbm>>
      %dma_start3A_413 = arith.constant 0 : i32
      %dma_start3A_414 = tpu.memref_slice %arg5[%mul3A_410, %dma_start3A_413] : memref<320000x16xf32, #tpu.memory_space<hbm>> -> memref<128x16xf32, #tpu.memory_space<hbm>>
      tpu.enqueue_dma source(%dma_start3A_414 : memref<128x16xf32, #tpu.memory_space<hbm>>) target(%arg19 : memref<128x16xf32, #tpu.memory_space<vmem>>) target_semaphore(%arg29 : memref<!tpu.dma_semaphore, #tpu.memory_space<semaphore_mem>>)
      %mul3A_415 = arith.constant 2 : i32
      %mul3A_416 = arith.muli %scan3A_363, %mul3A_415 : i32
      %add3A_417 = arith.constant 1 : i32
      %add3A_418 = arith.addi %mul3A_416, %add3A_417 : i32
      %ge3A_419 = arith.constant 2 : i32
      %ge3A_420 = arith.cmpi sge, %add3A_418, %ge3A_419 : i32
      %convert_element_type3A_421 = arith.extui %ge3A_420 : i1 to i32
      %cond3A_422 = arith.constant 0 : i32
      %cond3A_423 = arith.cmpi ne, %convert_element_type3A_421, %cond3A_422 : i32
      scf.if %cond3A_423 {
        %sub3A = arith.constant 2 : i32
        %sub3A_468 = arith.subi %add3A_418, %sub3A : i32
        %mul3A_469 = arith.constant 32 : i32
        %mul3A_470 = arith.muli %sub3A_468, %mul3A_469 : i32
        %add3A_471 = arith.addi %add3A, %mul3A_470 : i32
        %mul3A_472 = arith.constant 128 : i32
        %mul3A_473 = arith.muli %add3A_471, %mul3A_472 : i32
        %dma_wait3A_474 = arith.constant 0 : i32
        %dma_wait3A_475 = tpu.memref_slice %arg7[%mul3A_473, %dma_wait3A_474] : memref<320000x272xf32, #tpu.memory_space<hbm>> -> memref<128x128xf32, #tpu.memory_space<hbm>>
        %dma_wait3A_476 = arith.constant 0 : i32
        %dma_wait3A_477 = tpu.memref_slice %arg7[%mul3A_473, %dma_wait3A_476] : memref<320000x272xf32, #tpu.memory_space<hbm>> -> memref<128x128xf32, #tpu.memory_space<hbm>>
        tpu.wait_dma2 semaphore(%arg28 : memref<!tpu.dma_semaphore, #tpu.memory_space<semaphore_mem>>) src(%arg14 : memref<128x128xf32, #tpu.memory_space<vmem>>) dst(%dma_wait3A_477 : memref<128x128xf32, #tpu.memory_space<hbm>>)
        %dma_wait3A_478 = arith.constant 128 : i32
        %dma_wait3A_479 = tpu.memref_slice %arg7[%mul3A_473, %dma_wait3A_478] : memref<320000x272xf32, #tpu.memory_space<hbm>> -> memref<128x128xf32, #tpu.memory_space<hbm>>
        %dma_wait3A_480 = arith.constant 128 : i32
        %dma_wait3A_481 = tpu.memref_slice %arg7[%mul3A_473, %dma_wait3A_480] : memref<320000x272xf32, #tpu.memory_space<hbm>> -> memref<128x128xf32, #tpu.memory_space<hbm>>
        tpu.wait_dma2 semaphore(%arg28 : memref<!tpu.dma_semaphore, #tpu.memory_space<semaphore_mem>>) src(%arg16 : memref<128x128xf32, #tpu.memory_space<vmem>>) dst(%dma_wait3A_481 : memref<128x128xf32, #tpu.memory_space<hbm>>)
        %dma_wait3A_482 = arith.constant 0 : i32
        %dma_wait3A_483 = tpu.memref_slice %arg8[%dma_wait3A_482, %mul3A_473] : memref<2x320000xf32, #tpu.memory_space<hbm>> -> memref<2x128xf32, #tpu.memory_space<hbm>>
        %dma_wait3A_484 = arith.constant 0 : i32
        %dma_wait3A_485 = tpu.memref_slice %arg8[%dma_wait3A_484, %mul3A_473] : memref<2x320000xf32, #tpu.memory_space<hbm>> -> memref<2x128xf32, #tpu.memory_space<hbm>>
        tpu.wait_dma2 semaphore(%arg28 : memref<!tpu.dma_semaphore, #tpu.memory_space<semaphore_mem>>) src(%arg18 : memref<2x128xf32, #tpu.memory_space<vmem>>) dst(%dma_wait3A_485 : memref<2x128xf32, #tpu.memory_space<hbm>>)
      } else {
      }
      %ge3A_424 = arith.constant 1 : i32
      %ge3A_425 = arith.cmpi sge, %add3A_418, %ge3A_424 : i32
      %convert_element_type3A_426 = arith.extui %ge3A_425 : i1 to i32
      %cond3A_427 = arith.constant 0 : i32
      %cond3A_428 = arith.cmpi ne, %convert_element_type3A_426, %cond3A_427 : i32
      scf.if %cond3A_428 {
        %sub3A = arith.constant 1 : i32
        %sub3A_468 = arith.subi %add3A_418, %sub3A : i32
        %get3A_469 = arith.constant 0 : index
        %get3A_470 = tpu.vector_load %arg9[%get3A_469] {strides = array<i32>} : memref<128xi32, #tpu.memory_space<vmem>>, vector<16xi32>,
        %mul3A_471 = arith.constant 4 : i32
        %mul3A_472 = vector.broadcast %mul3A_471 : i32 to vector<16xi32>
        %mul3A_473 = arith.muli %get3A_470, %mul3A_472 : vector<16xi32>
        %get3A_474 = arith.constant 0 : index
        %get3A_475 = tpu.vector_load %arg10[%get3A_474] {strides = array<i32>} : memref<128xi32, #tpu.memory_space<vmem>>, vector<16xi32>,
        %mul3A_476 = arith.constant 4 : i32
        %mul3A_477 = vector.broadcast %mul3A_476 : i32 to vector<16xi32>
        %mul3A_478 = arith.muli %get3A_475, %mul3A_477 : vector<16xi32>
        %gather3A_479 = tpu.vector_load_idx %arg20[%mul3A_473] : memref<40000xf32, #tpu.memory_space<vmem>>[vector<16xi32>], vector<16xf32>,
        %add3A_480 = arith.constant 2 : i32
        %add3A_481 = vector.broadcast %add3A_480 : i32 to vector<16xi32>
        %add3A_482 = arith.addi %mul3A_478, %add3A_481 : vector<16xi32>
        %gather3A_483 = tpu.vector_load_idx %arg20[%add3A_482] : memref<40000xf32, #tpu.memory_space<vmem>>[vector<16xi32>], vector<16xf32>,
        %add3A_484 = arith.addf %gather3A_479, %gather3A_483 : vector<16xf32>
        %swap3A_485 = arith.constant 0 : i32
        %swap3A_486 = arith.index_cast %swap3A_485 : i32 to index
        %swap3A_487 = arith.constant 0 : index
        %swap3A_488 = tpu.vector_load %arg17[%swap3A_486, %swap3A_487] {strides = array<i32>} : memref<2x128xf32, #tpu.memory_space<vmem>>, vector<16xf32>,
        tpu.vector_store %arg17[%swap3A_486, %swap3A_487], %add3A_484 {strides = array<i32>} : memref<2x128xf32, #tpu.memory_space<vmem>>, vector<16xf32>,
        %add3A_489 = arith.constant 1 : i32
        %add3A_490 = vector.broadcast %add3A_489 : i32 to vector<16xi32>
        %add3A_491 = arith.addi %mul3A_473, %add3A_490 : vector<16xi32>
        %gather3A_492 = tpu.vector_load_idx %arg20[%add3A_491] : memref<40000xf32, #tpu.memory_space<vmem>>[vector<16xi32>], vector<16xf32>,
        %add3A_493 = arith.constant 3 : i32
        %add3A_494 = vector.broadcast %add3A_493 : i32 to vector<16xi32>
        %add3A_495 = arith.addi %mul3A_478, %add3A_494 : vector<16xi32>
        %gather3A_496 = tpu.vector_load_idx %arg20[%add3A_495] : memref<40000xf32, #tpu.memory_space<vmem>>[vector<16xi32>], vector<16xf32>,
        %add3A_497 = arith.addf %gather3A_492, %gather3A_496 : vector<16xf32>
        %swap3A_498 = arith.constant 1 : i32
        %swap3A_499 = arith.index_cast %swap3A_498 : i32 to index
        %swap3A_500 = arith.constant 0 : index
        %swap3A_501 = tpu.vector_load %arg17[%swap3A_499, %swap3A_500] {strides = array<i32>} : memref<2x128xf32, #tpu.memory_space<vmem>>, vector<16xf32>,
        tpu.vector_store %arg17[%swap3A_499, %swap3A_500], %add3A_497 {strides = array<i32>} : memref<2x128xf32, #tpu.memory_space<vmem>>, vector<16xf32>,
        %get3A_502 = arith.constant 16 : index
        %get3A_503 = tpu.vector_load %arg9[%get3A_502] {strides = array<i32>} : memref<128xi32, #tpu.memory_space<vmem>>, vector<16xi32>,
        %mul3A_504 = arith.constant 4 : i32
        %mul3A_505 = vector.broadcast %mul3A_504 : i32 to vector<16xi32>
        %mul3A_506 = arith.muli %get3A_503, %mul3A_505 : vector<16xi32>
        %get3A_507 = arith.constant 16 : index
        %get3A_508 = tpu.vector_load %arg10[%get3A_507] {strides = array<i32>} : memref<128xi32, #tpu.memory_space<vmem>>, vector<16xi32>,
        %mul3A_509 = arith.constant 4 : i32
        %mul3A_510 = vector.broadcast %mul3A_509 : i32 to vector<16xi32>
        %mul3A_511 = arith.muli %get3A_508, %mul3A_510 : vector<16xi32>
        %gather3A_512 = tpu.vector_load_idx %arg20[%mul3A_506] : memref<40000xf32, #tpu.memory_space<vmem>>[vector<16xi32>], vector<16xf32>,
        %add3A_513 = arith.constant 2 : i32
        %add3A_514 = vector.broadcast %add3A_513 : i32 to vector<16xi32>
        %add3A_515 = arith.addi %mul3A_511, %add3A_514 : vector<16xi32>
        %gather3A_516 = tpu.vector_load_idx %arg20[%add3A_515] : memref<40000xf32, #tpu.memory_space<vmem>>[vector<16xi32>], vector<16xf32>,
        %add3A_517 = arith.addf %gather3A_512, %gather3A_516 : vector<16xf32>
        %swap3A_518 = arith.constant 0 : i32
        %swap3A_519 = arith.index_cast %swap3A_518 : i32 to index
        %swap3A_520 = arith.constant 16 : index
        %swap3A_521 = tpu.vector_load %arg17[%swap3A_519, %swap3A_520] {strides = array<i32>} : memref<2x128xf32, #tpu.memory_space<vmem>>, vector<16xf32>,
        tpu.vector_store %arg17[%swap3A_519, %swap3A_520], %add3A_517 {strides = array<i32>} : memref<2x128xf32, #tpu.memory_space<vmem>>, vector<16xf32>,
        %add3A_522 = arith.constant 1 : i32
        %add3A_523 = vector.broadcast %add3A_522 : i32 to vector<16xi32>
        %add3A_524 = arith.addi %mul3A_506, %add3A_523 : vector<16xi32>
        %gather3A_525 = tpu.vector_load_idx %arg20[%add3A_524] : memref<40000xf32, #tpu.memory_space<vmem>>[vector<16xi32>], vector<16xf32>,
        %add3A_526 = arith.constant 3 : i32
        %add3A_527 = vector.broadcast %add3A_526 : i32 to vector<16xi32>
        %add3A_528 = arith.addi %mul3A_511, %add3A_527 : vector<16xi32>
        %gather3A_529 = tpu.vector_load_idx %arg20[%add3A_528] : memref<40000xf32, #tpu.memory_space<vmem>>[vector<16xi32>], vector<16xf32>,
        %add3A_530 = arith.addf %gather3A_525, %gather3A_529 : vector<16xf32>
        %swap3A_531 = arith.constant 1 : i32
        %swap3A_532 = arith.index_cast %swap3A_531 : i32 to index
        %swap3A_533 = arith.constant 16 : index
        %swap3A_534 = tpu.vector_load %arg17[%swap3A_532, %swap3A_533] {strides = array<i32>} : memref<2x128xf32, #tpu.memory_space<vmem>>, vector<16xf32>,
        tpu.vector_store %arg17[%swap3A_532, %swap3A_533], %add3A_530 {strides = array<i32>} : memref<2x128xf32, #tpu.memory_space<vmem>>, vector<16xf32>,
        %get3A_535 = arith.constant 32 : index
        %get3A_536 = tpu.vector_load %arg9[%get3A_535] {strides = array<i32>} : memref<128xi32, #tpu.memory_space<vmem>>, vector<16xi32>,
        %mul3A_537 = arith.constant 4 : i32
        %mul3A_538 = vector.broadcast %mul3A_537 : i32 to vector<16xi32>
        %mul3A_539 = arith.muli %get3A_536, %mul3A_538 : vector<16xi32>
        %get3A_540 = arith.constant 32 : index
        %get3A_541 = tpu.vector_load %arg10[%get3A_540] {strides = array<i32>} : memref<128xi32, #tpu.memory_space<vmem>>, vector<16xi32>,
        %mul3A_542 = arith.constant 4 : i32
        %mul3A_543 = vector.broadcast %mul3A_542 : i32 to vector<16xi32>
        %mul3A_544 = arith.muli %get3A_541, %mul3A_543 : vector<16xi32>
        %gather3A_545 = tpu.vector_load_idx %arg20[%mul3A_539] : memref<40000xf32, #tpu.memory_space<vmem>>[vector<16xi32>], vector<16xf32>,
        %add3A_546 = arith.constant 2 : i32
        %add3A_547 = vector.broadcast %add3A_546 : i32 to vector<16xi32>
        %add3A_548 = arith.addi %mul3A_544, %add3A_547 : vector<16xi32>
        %gather3A_549 = tpu.vector_load_idx %arg20[%add3A_548] : memref<40000xf32, #tpu.memory_space<vmem>>[vector<16xi32>], vector<16xf32>,
        %add3A_550 = arith.addf %gather3A_545, %gather3A_549 : vector<16xf32>
        %swap3A_551 = arith.constant 0 : i32
        %swap3A_552 = arith.index_cast %swap3A_551 : i32 to index
        %swap3A_553 = arith.constant 32 : index
        %swap3A_554 = tpu.vector_load %arg17[%swap3A_552, %swap3A_553] {strides = array<i32>} : memref<2x128xf32, #tpu.memory_space<vmem>>, vector<16xf32>,
        tpu.vector_store %arg17[%swap3A_552, %swap3A_553], %add3A_550 {strides = array<i32>} : memref<2x128xf32, #tpu.memory_space<vmem>>, vector<16xf32>,
        %add3A_555 = arith.constant 1 : i32
        %add3A_556 = vector.broadcast %add3A_555 : i32 to vector<16xi32>
        %add3A_557 = arith.addi %mul3A_539, %add3A_556 : vector<16xi32>
        %gather3A_558 = tpu.vector_load_idx %arg20[%add3A_557] : memref<40000xf32, #tpu.memory_space<vmem>>[vector<16xi32>], vector<16xf32>,
        %add3A_559 = arith.constant 3 : i32
        %add3A_560 = vector.broadcast %add3A_559 : i32 to vector<16xi32>
        %add3A_561 = arith.addi %mul3A_544, %add3A_560 : vector<16xi32>
        %gather3A_562 = tpu.vector_load_idx %arg20[%add3A_561] : memref<40000xf32, #tpu.memory_space<vmem>>[vector<16xi32>], vector<16xf32>,
        %add3A_563 = arith.addf %gather3A_558, %gather3A_562 : vector<16xf32>
        %swap3A_564 = arith.constant 1 : i32
        %swap3A_565 = arith.index_cast %swap3A_564 : i32 to index
        %swap3A_566 = arith.constant 32 : index
        %swap3A_567 = tpu.vector_load %arg17[%swap3A_565, %swap3A_566] {strides = array<i32>} : memref<2x128xf32, #tpu.memory_space<vmem>>, vector<16xf32>,
        tpu.vector_store %arg17[%swap3A_565, %swap3A_566], %add3A_563 {strides = array<i32>} : memref<2x128xf32, #tpu.memory_space<vmem>>, vector<16xf32>,
        %get3A_568 = arith.constant 48 : index
        %get3A_569 = tpu.vector_load %arg9[%get3A_568] {strides = array<i32>} : memref<128xi32, #tpu.memory_space<vmem>>, vector<16xi32>,
        %mul3A_570 = arith.constant 4 : i32
        %mul3A_571 = vector.broadcast %mul3A_570 : i32 to vector<16xi32>
        %mul3A_572 = arith.muli %get3A_569, %mul3A_571 : vector<16xi32>
        %get3A_573 = arith.constant 48 : index
        %get3A_574 = tpu.vector_load %arg10[%get3A_573] {strides = array<i32>} : memref<128xi32, #tpu.memory_space<vmem>>, vector<16xi32>,
        %mul3A_575 = arith.constant 4 : i32
        %mul3A_576 = vector.broadcast %mul3A_575 : i32 to vector<16xi32>
        %mul3A_577 = arith.muli %get3A_574, %mul3A_576 : vector<16xi32>
        %gather3A_578 = tpu.vector_load_idx %arg20[%mul3A_572] : memref<40000xf32, #tpu.memory_space<vmem>>[vector<16xi32>], vector<16xf32>,
        %add3A_579 = arith.constant 2 : i32
        %add3A_580 = vector.broadcast %add3A_579 : i32 to vector<16xi32>
        %add3A_581 = arith.addi %mul3A_577, %add3A_580 : vector<16xi32>
        %gather3A_582 = tpu.vector_load_idx %arg20[%add3A_581] : memref<40000xf32, #tpu.memory_space<vmem>>[vector<16xi32>], vector<16xf32>,
        %add3A_583 = arith.addf %gather3A_578, %gather3A_582 : vector<16xf32>
        %swap3A_584 = arith.constant 0 : i32
        %swap3A_585 = arith.index_cast %swap3A_584 : i32 to index
        %swap3A_586 = arith.constant 48 : index
        %swap3A_587 = tpu.vector_load %arg17[%swap3A_585, %swap3A_586] {strides = array<i32>} : memref<2x128xf32, #tpu.memory_space<vmem>>, vector<16xf32>,
        tpu.vector_store %arg17[%swap3A_585, %swap3A_586], %add3A_583 {strides = array<i32>} : memref<2x128xf32, #tpu.memory_space<vmem>>, vector<16xf32>,
        %add3A_588 = arith.constant 1 : i32
        %add3A_589 = vector.broadcast %add3A_588 : i32 to vector<16xi32>
        %add3A_590 = arith.addi %mul3A_572, %add3A_589 : vector<16xi32>
        %gather3A_591 = tpu.vector_load_idx %arg20[%add3A_590] : memref<40000xf32, #tpu.memory_space<vmem>>[vector<16xi32>], vector<16xf32>,
        %add3A_592 = arith.constant 3 : i32
        %add3A_593 = vector.broadcast %add3A_592 : i32 to vector<16xi32>
        %add3A_594 = arith.addi %mul3A_577, %add3A_593 : vector<16xi32>
        %gather3A_595 = tpu.vector_load_idx %arg20[%add3A_594] : memref<40000xf32, #tpu.memory_space<vmem>>[vector<16xi32>], vector<16xf32>,
        %add3A_596 = arith.addf %gather3A_591, %gather3A_595 : vector<16xf32>
        %swap3A_597 = arith.constant 1 : i32
        %swap3A_598 = arith.index_cast %swap3A_597 : i32 to index
        %swap3A_599 = arith.constant 48 : index
        %swap3A_600 = tpu.vector_load %arg17[%swap3A_598, %swap3A_599] {strides = array<i32>} : memref<2x128xf32, #tpu.memory_space<vmem>>, vector<16xf32>,
        tpu.vector_store %arg17[%swap3A_598, %swap3A_599], %add3A_596 {strides = array<i32>} : memref<2x128xf32, #tpu.memory_space<vmem>>, vector<16xf32>,
        %get3A_601 = arith.constant 64 : index
        %get3A_602 = tpu.vector_load %arg9[%get3A_601] {strides = array<i32>} : memref<128xi32, #tpu.memory_space<vmem>>, vector<16xi32>,
        %mul3A_603 = arith.constant 4 : i32
        %mul3A_604 = vector.broadcast %mul3A_603 : i32 to vector<16xi32>
        %mul3A_605 = arith.muli %get3A_602, %mul3A_604 : vector<16xi32>
        %get3A_606 = arith.constant 64 : index
        %get3A_607 = tpu.vector_load %arg10[%get3A_606] {strides = array<i32>} : memref<128xi32, #tpu.memory_space<vmem>>, vector<16xi32>,
        %mul3A_608 = arith.constant 4 : i32
        %mul3A_609 = vector.broadcast %mul3A_608 : i32 to vector<16xi32>
        %mul3A_610 = arith.muli %get3A_607, %mul3A_609 : vector<16xi32>
        %gather3A_611 = tpu.vector_load_idx %arg20[%mul3A_605] : memref<40000xf32, #tpu.memory_space<vmem>>[vector<16xi32>], vector<16xf32>,
        %add3A_612 = arith.constant 2 : i32
        %add3A_613 = vector.broadcast %add3A_612 : i32 to vector<16xi32>
        %add3A_614 = arith.addi %mul3A_610, %add3A_613 : vector<16xi32>
        %gather3A_615 = tpu.vector_load_idx %arg20[%add3A_614] : memref<40000xf32, #tpu.memory_space<vmem>>[vector<16xi32>], vector<16xf32>,
        %add3A_616 = arith.addf %gather3A_611, %gather3A_615 : vector<16xf32>
        %swap3A_617 = arith.constant 0 : i32
        %swap3A_618 = arith.index_cast %swap3A_617 : i32 to index
        %swap3A_619 = arith.constant 64 : index
        %swap3A_620 = tpu.vector_load %arg17[%swap3A_618, %swap3A_619] {strides = array<i32>} : memref<2x128xf32, #tpu.memory_space<vmem>>, vector<16xf32>,
        tpu.vector_store %arg17[%swap3A_618, %swap3A_619], %add3A_616 {strides = array<i32>} : memref<2x128xf32, #tpu.memory_space<vmem>>, vector<16xf32>,
        %add3A_621 = arith.constant 1 : i32
        %add3A_622 = vector.broadcast %add3A_621 : i32 to vector<16xi32>
        %add3A_623 = arith.addi %mul3A_605, %add3A_622 : vector<16xi32>
        %gather3A_624 = tpu.vector_load_idx %arg20[%add3A_623] : memref<40000xf32, #tpu.memory_space<vmem>>[vector<16xi32>], vector<16xf32>,
        %add3A_625 = arith.constant 3 : i32
        %add3A_626 = vector.broadcast %add3A_625 : i32 to vector<16xi32>
        %add3A_627 = arith.addi %mul3A_610, %add3A_626 : vector<16xi32>
        %gather3A_628 = tpu.vector_load_idx %arg20[%add3A_627] : memref<40000xf32, #tpu.memory_space<vmem>>[vector<16xi32>], vector<16xf32>,
        %add3A_629 = arith.addf %gather3A_624, %gather3A_628 : vector<16xf32>
        %swap3A_630 = arith.constant 1 : i32
        %swap3A_631 = arith.index_cast %swap3A_630 : i32 to index
        %swap3A_632 = arith.constant 64 : index
        %swap3A_633 = tpu.vector_load %arg17[%swap3A_631, %swap3A_632] {strides = array<i32>} : memref<2x128xf32, #tpu.memory_space<vmem>>, vector<16xf32>,
        tpu.vector_store %arg17[%swap3A_631, %swap3A_632], %add3A_629 {strides = array<i32>} : memref<2x128xf32, #tpu.memory_space<vmem>>, vector<16xf32>,
        %get3A_634 = arith.constant 80 : index
        %get3A_635 = tpu.vector_load %arg9[%get3A_634] {strides = array<i32>} : memref<128xi32, #tpu.memory_space<vmem>>, vector<16xi32>,
        %mul3A_636 = arith.constant 4 : i32
        %mul3A_637 = vector.broadcast %mul3A_636 : i32 to vector<16xi32>
        %mul3A_638 = arith.muli %get3A_635, %mul3A_637 : vector<16xi32>
        %get3A_639 = arith.constant 80 : index
        %get3A_640 = tpu.vector_load %arg10[%get3A_639] {strides = array<i32>} : memref<128xi32, #tpu.memory_space<vmem>>, vector<16xi32>,
        %mul3A_641 = arith.constant 4 : i32
        %mul3A_642 = vector.broadcast %mul3A_641 : i32 to vector<16xi32>
        %mul3A_643 = arith.muli %get3A_640, %mul3A_642 : vector<16xi32>
        %gather3A_644 = tpu.vector_load_idx %arg20[%mul3A_638] : memref<40000xf32, #tpu.memory_space<vmem>>[vector<16xi32>], vector<16xf32>,
        %add3A_645 = arith.constant 2 : i32
        %add3A_646 = vector.broadcast %add3A_645 : i32 to vector<16xi32>
        %add3A_647 = arith.addi %mul3A_643, %add3A_646 : vector<16xi32>
        %gather3A_648 = tpu.vector_load_idx %arg20[%add3A_647] : memref<40000xf32, #tpu.memory_space<vmem>>[vector<16xi32>], vector<16xf32>,
        %add3A_649 = arith.addf %gather3A_644, %gather3A_648 : vector<16xf32>
        %swap3A_650 = arith.constant 0 : i32
        %swap3A_651 = arith.index_cast %swap3A_650 : i32 to index
        %swap3A_652 = arith.constant 80 : index
        %swap3A_653 = tpu.vector_load %arg17[%swap3A_651, %swap3A_652] {strides = array<i32>} : memref<2x128xf32, #tpu.memory_space<vmem>>, vector<16xf32>,
        tpu.vector_store %arg17[%swap3A_651, %swap3A_652], %add3A_649 {strides = array<i32>} : memref<2x128xf32, #tpu.memory_space<vmem>>, vector<16xf32>,
        %add3A_654 = arith.constant 1 : i32
        %add3A_655 = vector.broadcast %add3A_654 : i32 to vector<16xi32>
        %add3A_656 = arith.addi %mul3A_638, %add3A_655 : vector<16xi32>
        %gather3A_657 = tpu.vector_load_idx %arg20[%add3A_656] : memref<40000xf32, #tpu.memory_space<vmem>>[vector<16xi32>], vector<16xf32>,
        %add3A_658 = arith.constant 3 : i32
        %add3A_659 = vector.broadcast %add3A_658 : i32 to vector<16xi32>
        %add3A_660 = arith.addi %mul3A_643, %add3A_659 : vector<16xi32>
        %gather3A_661 = tpu.vector_load_idx %arg20[%add3A_660] : memref<40000xf32, #tpu.memory_space<vmem>>[vector<16xi32>], vector<16xf32>,
        %add3A_662 = arith.addf %gather3A_657, %gather3A_661 : vector<16xf32>
        %swap3A_663 = arith.constant 1 : i32
        %swap3A_664 = arith.index_cast %swap3A_663 : i32 to index
        %swap3A_665 = arith.constant 80 : index
        %swap3A_666 = tpu.vector_load %arg17[%swap3A_664, %swap3A_665] {strides = array<i32>} : memref<2x128xf32, #tpu.memory_space<vmem>>, vector<16xf32>,
        tpu.vector_store %arg17[%swap3A_664, %swap3A_665], %add3A_662 {strides = array<i32>} : memref<2x128xf32, #tpu.memory_space<vmem>>, vector<16xf32>,
        %get3A_667 = arith.constant 96 : index
        %get3A_668 = tpu.vector_load %arg9[%get3A_667] {strides = array<i32>} : memref<128xi32, #tpu.memory_space<vmem>>, vector<16xi32>,
        %mul3A_669 = arith.constant 4 : i32
        %mul3A_670 = vector.broadcast %mul3A_669 : i32 to vector<16xi32>
        %mul3A_671 = arith.muli %get3A_668, %mul3A_670 : vector<16xi32>
        %get3A_672 = arith.constant 96 : index
        %get3A_673 = tpu.vector_load %arg10[%get3A_672] {strides = array<i32>} : memref<128xi32, #tpu.memory_space<vmem>>, vector<16xi32>,
        %mul3A_674 = arith.constant 4 : i32
        %mul3A_675 = vector.broadcast %mul3A_674 : i32 to vector<16xi32>
        %mul3A_676 = arith.muli %get3A_673, %mul3A_675 : vector<16xi32>
        %gather3A_677 = tpu.vector_load_idx %arg20[%mul3A_671] : memref<40000xf32, #tpu.memory_space<vmem>>[vector<16xi32>], vector<16xf32>,
        %add3A_678 = arith.constant 2 : i32
        %add3A_679 = vector.broadcast %add3A_678 : i32 to vector<16xi32>
        %add3A_680 = arith.addi %mul3A_676, %add3A_679 : vector<16xi32>
        %gather3A_681 = tpu.vector_load_idx %arg20[%add3A_680] : memref<40000xf32, #tpu.memory_space<vmem>>[vector<16xi32>], vector<16xf32>,
        %add3A_682 = arith.addf %gather3A_677, %gather3A_681 : vector<16xf32>
        %swap3A_683 = arith.constant 0 : i32
        %swap3A_684 = arith.index_cast %swap3A_683 : i32 to index
        %swap3A_685 = arith.constant 96 : index
        %swap3A_686 = tpu.vector_load %arg17[%swap3A_684, %swap3A_685] {strides = array<i32>} : memref<2x128xf32, #tpu.memory_space<vmem>>, vector<16xf32>,
        tpu.vector_store %arg17[%swap3A_684, %swap3A_685], %add3A_682 {strides = array<i32>} : memref<2x128xf32, #tpu.memory_space<vmem>>, vector<16xf32>,
        %add3A_687 = arith.constant 1 : i32
        %add3A_688 = vector.broadcast %add3A_687 : i32 to vector<16xi32>
        %add3A_689 = arith.addi %mul3A_671, %add3A_688 : vector<16xi32>
        %gather3A_690 = tpu.vector_load_idx %arg20[%add3A_689] : memref<40000xf32, #tpu.memory_space<vmem>>[vector<16xi32>], vector<16xf32>,
        %add3A_691 = arith.constant 3 : i32
        %add3A_692 = vector.broadcast %add3A_691 : i32 to vector<16xi32>
        %add3A_693 = arith.addi %mul3A_676, %add3A_692 : vector<16xi32>
        %gather3A_694 = tpu.vector_load_idx %arg20[%add3A_693] : memref<40000xf32, #tpu.memory_space<vmem>>[vector<16xi32>], vector<16xf32>,
        %add3A_695 = arith.addf %gather3A_690, %gather3A_694 : vector<16xf32>
        %swap3A_696 = arith.constant 1 : i32
        %swap3A_697 = arith.index_cast %swap3A_696 : i32 to index
        %swap3A_698 = arith.constant 96 : index
        %swap3A_699 = tpu.vector_load %arg17[%swap3A_697, %swap3A_698] {strides = array<i32>} : memref<2x128xf32, #tpu.memory_space<vmem>>, vector<16xf32>,
        tpu.vector_store %arg17[%swap3A_697, %swap3A_698], %add3A_695 {strides = array<i32>} : memref<2x128xf32, #tpu.memory_space<vmem>>, vector<16xf32>,
        %get3A_700 = arith.constant 112 : index
        %get3A_701 = tpu.vector_load %arg9[%get3A_700] {strides = array<i32>} : memref<128xi32, #tpu.memory_space<vmem>>, vector<16xi32>,
        %mul3A_702 = arith.constant 4 : i32
        %mul3A_703 = vector.broadcast %mul3A_702 : i32 to vector<16xi32>
        %mul3A_704 = arith.muli %get3A_701, %mul3A_703 : vector<16xi32>
        %get3A_705 = arith.constant 112 : index
        %get3A_706 = tpu.vector_load %arg10[%get3A_705] {strides = array<i32>} : memref<128xi32, #tpu.memory_space<vmem>>, vector<16xi32>,
        %mul3A_707 = arith.constant 4 : i32
        %mul3A_708 = vector.broadcast %mul3A_707 : i32 to vector<16xi32>
        %mul3A_709 = arith.muli %get3A_706, %mul3A_708 : vector<16xi32>
        %gather3A_710 = tpu.vector_load_idx %arg20[%mul3A_704] : memref<40000xf32, #tpu.memory_space<vmem>>[vector<16xi32>], vector<16xf32>,
        %add3A_711 = arith.constant 2 : i32
        %add3A_712 = vector.broadcast %add3A_711 : i32 to vector<16xi32>
        %add3A_713 = arith.addi %mul3A_709, %add3A_712 : vector<16xi32>
        %gather3A_714 = tpu.vector_load_idx %arg20[%add3A_713] : memref<40000xf32, #tpu.memory_space<vmem>>[vector<16xi32>], vector<16xf32>,
        %add3A_715 = arith.addf %gather3A_710, %gather3A_714 : vector<16xf32>
        %swap3A_716 = arith.constant 0 : i32
        %swap3A_717 = arith.index_cast %swap3A_716 : i32 to index
        %swap3A_718 = arith.constant 112 : index
        %swap3A_719 = tpu.vector_load %arg17[%swap3A_717, %swap3A_718] {strides = array<i32>} : memref<2x128xf32, #tpu.memory_space<vmem>>, vector<16xf32>,
        tpu.vector_store %arg17[%swap3A_717, %swap3A_718], %add3A_715 {strides = array<i32>} : memref<2x128xf32, #tpu.memory_space<vmem>>, vector<16xf32>,
        %add3A_720 = arith.constant 1 : i32
        %add3A_721 = vector.broadcast %add3A_720 : i32 to vector<16xi32>
        %add3A_722 = arith.addi %mul3A_704, %add3A_721 : vector<16xi32>
        %gather3A_723 = tpu.vector_load_idx %arg20[%add3A_722] : memref<40000xf32, #tpu.memory_space<vmem>>[vector<16xi32>], vector<16xf32>,
        %add3A_724 = arith.constant 3 : i32
        %add3A_725 = vector.broadcast %add3A_724 : i32 to vector<16xi32>
        %add3A_726 = arith.addi %mul3A_709, %add3A_725 : vector<16xi32>
        %gather3A_727 = tpu.vector_load_idx %arg20[%add3A_726] : memref<40000xf32, #tpu.memory_space<vmem>>[vector<16xi32>], vector<16xf32>,
        %add3A_728 = arith.addf %gather3A_723, %gather3A_727 : vector<16xf32>
        %swap3A_729 = arith.constant 1 : i32
        %swap3A_730 = arith.index_cast %swap3A_729 : i32 to index
        %swap3A_731 = arith.constant 112 : index
        %swap3A_732 = tpu.vector_load %arg17[%swap3A_730, %swap3A_731] {strides = array<i32>} : memref<2x128xf32, #tpu.memory_space<vmem>>, vector<16xf32>,
        tpu.vector_store %arg17[%swap3A_730, %swap3A_731], %add3A_728 {strides = array<i32>} : memref<2x128xf32, #tpu.memory_space<vmem>>, vector<16xf32>,
        %mul3A_733 = arith.constant 32 : i32
        %mul3A_734 = arith.muli %sub3A_468, %mul3A_733 : i32
        %add3A_735 = arith.addi %add3A, %mul3A_734 : i32
        %mul3A_736 = arith.constant 128 : i32
        %mul3A_737 = arith.muli %add3A_735, %mul3A_736 : i32
        %dma_start3A_738 = arith.constant 0 : i32
        %dma_start3A_739 = tpu.memref_slice %arg8[%dma_start3A_738, %mul3A_737] : memref<2x320000xf32, #tpu.memory_space<hbm>> -> memref<2x128xf32, #tpu.memory_space<hbm>>
        %dma_start3A_740 = arith.constant 0 : i32
        %dma_start3A_741 = tpu.memref_slice %arg8[%dma_start3A_740, %mul3A_737] : memref<2x320000xf32, #tpu.memory_space<hbm>> -> memref<2x128xf32, #tpu.memory_space<hbm>>
        tpu.enqueue_dma source(%arg17 : memref<2x128xf32, #tpu.memory_space<vmem>>) target(%dma_start3A_741 : memref<2x128xf32, #tpu.memory_space<hbm>>) target_semaphore(%arg27 : memref<!tpu.dma_semaphore, #tpu.memory_space<semaphore_mem>>)
        %mul3A_742 = arith.constant 32 : i32
        %mul3A_743 = arith.muli %sub3A_468, %mul3A_742 : i32
        %add3A_744 = arith.addi %add3A, %mul3A_743 : i32
        %mul3A_745 = arith.constant 128 : i32
        %mul3A_746 = arith.muli %add3A_744, %mul3A_745 : i32
        %dma_wait3A_747 = arith.constant 0 : i32
        %dma_wait3A_748 = tpu.memref_slice %arg5[%mul3A_746, %dma_wait3A_747] : memref<320000x16xf32, #tpu.memory_space<hbm>> -> memref<128x16xf32, #tpu.memory_space<hbm>>
        %dma_wait3A_749 = arith.constant 0 : i32
        %dma_wait3A_750 = tpu.memref_slice %arg5[%mul3A_746, %dma_wait3A_749] : memref<320000x16xf32, #tpu.memory_space<hbm>> -> memref<128x16xf32, #tpu.memory_space<hbm>>
        tpu.wait_dma2 semaphore(%arg29 : memref<!tpu.dma_semaphore, #tpu.memory_space<semaphore_mem>>) src(%dma_wait3A_750 : memref<128x16xf32, #tpu.memory_space<hbm>>) dst(%arg19 : memref<128x16xf32, #tpu.memory_space<vmem>>)
        %mul3A_751 = arith.constant 32 : i32
        %mul3A_752 = arith.muli %sub3A_468, %mul3A_751 : i32
        %add3A_753 = arith.addi %add3A, %mul3A_752 : i32
        %mul3A_754 = arith.constant 128 : i32
        %mul3A_755 = arith.muli %add3A_753, %mul3A_754 : i32
        %dma_start3A_756 = arith.constant 256 : i32
        %dma_start3A_757 = tpu.memref_slice %arg7[%mul3A_755, %dma_start3A_756] : memref<320000x272xf32, #tpu.memory_space<hbm>> -> memref<128x16xf32, #tpu.memory_space<hbm>>
        %dma_start3A_758 = arith.constant 256 : i32
        %dma_start3A_759 = tpu.memref_slice %arg7[%mul3A_755, %dma_start3A_758] : memref<320000x272xf32, #tpu.memory_space<hbm>> -> memref<128x16xf32, #tpu.memory_space<hbm>>
        tpu.enqueue_dma source(%arg19 : memref<128x16xf32, #tpu.memory_space<vmem>>) target(%dma_start3A_759 : memref<128x16xf32, #tpu.memory_space<hbm>>) target_semaphore(%arg30 : memref<!tpu.dma_semaphore, #tpu.memory_space<semaphore_mem>>)
        %dma_wait3A_760 = arith.constant 0 : i32
        %dma_wait3A_761 = arith.constant 0 : i32
        %dma_wait3A_762 = tpu.memref_slice %arg4[%dma_wait3A_760, %dma_wait3A_761] : memref<10000x128xf32, #tpu.memory_space<hbm>> -> memref<10000x128xf32, #tpu.memory_space<hbm>>
        tpu.wait_indirect_dma semaphore(%arg23 : memref<!tpu.dma_semaphore, #tpu.memory_space<semaphore_mem>>) src(%dma_wait3A_762 : memref<10000x128xf32, #tpu.memory_space<hbm>>) dst(%arg13 : memref<128x128xf32, #tpu.memory_space<vmem>>)
        %dma_start3A_763 = arith.constant 0 : i32
        %dma_start3A_764 = tpu.memref_slice %arg7[%mul3A_737, %dma_start3A_763] : memref<320000x272xf32, #tpu.memory_space<hbm>> -> memref<128x128xf32, #tpu.memory_space<hbm>>
        %dma_start3A_765 = arith.constant 0 : i32
        %dma_start3A_766 = tpu.memref_slice %arg7[%mul3A_737, %dma_start3A_765] : memref<320000x272xf32, #tpu.memory_space<hbm>> -> memref<128x128xf32, #tpu.memory_space<hbm>>
        tpu.enqueue_dma source(%arg13 : memref<128x128xf32, #tpu.memory_space<vmem>>) target(%dma_start3A_766 : memref<128x128xf32, #tpu.memory_space<hbm>>) target_semaphore(%arg27 : memref<!tpu.dma_semaphore, #tpu.memory_space<semaphore_mem>>)
        %dma_wait3A_767 = arith.constant 0 : i32
        %dma_wait3A_768 = arith.constant 0 : i32
        %dma_wait3A_769 = tpu.memref_slice %arg4[%dma_wait3A_767, %dma_wait3A_768] : memref<10000x128xf32, #tpu.memory_space<hbm>> -> memref<10000x128xf32, #tpu.memory_space<hbm>>
        tpu.wait_indirect_dma semaphore(%arg25 : memref<!tpu.dma_semaphore, #tpu.memory_space<semaphore_mem>>) src(%dma_wait3A_769 : memref<10000x128xf32, #tpu.memory_space<hbm>>) dst(%arg15 : memref<128x128xf32, #tpu.memory_space<vmem>>)
        %dma_start3A_770 = arith.constant 128 : i32
        %dma_start3A_771 = tpu.memref_slice %arg7[%mul3A_737, %dma_start3A_770] : memref<320000x272xf32, #tpu.memory_space<hbm>> -> memref<128x128xf32, #tpu.memory_space<hbm>>
        %dma_start3A_772 = arith.constant 128 : i32
        %dma_start3A_773 = tpu.memref_slice %arg7[%mul3A_737, %dma_start3A_772] : memref<320000x272xf32, #tpu.memory_space<hbm>> -> memref<128x128xf32, #tpu.memory_space<hbm>>
        tpu.enqueue_dma source(%arg15 : memref<128x128xf32, #tpu.memory_space<vmem>>) target(%dma_start3A_773 : memref<128x128xf32, #tpu.memory_space<hbm>>) target_semaphore(%arg27 : memref<!tpu.dma_semaphore, #tpu.memory_space<semaphore_mem>>)
      } else {
      }
      %mul3A_429 = arith.constant 32 : i32
      %mul3A_430 = arith.muli %add3A_418, %mul3A_429 : i32
      %add3A_431 = arith.addi %add3A, %mul3A_430 : i32
      %mul3A_432 = arith.constant 128 : i32
      %mul3A_433 = arith.muli %add3A_431, %mul3A_432 : i32
      %dma_wait3A_434 = tpu.memref_slice %arg2[%mul3A_433] : memref<320000xi32, #tpu.memory_space<hbm>> -> memref<128xi32, #tpu.memory_space<hbm>>
      %dma_wait3A_435 = tpu.memref_slice %arg2[%mul3A_433] : memref<320000xi32, #tpu.memory_space<hbm>> -> memref<128xi32, #tpu.memory_space<hbm>>
      tpu.wait_dma2 semaphore(%arg22 : memref<!tpu.dma_semaphore, #tpu.memory_space<semaphore_mem>>) src(%dma_wait3A_435 : memref<128xi32, #tpu.memory_space<hbm>>) dst(%arg11 : memref<128xi32, #tpu.memory_space<vmem>>)
      %dma_wait3A_436 = tpu.memref_slice %arg3[%mul3A_433] : memref<320000xi32, #tpu.memory_space<hbm>> -> memref<128xi32, #tpu.memory_space<hbm>>
      %dma_wait3A_437 = tpu.memref_slice %arg3[%mul3A_433] : memref<320000xi32, #tpu.memory_space<hbm>> -> memref<128xi32, #tpu.memory_space<hbm>>
      tpu.wait_dma2 semaphore(%arg22 : memref<!tpu.dma_semaphore, #tpu.memory_space<semaphore_mem>>) src(%dma_wait3A_437 : memref<128xi32, #tpu.memory_space<hbm>>) dst(%arg12 : memref<128xi32, #tpu.memory_space<vmem>>)
      %dma_start3A_438 = arith.constant 0 : i32
      %dma_start3A_439 = arith.constant 0 : i32
      %dma_start3A_440 = tpu.memref_slice %arg4[%dma_start3A_438, %dma_start3A_439] : memref<10000x128xf32, #tpu.memory_space<hbm>> -> memref<10000x128xf32, #tpu.memory_space<hbm>>
      tpu.enqueue_indirect_dma source(%dma_start3A_440 : memref<10000x128xf32, #tpu.memory_space<hbm>>) target(%arg14 : memref<128x128xf32, #tpu.memory_space<vmem>>) offsets(%arg11 : memref<128xi32, #tpu.memory_space<vmem>>) semaphore(%arg24 : memref<!tpu.dma_semaphore, #tpu.memory_space<semaphore_mem>>)
      %dma_start3A_441 = arith.constant 0 : i32
      %dma_start3A_442 = arith.constant 0 : i32
      %dma_start3A_443 = tpu.memref_slice %arg4[%dma_start3A_441, %dma_start3A_442] : memref<10000x128xf32, #tpu.memory_space<hbm>> -> memref<10000x128xf32, #tpu.memory_space<hbm>>
      tpu.enqueue_indirect_dma source(%dma_start3A_443 : memref<10000x128xf32, #tpu.memory_space<hbm>>) target(%arg16 : memref<128x128xf32, #tpu.memory_space<vmem>>) offsets(%arg12 : memref<128xi32, #tpu.memory_space<vmem>>) semaphore(%arg26 : memref<!tpu.dma_semaphore, #tpu.memory_space<semaphore_mem>>)
      %add3A_444 = arith.constant 1 : i32
      %add3A_445 = arith.addi %add3A_418, %add3A_444 : i32
      %lt3A_446 = arith.constant 78 : i32
      %lt3A_447 = arith.cmpi slt, %add3A_445, %lt3A_446 : i32
      %lt3A_448 = arith.constant 4 : i32
      %lt3A_449 = arith.cmpi slt, %add3A, %lt3A_448 : i32
      %or3A_450 = arith.ori %lt3A_447, %lt3A_449 : i1
      %convert_element_type3A_451 = arith.extui %or3A_450 : i1 to i32
      %cond3A_452 = arith.constant 0 : i32
      %cond3A_453 = arith.cmpi ne, %convert_element_type3A_451, %cond3A_452 : i32
      scf.if %cond3A_453 {
        %add3A_468 = arith.constant 1 : i32
        %add3A_469 = arith.addi %add3A_418, %add3A_468 : i32
        %mul3A_470 = arith.constant 32 : i32
        %mul3A_471 = arith.muli %add3A_469, %mul3A_470 : i32
        %add3A_472 = arith.addi %add3A, %mul3A_471 : i32
        %mul3A_473 = arith.constant 128 : i32
        %mul3A_474 = arith.muli %add3A_472, %mul3A_473 : i32
        %dma_start3A_475 = tpu.memref_slice %arg2[%mul3A_474] : memref<320000xi32, #tpu.memory_space<hbm>> -> memref<128xi32, #tpu.memory_space<hbm>>
        %dma_start3A_476 = tpu.memref_slice %arg2[%mul3A_474] : memref<320000xi32, #tpu.memory_space<hbm>> -> memref<128xi32, #tpu.memory_space<hbm>>
        tpu.enqueue_dma source(%dma_start3A_476 : memref<128xi32, #tpu.memory_space<hbm>>) target(%arg9 : memref<128xi32, #tpu.memory_space<vmem>>) target_semaphore(%arg21 : memref<!tpu.dma_semaphore, #tpu.memory_space<semaphore_mem>>)
        %dma_start3A_477 = tpu.memref_slice %arg3[%mul3A_474] : memref<320000xi32, #tpu.memory_space<hbm>> -> memref<128xi32, #tpu.memory_space<hbm>>
        %dma_start3A_478 = tpu.memref_slice %arg3[%mul3A_474] : memref<320000xi32, #tpu.memory_space<hbm>> -> memref<128xi32, #tpu.memory_space<hbm>>
        tpu.enqueue_dma source(%dma_start3A_478 : memref<128xi32, #tpu.memory_space<hbm>>) target(%arg10 : memref<128xi32, #tpu.memory_space<vmem>>) target_semaphore(%arg21 : memref<!tpu.dma_semaphore, #tpu.memory_space<semaphore_mem>>)
      } else {
      }
      %ge3A_454 = arith.constant 1 : i32
      %ge3A_455 = arith.cmpi sge, %add3A_418, %ge3A_454 : i32
      %convert_element_type3A_456 = arith.extui %ge3A_455 : i1 to i32
      %cond3A_457 = arith.constant 0 : i32
      %cond3A_458 = arith.cmpi ne, %convert_element_type3A_456, %cond3A_457 : i32
      scf.if %cond3A_458 {
        %sub3A = arith.constant 1 : i32
        %sub3A_468 = arith.subi %add3A_418, %sub3A : i32
        %mul3A_469 = arith.constant 32 : i32
        %mul3A_470 = arith.muli %sub3A_468, %mul3A_469 : i32
        %add3A_471 = arith.addi %add3A, %mul3A_470 : i32
        %mul3A_472 = arith.constant 128 : i32
        %mul3A_473 = arith.muli %add3A_471, %mul3A_472 : i32
        %dma_wait3A_474 = arith.constant 256 : i32
        %dma_wait3A_475 = tpu.memref_slice %arg7[%mul3A_473, %dma_wait3A_474] : memref<320000x272xf32, #tpu.memory_space<hbm>> -> memref<128x16xf32, #tpu.memory_space<hbm>>
        %dma_wait3A_476 = arith.constant 256 : i32
        %dma_wait3A_477 = tpu.memref_slice %arg7[%mul3A_473, %dma_wait3A_476] : memref<320000x272xf32, #tpu.memory_space<hbm>> -> memref<128x16xf32, #tpu.memory_space<hbm>>
        tpu.wait_dma2 semaphore(%arg30 : memref<!tpu.dma_semaphore, #tpu.memory_space<semaphore_mem>>) src(%arg19 : memref<128x16xf32, #tpu.memory_space<vmem>>) dst(%dma_wait3A_477 : memref<128x16xf32, #tpu.memory_space<hbm>>)
      } else {
      }
      %mul3A_459 = arith.constant 32 : i32
      %mul3A_460 = arith.muli %add3A_418, %mul3A_459 : i32
      %add3A_461 = arith.addi %add3A, %mul3A_460 : i32
      %mul3A_462 = arith.constant 128 : i32
      %mul3A_463 = arith.muli %add3A_461, %mul3A_462 : i32
      %dma_start3A_464 = arith.constant 0 : i32
      %dma_start3A_465 = tpu.memref_slice %arg5[%mul3A_463, %dma_start3A_464] : memref<320000x16xf32, #tpu.memory_space<hbm>> -> memref<128x16xf32, #tpu.memory_space<hbm>>
      %dma_start3A_466 = arith.constant 0 : i32
      %dma_start3A_467 = tpu.memref_slice %arg5[%mul3A_463, %dma_start3A_466] : memref<320000x16xf32, #tpu.memory_space<hbm>> -> memref<128x16xf32, #tpu.memory_space<hbm>>
      tpu.enqueue_dma source(%dma_start3A_467 : memref<128x16xf32, #tpu.memory_space<hbm>>) target(%arg19 : memref<128x16xf32, #tpu.memory_space<vmem>>) target_semaphore(%arg29 : memref<!tpu.dma_semaphore, #tpu.memory_space<semaphore_mem>>)
    }
    %scan3A_12 = arith.constant 39 : i32
    %add3A_13 = arith.constant 2432 : i32
    %add3A_14 = arith.addi %add3A, %add3A_13 : i32
    %mul3A_15 = arith.constant 128 : i32
    %mul3A_16 = arith.muli %add3A_14, %mul3A_15 : i32
    %dma_wait3A = arith.constant 0 : i32
    %dma_wait3A_17 = tpu.memref_slice %arg7[%mul3A_16, %dma_wait3A] : memref<320000x272xf32, #tpu.memory_space<hbm>> -> memref<128x128xf32, #tpu.memory_space<hbm>>
    %dma_wait3A_18 = arith.constant 0 : i32
    %dma_wait3A_19 = tpu.memref_slice %arg7[%mul3A_16, %dma_wait3A_18] : memref<320000x272xf32, #tpu.memory_space<hbm>> -> memref<128x128xf32, #tpu.memory_space<hbm>>
    tpu.wait_dma2 semaphore(%arg27 : memref<!tpu.dma_semaphore, #tpu.memory_space<semaphore_mem>>) src(%arg13 : memref<128x128xf32, #tpu.memory_space<vmem>>) dst(%dma_wait3A_19 : memref<128x128xf32, #tpu.memory_space<hbm>>)
    %dma_wait3A_20 = arith.constant 128 : i32
    %dma_wait3A_21 = tpu.memref_slice %arg7[%mul3A_16, %dma_wait3A_20] : memref<320000x272xf32, #tpu.memory_space<hbm>> -> memref<128x128xf32, #tpu.memory_space<hbm>>
    %dma_wait3A_22 = arith.constant 128 : i32
    %dma_wait3A_23 = tpu.memref_slice %arg7[%mul3A_16, %dma_wait3A_22] : memref<320000x272xf32, #tpu.memory_space<hbm>> -> memref<128x128xf32, #tpu.memory_space<hbm>>
    tpu.wait_dma2 semaphore(%arg27 : memref<!tpu.dma_semaphore, #tpu.memory_space<semaphore_mem>>) src(%arg15 : memref<128x128xf32, #tpu.memory_space<vmem>>) dst(%dma_wait3A_23 : memref<128x128xf32, #tpu.memory_space<hbm>>)
    %dma_wait3A_24 = arith.constant 0 : i32
    %dma_wait3A_25 = tpu.memref_slice %arg8[%dma_wait3A_24, %mul3A_16] : memref<2x320000xf32, #tpu.memory_space<hbm>> -> memref<2x128xf32, #tpu.memory_space<hbm>>
    %dma_wait3A_26 = arith.constant 0 : i32
    %dma_wait3A_27 = tpu.memref_slice %arg8[%dma_wait3A_26, %mul3A_16] : memref<2x320000xf32, #tpu.memory_space<hbm>> -> memref<2x128xf32, #tpu.memory_space<hbm>>
    tpu.wait_dma2 semaphore(%arg27 : memref<!tpu.dma_semaphore, #tpu.memory_space<semaphore_mem>>) src(%arg17 : memref<2x128xf32, #tpu.memory_space<vmem>>) dst(%dma_wait3A_27 : memref<2x128xf32, #tpu.memory_space<hbm>>)
    %get3A = arith.constant 0 : index
    %get3A_28 = tpu.vector_load %arg11[%get3A] {strides = array<i32>} : memref<128xi32, #tpu.memory_space<vmem>>, vector<16xi32>,
    %mul3A_29 = arith.constant 4 : i32
    %mul3A_30 = vector.broadcast %mul3A_29 : i32 to vector<16xi32>
    %mul3A_31 = arith.muli %get3A_28, %mul3A_30 : vector<16xi32>
    %get3A_32 = arith.constant 0 : index
    %get3A_33 = tpu.vector_load %arg12[%get3A_32] {strides = array<i32>} : memref<128xi32, #tpu.memory_space<vmem>>, vector<16xi32>,
    %mul3A_34 = arith.constant 4 : i32
    %mul3A_35 = vector.broadcast %mul3A_34 : i32 to vector<16xi32>
    %mul3A_36 = arith.muli %get3A_33, %mul3A_35 : vector<16xi32>
    %gather3A = tpu.vector_load_idx %arg20[%mul3A_31] : memref<40000xf32, #tpu.memory_space<vmem>>[vector<16xi32>], vector<16xf32>,
    %add3A_37 = arith.constant 2 : i32
    %add3A_38 = vector.broadcast %add3A_37 : i32 to vector<16xi32>
    %add3A_39 = arith.addi %mul3A_36, %add3A_38 : vector<16xi32>
    %gather3A_40 = tpu.vector_load_idx %arg20[%add3A_39] : memref<40000xf32, #tpu.memory_space<vmem>>[vector<16xi32>], vector<16xf32>,
    %add3A_41 = arith.addf %gather3A, %gather3A_40 : vector<16xf32>
    %swap3A = arith.constant 0 : i32
    %swap3A_42 = arith.index_cast %swap3A : i32 to index
    %swap3A_43 = arith.constant 0 : index
    %swap3A_44 = tpu.vector_load %arg18[%swap3A_42, %swap3A_43] {strides = array<i32>} : memref<2x128xf32, #tpu.memory_space<vmem>>, vector<16xf32>,
    tpu.vector_store %arg18[%swap3A_42, %swap3A_43], %add3A_41 {strides = array<i32>} : memref<2x128xf32, #tpu.memory_space<vmem>>, vector<16xf32>,
    %add3A_45 = arith.constant 1 : i32
    %add3A_46 = vector.broadcast %add3A_45 : i32 to vector<16xi32>
    %add3A_47 = arith.addi %mul3A_31, %add3A_46 : vector<16xi32>
    %gather3A_48 = tpu.vector_load_idx %arg20[%add3A_47] : memref<40000xf32, #tpu.memory_space<vmem>>[vector<16xi32>], vector<16xf32>,
    %add3A_49 = arith.constant 3 : i32
    %add3A_50 = vector.broadcast %add3A_49 : i32 to vector<16xi32>
    %add3A_51 = arith.addi %mul3A_36, %add3A_50 : vector<16xi32>
    %gather3A_52 = tpu.vector_load_idx %arg20[%add3A_51] : memref<40000xf32, #tpu.memory_space<vmem>>[vector<16xi32>], vector<16xf32>,
    %add3A_53 = arith.addf %gather3A_48, %gather3A_52 : vector<16xf32>
    %swap3A_54 = arith.constant 1 : i32
    %swap3A_55 = arith.index_cast %swap3A_54 : i32 to index
    %swap3A_56 = arith.constant 0 : index
    %swap3A_57 = tpu.vector_load %arg18[%swap3A_55, %swap3A_56] {strides = array<i32>} : memref<2x128xf32, #tpu.memory_space<vmem>>, vector<16xf32>,
    tpu.vector_store %arg18[%swap3A_55, %swap3A_56], %add3A_53 {strides = array<i32>} : memref<2x128xf32, #tpu.memory_space<vmem>>, vector<16xf32>,
    %get3A_58 = arith.constant 16 : index
    %get3A_59 = tpu.vector_load %arg11[%get3A_58] {strides = array<i32>} : memref<128xi32, #tpu.memory_space<vmem>>, vector<16xi32>,
    %mul3A_60 = arith.constant 4 : i32
    %mul3A_61 = vector.broadcast %mul3A_60 : i32 to vector<16xi32>
    %mul3A_62 = arith.muli %get3A_59, %mul3A_61 : vector<16xi32>
    %get3A_63 = arith.constant 16 : index
    %get3A_64 = tpu.vector_load %arg12[%get3A_63] {strides = array<i32>} : memref<128xi32, #tpu.memory_space<vmem>>, vector<16xi32>,
    %mul3A_65 = arith.constant 4 : i32
    %mul3A_66 = vector.broadcast %mul3A_65 : i32 to vector<16xi32>
    %mul3A_67 = arith.muli %get3A_64, %mul3A_66 : vector<16xi32>
    %gather3A_68 = tpu.vector_load_idx %arg20[%mul3A_62] : memref<40000xf32, #tpu.memory_space<vmem>>[vector<16xi32>], vector<16xf32>,
    %add3A_69 = arith.constant 2 : i32
    %add3A_70 = vector.broadcast %add3A_69 : i32 to vector<16xi32>
    %add3A_71 = arith.addi %mul3A_67, %add3A_70 : vector<16xi32>
    %gather3A_72 = tpu.vector_load_idx %arg20[%add3A_71] : memref<40000xf32, #tpu.memory_space<vmem>>[vector<16xi32>], vector<16xf32>,
    %add3A_73 = arith.addf %gather3A_68, %gather3A_72 : vector<16xf32>
    %swap3A_74 = arith.constant 0 : i32
    %swap3A_75 = arith.index_cast %swap3A_74 : i32 to index
    %swap3A_76 = arith.constant 16 : index
    %swap3A_77 = tpu.vector_load %arg18[%swap3A_75, %swap3A_76] {strides = array<i32>} : memref<2x128xf32, #tpu.memory_space<vmem>>, vector<16xf32>,
    tpu.vector_store %arg18[%swap3A_75, %swap3A_76], %add3A_73 {strides = array<i32>} : memref<2x128xf32, #tpu.memory_space<vmem>>, vector<16xf32>,
    %add3A_78 = arith.constant 1 : i32
    %add3A_79 = vector.broadcast %add3A_78 : i32 to vector<16xi32>
    %add3A_80 = arith.addi %mul3A_62, %add3A_79 : vector<16xi32>
    %gather3A_81 = tpu.vector_load_idx %arg20[%add3A_80] : memref<40000xf32, #tpu.memory_space<vmem>>[vector<16xi32>], vector<16xf32>,
    %add3A_82 = arith.constant 3 : i32
    %add3A_83 = vector.broadcast %add3A_82 : i32 to vector<16xi32>
    %add3A_84 = arith.addi %mul3A_67, %add3A_83 : vector<16xi32>
    %gather3A_85 = tpu.vector_load_idx %arg20[%add3A_84] : memref<40000xf32, #tpu.memory_space<vmem>>[vector<16xi32>], vector<16xf32>,
    %add3A_86 = arith.addf %gather3A_81, %gather3A_85 : vector<16xf32>
    %swap3A_87 = arith.constant 1 : i32
    %swap3A_88 = arith.index_cast %swap3A_87 : i32 to index
    %swap3A_89 = arith.constant 16 : index
    %swap3A_90 = tpu.vector_load %arg18[%swap3A_88, %swap3A_89] {strides = array<i32>} : memref<2x128xf32, #tpu.memory_space<vmem>>, vector<16xf32>,
    tpu.vector_store %arg18[%swap3A_88, %swap3A_89], %add3A_86 {strides = array<i32>} : memref<2x128xf32, #tpu.memory_space<vmem>>, vector<16xf32>,
    %get3A_91 = arith.constant 32 : index
    %get3A_92 = tpu.vector_load %arg11[%get3A_91] {strides = array<i32>} : memref<128xi32, #tpu.memory_space<vmem>>, vector<16xi32>,
    %mul3A_93 = arith.constant 4 : i32
    %mul3A_94 = vector.broadcast %mul3A_93 : i32 to vector<16xi32>
    %mul3A_95 = arith.muli %get3A_92, %mul3A_94 : vector<16xi32>
    %get3A_96 = arith.constant 32 : index
    %get3A_97 = tpu.vector_load %arg12[%get3A_96] {strides = array<i32>} : memref<128xi32, #tpu.memory_space<vmem>>, vector<16xi32>,
    %mul3A_98 = arith.constant 4 : i32
    %mul3A_99 = vector.broadcast %mul3A_98 : i32 to vector<16xi32>
    %mul3A_100 = arith.muli %get3A_97, %mul3A_99 : vector<16xi32>
    %gather3A_101 = tpu.vector_load_idx %arg20[%mul3A_95] : memref<40000xf32, #tpu.memory_space<vmem>>[vector<16xi32>], vector<16xf32>,
    %add3A_102 = arith.constant 2 : i32
    %add3A_103 = vector.broadcast %add3A_102 : i32 to vector<16xi32>
    %add3A_104 = arith.addi %mul3A_100, %add3A_103 : vector<16xi32>
    %gather3A_105 = tpu.vector_load_idx %arg20[%add3A_104] : memref<40000xf32, #tpu.memory_space<vmem>>[vector<16xi32>], vector<16xf32>,
    %add3A_106 = arith.addf %gather3A_101, %gather3A_105 : vector<16xf32>
    %swap3A_107 = arith.constant 0 : i32
    %swap3A_108 = arith.index_cast %swap3A_107 : i32 to index
    %swap3A_109 = arith.constant 32 : index
    %swap3A_110 = tpu.vector_load %arg18[%swap3A_108, %swap3A_109] {strides = array<i32>} : memref<2x128xf32, #tpu.memory_space<vmem>>, vector<16xf32>,
    tpu.vector_store %arg18[%swap3A_108, %swap3A_109], %add3A_106 {strides = array<i32>} : memref<2x128xf32, #tpu.memory_space<vmem>>, vector<16xf32>,
    %add3A_111 = arith.constant 1 : i32
    %add3A_112 = vector.broadcast %add3A_111 : i32 to vector<16xi32>
    %add3A_113 = arith.addi %mul3A_95, %add3A_112 : vector<16xi32>
    %gather3A_114 = tpu.vector_load_idx %arg20[%add3A_113] : memref<40000xf32, #tpu.memory_space<vmem>>[vector<16xi32>], vector<16xf32>,
    %add3A_115 = arith.constant 3 : i32
    %add3A_116 = vector.broadcast %add3A_115 : i32 to vector<16xi32>
    %add3A_117 = arith.addi %mul3A_100, %add3A_116 : vector<16xi32>
    %gather3A_118 = tpu.vector_load_idx %arg20[%add3A_117] : memref<40000xf32, #tpu.memory_space<vmem>>[vector<16xi32>], vector<16xf32>,
    %add3A_119 = arith.addf %gather3A_114, %gather3A_118 : vector<16xf32>
    %swap3A_120 = arith.constant 1 : i32
    %swap3A_121 = arith.index_cast %swap3A_120 : i32 to index
    %swap3A_122 = arith.constant 32 : index
    %swap3A_123 = tpu.vector_load %arg18[%swap3A_121, %swap3A_122] {strides = array<i32>} : memref<2x128xf32, #tpu.memory_space<vmem>>, vector<16xf32>,
    tpu.vector_store %arg18[%swap3A_121, %swap3A_122], %add3A_119 {strides = array<i32>} : memref<2x128xf32, #tpu.memory_space<vmem>>, vector<16xf32>,
    %get3A_124 = arith.constant 48 : index
    %get3A_125 = tpu.vector_load %arg11[%get3A_124] {strides = array<i32>} : memref<128xi32, #tpu.memory_space<vmem>>, vector<16xi32>,
    %mul3A_126 = arith.constant 4 : i32
    %mul3A_127 = vector.broadcast %mul3A_126 : i32 to vector<16xi32>
    %mul3A_128 = arith.muli %get3A_125, %mul3A_127 : vector<16xi32>
    %get3A_129 = arith.constant 48 : index
    %get3A_130 = tpu.vector_load %arg12[%get3A_129] {strides = array<i32>} : memref<128xi32, #tpu.memory_space<vmem>>, vector<16xi32>,
    %mul3A_131 = arith.constant 4 : i32
    %mul3A_132 = vector.broadcast %mul3A_131 : i32 to vector<16xi32>
    %mul3A_133 = arith.muli %get3A_130, %mul3A_132 : vector<16xi32>
    %gather3A_134 = tpu.vector_load_idx %arg20[%mul3A_128] : memref<40000xf32, #tpu.memory_space<vmem>>[vector<16xi32>], vector<16xf32>,
    %add3A_135 = arith.constant 2 : i32
    %add3A_136 = vector.broadcast %add3A_135 : i32 to vector<16xi32>
    %add3A_137 = arith.addi %mul3A_133, %add3A_136 : vector<16xi32>
    %gather3A_138 = tpu.vector_load_idx %arg20[%add3A_137] : memref<40000xf32, #tpu.memory_space<vmem>>[vector<16xi32>], vector<16xf32>,
    %add3A_139 = arith.addf %gather3A_134, %gather3A_138 : vector<16xf32>
    %swap3A_140 = arith.constant 0 : i32
    %swap3A_141 = arith.index_cast %swap3A_140 : i32 to index
    %swap3A_142 = arith.constant 48 : index
    %swap3A_143 = tpu.vector_load %arg18[%swap3A_141, %swap3A_142] {strides = array<i32>} : memref<2x128xf32, #tpu.memory_space<vmem>>, vector<16xf32>,
    tpu.vector_store %arg18[%swap3A_141, %swap3A_142], %add3A_139 {strides = array<i32>} : memref<2x128xf32, #tpu.memory_space<vmem>>, vector<16xf32>,
    %add3A_144 = arith.constant 1 : i32
    %add3A_145 = vector.broadcast %add3A_144 : i32 to vector<16xi32>
    %add3A_146 = arith.addi %mul3A_128, %add3A_145 : vector<16xi32>
    %gather3A_147 = tpu.vector_load_idx %arg20[%add3A_146] : memref<40000xf32, #tpu.memory_space<vmem>>[vector<16xi32>], vector<16xf32>,
    %add3A_148 = arith.constant 3 : i32
    %add3A_149 = vector.broadcast %add3A_148 : i32 to vector<16xi32>
    %add3A_150 = arith.addi %mul3A_133, %add3A_149 : vector<16xi32>
    %gather3A_151 = tpu.vector_load_idx %arg20[%add3A_150] : memref<40000xf32, #tpu.memory_space<vmem>>[vector<16xi32>], vector<16xf32>,
    %add3A_152 = arith.addf %gather3A_147, %gather3A_151 : vector<16xf32>
    %swap3A_153 = arith.constant 1 : i32
    %swap3A_154 = arith.index_cast %swap3A_153 : i32 to index
    %swap3A_155 = arith.constant 48 : index
    %swap3A_156 = tpu.vector_load %arg18[%swap3A_154, %swap3A_155] {strides = array<i32>} : memref<2x128xf32, #tpu.memory_space<vmem>>, vector<16xf32>,
    tpu.vector_store %arg18[%swap3A_154, %swap3A_155], %add3A_152 {strides = array<i32>} : memref<2x128xf32, #tpu.memory_space<vmem>>, vector<16xf32>,
    %get3A_157 = arith.constant 64 : index
    %get3A_158 = tpu.vector_load %arg11[%get3A_157] {strides = array<i32>} : memref<128xi32, #tpu.memory_space<vmem>>, vector<16xi32>,
    %mul3A_159 = arith.constant 4 : i32
    %mul3A_160 = vector.broadcast %mul3A_159 : i32 to vector<16xi32>
    %mul3A_161 = arith.muli %get3A_158, %mul3A_160 : vector<16xi32>
    %get3A_162 = arith.constant 64 : index
    %get3A_163 = tpu.vector_load %arg12[%get3A_162] {strides = array<i32>} : memref<128xi32, #tpu.memory_space<vmem>>, vector<16xi32>,
    %mul3A_164 = arith.constant 4 : i32
    %mul3A_165 = vector.broadcast %mul3A_164 : i32 to vector<16xi32>
    %mul3A_166 = arith.muli %get3A_163, %mul3A_165 : vector<16xi32>
    %gather3A_167 = tpu.vector_load_idx %arg20[%mul3A_161] : memref<40000xf32, #tpu.memory_space<vmem>>[vector<16xi32>], vector<16xf32>,
    %add3A_168 = arith.constant 2 : i32
    %add3A_169 = vector.broadcast %add3A_168 : i32 to vector<16xi32>
    %add3A_170 = arith.addi %mul3A_166, %add3A_169 : vector<16xi32>
    %gather3A_171 = tpu.vector_load_idx %arg20[%add3A_170] : memref<40000xf32, #tpu.memory_space<vmem>>[vector<16xi32>], vector<16xf32>,
    %add3A_172 = arith.addf %gather3A_167, %gather3A_171 : vector<16xf32>
    %swap3A_173 = arith.constant 0 : i32
    %swap3A_174 = arith.index_cast %swap3A_173 : i32 to index
    %swap3A_175 = arith.constant 64 : index
    %swap3A_176 = tpu.vector_load %arg18[%swap3A_174, %swap3A_175] {strides = array<i32>} : memref<2x128xf32, #tpu.memory_space<vmem>>, vector<16xf32>,
    tpu.vector_store %arg18[%swap3A_174, %swap3A_175], %add3A_172 {strides = array<i32>} : memref<2x128xf32, #tpu.memory_space<vmem>>, vector<16xf32>,
    %add3A_177 = arith.constant 1 : i32
    %add3A_178 = vector.broadcast %add3A_177 : i32 to vector<16xi32>
    %add3A_179 = arith.addi %mul3A_161, %add3A_178 : vector<16xi32>
    %gather3A_180 = tpu.vector_load_idx %arg20[%add3A_179] : memref<40000xf32, #tpu.memory_space<vmem>>[vector<16xi32>], vector<16xf32>,
    %add3A_181 = arith.constant 3 : i32
    %add3A_182 = vector.broadcast %add3A_181 : i32 to vector<16xi32>
    %add3A_183 = arith.addi %mul3A_166, %add3A_182 : vector<16xi32>
    %gather3A_184 = tpu.vector_load_idx %arg20[%add3A_183] : memref<40000xf32, #tpu.memory_space<vmem>>[vector<16xi32>], vector<16xf32>,
    %add3A_185 = arith.addf %gather3A_180, %gather3A_184 : vector<16xf32>
    %swap3A_186 = arith.constant 1 : i32
    %swap3A_187 = arith.index_cast %swap3A_186 : i32 to index
    %swap3A_188 = arith.constant 64 : index
    %swap3A_189 = tpu.vector_load %arg18[%swap3A_187, %swap3A_188] {strides = array<i32>} : memref<2x128xf32, #tpu.memory_space<vmem>>, vector<16xf32>,
    tpu.vector_store %arg18[%swap3A_187, %swap3A_188], %add3A_185 {strides = array<i32>} : memref<2x128xf32, #tpu.memory_space<vmem>>, vector<16xf32>,
    %get3A_190 = arith.constant 80 : index
    %get3A_191 = tpu.vector_load %arg11[%get3A_190] {strides = array<i32>} : memref<128xi32, #tpu.memory_space<vmem>>, vector<16xi32>,
    %mul3A_192 = arith.constant 4 : i32
    %mul3A_193 = vector.broadcast %mul3A_192 : i32 to vector<16xi32>
    %mul3A_194 = arith.muli %get3A_191, %mul3A_193 : vector<16xi32>
    %get3A_195 = arith.constant 80 : index
    %get3A_196 = tpu.vector_load %arg12[%get3A_195] {strides = array<i32>} : memref<128xi32, #tpu.memory_space<vmem>>, vector<16xi32>,
    %mul3A_197 = arith.constant 4 : i32
    %mul3A_198 = vector.broadcast %mul3A_197 : i32 to vector<16xi32>
    %mul3A_199 = arith.muli %get3A_196, %mul3A_198 : vector<16xi32>
    %gather3A_200 = tpu.vector_load_idx %arg20[%mul3A_194] : memref<40000xf32, #tpu.memory_space<vmem>>[vector<16xi32>], vector<16xf32>,
    %add3A_201 = arith.constant 2 : i32
    %add3A_202 = vector.broadcast %add3A_201 : i32 to vector<16xi32>
    %add3A_203 = arith.addi %mul3A_199, %add3A_202 : vector<16xi32>
    %gather3A_204 = tpu.vector_load_idx %arg20[%add3A_203] : memref<40000xf32, #tpu.memory_space<vmem>>[vector<16xi32>], vector<16xf32>,
    %add3A_205 = arith.addf %gather3A_200, %gather3A_204 : vector<16xf32>
    %swap3A_206 = arith.constant 0 : i32
    %swap3A_207 = arith.index_cast %swap3A_206 : i32 to index
    %swap3A_208 = arith.constant 80 : index
    %swap3A_209 = tpu.vector_load %arg18[%swap3A_207, %swap3A_208] {strides = array<i32>} : memref<2x128xf32, #tpu.memory_space<vmem>>, vector<16xf32>,
    tpu.vector_store %arg18[%swap3A_207, %swap3A_208], %add3A_205 {strides = array<i32>} : memref<2x128xf32, #tpu.memory_space<vmem>>, vector<16xf32>,
    %add3A_210 = arith.constant 1 : i32
    %add3A_211 = vector.broadcast %add3A_210 : i32 to vector<16xi32>
    %add3A_212 = arith.addi %mul3A_194, %add3A_211 : vector<16xi32>
    %gather3A_213 = tpu.vector_load_idx %arg20[%add3A_212] : memref<40000xf32, #tpu.memory_space<vmem>>[vector<16xi32>], vector<16xf32>,
    %add3A_214 = arith.constant 3 : i32
    %add3A_215 = vector.broadcast %add3A_214 : i32 to vector<16xi32>
    %add3A_216 = arith.addi %mul3A_199, %add3A_215 : vector<16xi32>
    %gather3A_217 = tpu.vector_load_idx %arg20[%add3A_216] : memref<40000xf32, #tpu.memory_space<vmem>>[vector<16xi32>], vector<16xf32>,
    %add3A_218 = arith.addf %gather3A_213, %gather3A_217 : vector<16xf32>
    %swap3A_219 = arith.constant 1 : i32
    %swap3A_220 = arith.index_cast %swap3A_219 : i32 to index
    %swap3A_221 = arith.constant 80 : index
    %swap3A_222 = tpu.vector_load %arg18[%swap3A_220, %swap3A_221] {strides = array<i32>} : memref<2x128xf32, #tpu.memory_space<vmem>>, vector<16xf32>,
    tpu.vector_store %arg18[%swap3A_220, %swap3A_221], %add3A_218 {strides = array<i32>} : memref<2x128xf32, #tpu.memory_space<vmem>>, vector<16xf32>,
    %get3A_223 = arith.constant 96 : index
    %get3A_224 = tpu.vector_load %arg11[%get3A_223] {strides = array<i32>} : memref<128xi32, #tpu.memory_space<vmem>>, vector<16xi32>,
    %mul3A_225 = arith.constant 4 : i32
    %mul3A_226 = vector.broadcast %mul3A_225 : i32 to vector<16xi32>
    %mul3A_227 = arith.muli %get3A_224, %mul3A_226 : vector<16xi32>
    %get3A_228 = arith.constant 96 : index
    %get3A_229 = tpu.vector_load %arg12[%get3A_228] {strides = array<i32>} : memref<128xi32, #tpu.memory_space<vmem>>, vector<16xi32>,
    %mul3A_230 = arith.constant 4 : i32
    %mul3A_231 = vector.broadcast %mul3A_230 : i32 to vector<16xi32>
    %mul3A_232 = arith.muli %get3A_229, %mul3A_231 : vector<16xi32>
    %gather3A_233 = tpu.vector_load_idx %arg20[%mul3A_227] : memref<40000xf32, #tpu.memory_space<vmem>>[vector<16xi32>], vector<16xf32>,
    %add3A_234 = arith.constant 2 : i32
    %add3A_235 = vector.broadcast %add3A_234 : i32 to vector<16xi32>
    %add3A_236 = arith.addi %mul3A_232, %add3A_235 : vector<16xi32>
    %gather3A_237 = tpu.vector_load_idx %arg20[%add3A_236] : memref<40000xf32, #tpu.memory_space<vmem>>[vector<16xi32>], vector<16xf32>,
    %add3A_238 = arith.addf %gather3A_233, %gather3A_237 : vector<16xf32>
    %swap3A_239 = arith.constant 0 : i32
    %swap3A_240 = arith.index_cast %swap3A_239 : i32 to index
    %swap3A_241 = arith.constant 96 : index
    %swap3A_242 = tpu.vector_load %arg18[%swap3A_240, %swap3A_241] {strides = array<i32>} : memref<2x128xf32, #tpu.memory_space<vmem>>, vector<16xf32>,
    tpu.vector_store %arg18[%swap3A_240, %swap3A_241], %add3A_238 {strides = array<i32>} : memref<2x128xf32, #tpu.memory_space<vmem>>, vector<16xf32>,
    %add3A_243 = arith.constant 1 : i32
    %add3A_244 = vector.broadcast %add3A_243 : i32 to vector<16xi32>
    %add3A_245 = arith.addi %mul3A_227, %add3A_244 : vector<16xi32>
    %gather3A_246 = tpu.vector_load_idx %arg20[%add3A_245] : memref<40000xf32, #tpu.memory_space<vmem>>[vector<16xi32>], vector<16xf32>,
    %add3A_247 = arith.constant 3 : i32
    %add3A_248 = vector.broadcast %add3A_247 : i32 to vector<16xi32>
    %add3A_249 = arith.addi %mul3A_232, %add3A_248 : vector<16xi32>
    %gather3A_250 = tpu.vector_load_idx %arg20[%add3A_249] : memref<40000xf32, #tpu.memory_space<vmem>>[vector<16xi32>], vector<16xf32>,
    %add3A_251 = arith.addf %gather3A_246, %gather3A_250 : vector<16xf32>
    %swap3A_252 = arith.constant 1 : i32
    %swap3A_253 = arith.index_cast %swap3A_252 : i32 to index
    %swap3A_254 = arith.constant 96 : index
    %swap3A_255 = tpu.vector_load %arg18[%swap3A_253, %swap3A_254] {strides = array<i32>} : memref<2x128xf32, #tpu.memory_space<vmem>>, vector<16xf32>,
    tpu.vector_store %arg18[%swap3A_253, %swap3A_254], %add3A_251 {strides = array<i32>} : memref<2x128xf32, #tpu.memory_space<vmem>>, vector<16xf32>,
    %get3A_256 = arith.constant 112 : index
    %get3A_257 = tpu.vector_load %arg11[%get3A_256] {strides = array<i32>} : memref<128xi32, #tpu.memory_space<vmem>>, vector<16xi32>,
    %mul3A_258 = arith.constant 4 : i32
    %mul3A_259 = vector.broadcast %mul3A_258 : i32 to vector<16xi32>
    %mul3A_260 = arith.muli %get3A_257, %mul3A_259 : vector<16xi32>
    %get3A_261 = arith.constant 112 : index
    %get3A_262 = tpu.vector_load %arg12[%get3A_261] {strides = array<i32>} : memref<128xi32, #tpu.memory_space<vmem>>, vector<16xi32>,
    %mul3A_263 = arith.constant 4 : i32
    %mul3A_264 = vector.broadcast %mul3A_263 : i32 to vector<16xi32>
    %mul3A_265 = arith.muli %get3A_262, %mul3A_264 : vector<16xi32>
    %gather3A_266 = tpu.vector_load_idx %arg20[%mul3A_260] : memref<40000xf32, #tpu.memory_space<vmem>>[vector<16xi32>], vector<16xf32>,
    %add3A_267 = arith.constant 2 : i32
    %add3A_268 = vector.broadcast %add3A_267 : i32 to vector<16xi32>
    %add3A_269 = arith.addi %mul3A_265, %add3A_268 : vector<16xi32>
    %gather3A_270 = tpu.vector_load_idx %arg20[%add3A_269] : memref<40000xf32, #tpu.memory_space<vmem>>[vector<16xi32>], vector<16xf32>,
    %add3A_271 = arith.addf %gather3A_266, %gather3A_270 : vector<16xf32>
    %swap3A_272 = arith.constant 0 : i32
    %swap3A_273 = arith.index_cast %swap3A_272 : i32 to index
    %swap3A_274 = arith.constant 112 : index
    %swap3A_275 = tpu.vector_load %arg18[%swap3A_273, %swap3A_274] {strides = array<i32>} : memref<2x128xf32, #tpu.memory_space<vmem>>, vector<16xf32>,
    tpu.vector_store %arg18[%swap3A_273, %swap3A_274], %add3A_271 {strides = array<i32>} : memref<2x128xf32, #tpu.memory_space<vmem>>, vector<16xf32>,
    %add3A_276 = arith.constant 1 : i32
    %add3A_277 = vector.broadcast %add3A_276 : i32 to vector<16xi32>
    %add3A_278 = arith.addi %mul3A_260, %add3A_277 : vector<16xi32>
    %gather3A_279 = tpu.vector_load_idx %arg20[%add3A_278] : memref<40000xf32, #tpu.memory_space<vmem>>[vector<16xi32>], vector<16xf32>,
    %add3A_280 = arith.constant 3 : i32
    %add3A_281 = vector.broadcast %add3A_280 : i32 to vector<16xi32>
    %add3A_282 = arith.addi %mul3A_265, %add3A_281 : vector<16xi32>
    %gather3A_283 = tpu.vector_load_idx %arg20[%add3A_282] : memref<40000xf32, #tpu.memory_space<vmem>>[vector<16xi32>], vector<16xf32>,
    %add3A_284 = arith.addf %gather3A_279, %gather3A_283 : vector<16xf32>
    %swap3A_285 = arith.constant 1 : i32
    %swap3A_286 = arith.index_cast %swap3A_285 : i32 to index
    %swap3A_287 = arith.constant 112 : index
    %swap3A_288 = tpu.vector_load %arg18[%swap3A_286, %swap3A_287] {strides = array<i32>} : memref<2x128xf32, #tpu.memory_space<vmem>>, vector<16xf32>,
    tpu.vector_store %arg18[%swap3A_286, %swap3A_287], %add3A_284 {strides = array<i32>} : memref<2x128xf32, #tpu.memory_space<vmem>>, vector<16xf32>,
    %add3A_289 = arith.constant 2464 : i32
    %add3A_290 = arith.addi %add3A, %add3A_289 : i32
    %mul3A_291 = arith.constant 128 : i32
    %mul3A_292 = arith.muli %add3A_290, %mul3A_291 : i32
    %dma_start3A_293 = arith.constant 0 : i32
    %dma_start3A_294 = tpu.memref_slice %arg8[%dma_start3A_293, %mul3A_292] : memref<2x320000xf32, #tpu.memory_space<hbm>> -> memref<2x128xf32, #tpu.memory_space<hbm>>
    %dma_start3A_295 = arith.constant 0 : i32
    %dma_start3A_296 = tpu.memref_slice %arg8[%dma_start3A_295, %mul3A_292] : memref<2x320000xf32, #tpu.memory_space<hbm>> -> memref<2x128xf32, #tpu.memory_space<hbm>>
    tpu.enqueue_dma source(%arg18 : memref<2x128xf32, #tpu.memory_space<vmem>>) target(%dma_start3A_296 : memref<2x128xf32, #tpu.memory_space<hbm>>) target_semaphore(%arg28 : memref<!tpu.dma_semaphore, #tpu.memory_space<semaphore_mem>>)
    %add3A_297 = arith.constant 2464 : i32
    %add3A_298 = arith.addi %add3A, %add3A_297 : i32
    %mul3A_299 = arith.constant 128 : i32
    %mul3A_300 = arith.muli %add3A_298, %mul3A_299 : i32
    %dma_wait3A_301 = arith.constant 0 : i32
    %dma_wait3A_302 = tpu.memref_slice %arg5[%mul3A_300, %dma_wait3A_301] : memref<320000x16xf32, #tpu.memory_space<hbm>> -> memref<128x16xf32, #tpu.memory_space<hbm>>
    %dma_wait3A_303 = arith.constant 0 : i32
    %dma_wait3A_304 = tpu.memref_slice %arg5[%mul3A_300, %dma_wait3A_303] : memref<320000x16xf32, #tpu.memory_space<hbm>> -> memref<128x16xf32, #tpu.memory_space<hbm>>
    tpu.wait_dma2 semaphore(%arg29 : memref<!tpu.dma_semaphore, #tpu.memory_space<semaphore_mem>>) src(%dma_wait3A_304 : memref<128x16xf32, #tpu.memory_space<hbm>>) dst(%arg19 : memref<128x16xf32, #tpu.memory_space<vmem>>)
    %add3A_305 = arith.constant 2464 : i32
    %add3A_306 = arith.addi %add3A, %add3A_305 : i32
    %mul3A_307 = arith.constant 128 : i32
    %mul3A_308 = arith.muli %add3A_306, %mul3A_307 : i32
    %dma_start3A_309 = arith.constant 256 : i32
    %dma_start3A_310 = tpu.memref_slice %arg7[%mul3A_308, %dma_start3A_309] : memref<320000x272xf32, #tpu.memory_space<hbm>> -> memref<128x16xf32, #tpu.memory_space<hbm>>
    %dma_start3A_311 = arith.constant 256 : i32
    %dma_start3A_312 = tpu.memref_slice %arg7[%mul3A_308, %dma_start3A_311] : memref<320000x272xf32, #tpu.memory_space<hbm>> -> memref<128x16xf32, #tpu.memory_space<hbm>>
    tpu.enqueue_dma source(%arg19 : memref<128x16xf32, #tpu.memory_space<vmem>>) target(%dma_start3A_312 : memref<128x16xf32, #tpu.memory_space<hbm>>) target_semaphore(%arg30 : memref<!tpu.dma_semaphore, #tpu.memory_space<semaphore_mem>>)
    %dma_wait3A_313 = arith.constant 0 : i32
    %dma_wait3A_314 = arith.constant 0 : i32
    %dma_wait3A_315 = tpu.memref_slice %arg4[%dma_wait3A_313, %dma_wait3A_314] : memref<10000x128xf32, #tpu.memory_space<hbm>> -> memref<10000x128xf32, #tpu.memory_space<hbm>>
    tpu.wait_indirect_dma semaphore(%arg24 : memref<!tpu.dma_semaphore, #tpu.memory_space<semaphore_mem>>) src(%dma_wait3A_315 : memref<10000x128xf32, #tpu.memory_space<hbm>>) dst(%arg14 : memref<128x128xf32, #tpu.memory_space<vmem>>)
    %dma_start3A_316 = arith.constant 0 : i32
    %dma_start3A_317 = tpu.memref_slice %arg7[%mul3A_292, %dma_start3A_316] : memref<320000x272xf32, #tpu.memory_space<hbm>> -> memref<128x128xf32, #tpu.memory_space<hbm>>
    %dma_start3A_318 = arith.constant 0 : i32
    %dma_start3A_319 = tpu.memref_slice %arg7[%mul3A_292, %dma_start3A_318] : memref<320000x272xf32, #tpu.memory_space<hbm>> -> memref<128x128xf32, #tpu.memory_space<hbm>>
    tpu.enqueue_dma source(%arg14 : memref<128x128xf32, #tpu.memory_space<vmem>>) target(%dma_start3A_319 : memref<128x128xf32, #tpu.memory_space<hbm>>) target_semaphore(%arg28 : memref<!tpu.dma_semaphore, #tpu.memory_space<semaphore_mem>>)
    %dma_wait3A_320 = arith.constant 0 : i32
    %dma_wait3A_321 = arith.constant 0 : i32
    %dma_wait3A_322 = tpu.memref_slice %arg4[%dma_wait3A_320, %dma_wait3A_321] : memref<10000x128xf32, #tpu.memory_space<hbm>> -> memref<10000x128xf32, #tpu.memory_space<hbm>>
    tpu.wait_indirect_dma semaphore(%arg26 : memref<!tpu.dma_semaphore, #tpu.memory_space<semaphore_mem>>) src(%dma_wait3A_322 : memref<10000x128xf32, #tpu.memory_space<hbm>>) dst(%arg16 : memref<128x128xf32, #tpu.memory_space<vmem>>)
    %dma_start3A_323 = arith.constant 128 : i32
    %dma_start3A_324 = tpu.memref_slice %arg7[%mul3A_292, %dma_start3A_323] : memref<320000x272xf32, #tpu.memory_space<hbm>> -> memref<128x128xf32, #tpu.memory_space<hbm>>
    %dma_start3A_325 = arith.constant 128 : i32
    %dma_start3A_326 = tpu.memref_slice %arg7[%mul3A_292, %dma_start3A_325] : memref<320000x272xf32, #tpu.memory_space<hbm>> -> memref<128x128xf32, #tpu.memory_space<hbm>>
    tpu.enqueue_dma source(%arg16 : memref<128x128xf32, #tpu.memory_space<vmem>>) target(%dma_start3A_326 : memref<128x128xf32, #tpu.memory_space<hbm>>) target_semaphore(%arg28 : memref<!tpu.dma_semaphore, #tpu.memory_space<semaphore_mem>>)
    %lt3A = arith.constant 4 : i32
    %lt3A_327 = arith.cmpi slt, %add3A, %lt3A : i32
    %convert_element_type3A = arith.extui %lt3A_327 : i1 to i32
    %cond3A = arith.constant 0 : i32
    %cond3A_328 = arith.cmpi ne, %convert_element_type3A, %cond3A : i32
    scf.if %cond3A_328 {
      %add3A_363 = arith.constant 2496 : i32
      %add3A_364 = arith.addi %add3A, %add3A_363 : i32
      %mul3A_365 = arith.constant 128 : i32
      %mul3A_366 = arith.muli %add3A_364, %mul3A_365 : i32
      %dma_wait3A_367 = tpu.memref_slice %arg2[%mul3A_366] : memref<320000xi32, #tpu.memory_space<hbm>> -> memref<128xi32, #tpu.memory_space<hbm>>
      %dma_wait3A_368 = tpu.memref_slice %arg2[%mul3A_366] : memref<320000xi32, #tpu.memory_space<hbm>> -> memref<128xi32, #tpu.memory_space<hbm>>
      tpu.wait_dma2 semaphore(%arg21 : memref<!tpu.dma_semaphore, #tpu.memory_space<semaphore_mem>>) src(%dma_wait3A_368 : memref<128xi32, #tpu.memory_space<hbm>>) dst(%arg9 : memref<128xi32, #tpu.memory_space<vmem>>)
      %dma_wait3A_369 = tpu.memref_slice %arg3[%mul3A_366] : memref<320000xi32, #tpu.memory_space<hbm>> -> memref<128xi32, #tpu.memory_space<hbm>>
      %dma_wait3A_370 = tpu.memref_slice %arg3[%mul3A_366] : memref<320000xi32, #tpu.memory_space<hbm>> -> memref<128xi32, #tpu.memory_space<hbm>>
      tpu.wait_dma2 semaphore(%arg21 : memref<!tpu.dma_semaphore, #tpu.memory_space<semaphore_mem>>) src(%dma_wait3A_370 : memref<128xi32, #tpu.memory_space<hbm>>) dst(%arg10 : memref<128xi32, #tpu.memory_space<vmem>>)
      %dma_start3A_371 = arith.constant 0 : i32
      %dma_start3A_372 = arith.constant 0 : i32
      %dma_start3A_373 = tpu.memref_slice %arg4[%dma_start3A_371, %dma_start3A_372] : memref<10000x128xf32, #tpu.memory_space<hbm>> -> memref<10000x128xf32, #tpu.memory_space<hbm>>
      tpu.enqueue_indirect_dma source(%dma_start3A_373 : memref<10000x128xf32, #tpu.memory_space<hbm>>) target(%arg13 : memref<128x128xf32, #tpu.memory_space<vmem>>) offsets(%arg9 : memref<128xi32, #tpu.memory_space<vmem>>) semaphore(%arg23 : memref<!tpu.dma_semaphore, #tpu.memory_space<semaphore_mem>>)
      %dma_start3A_374 = arith.constant 0 : i32
      %dma_start3A_375 = arith.constant 0 : i32
      %dma_start3A_376 = tpu.memref_slice %arg4[%dma_start3A_374, %dma_start3A_375] : memref<10000x128xf32, #tpu.memory_space<hbm>> -> memref<10000x128xf32, #tpu.memory_space<hbm>>
      tpu.enqueue_indirect_dma source(%dma_start3A_376 : memref<10000x128xf32, #tpu.memory_space<hbm>>) target(%arg15 : memref<128x128xf32, #tpu.memory_space<vmem>>) offsets(%arg10 : memref<128xi32, #tpu.memory_space<vmem>>) semaphore(%arg25 : memref<!tpu.dma_semaphore, #tpu.memory_space<semaphore_mem>>)
    } else {
    }
    %add3A_329 = arith.constant 2464 : i32
    %add3A_330 = arith.addi %add3A, %add3A_329 : i32
    %mul3A_331 = arith.constant 128 : i32
    %mul3A_332 = arith.muli %add3A_330, %mul3A_331 : i32
    %dma_wait3A_333 = arith.constant 256 : i32
    %dma_wait3A_334 = tpu.memref_slice %arg7[%mul3A_332, %dma_wait3A_333] : memref<320000x272xf32, #tpu.memory_space<hbm>> -> memref<128x16xf32, #tpu.memory_space<hbm>>
    %dma_wait3A_335 = arith.constant 256 : i32
    %dma_wait3A_336 = tpu.memref_slice %arg7[%mul3A_332, %dma_wait3A_335] : memref<320000x272xf32, #tpu.memory_space<hbm>> -> memref<128x16xf32, #tpu.memory_space<hbm>>
    tpu.wait_dma2 semaphore(%arg30 : memref<!tpu.dma_semaphore, #tpu.memory_space<semaphore_mem>>) src(%arg19 : memref<128x16xf32, #tpu.memory_space<vmem>>) dst(%dma_wait3A_336 : memref<128x16xf32, #tpu.memory_space<hbm>>)
    %lt3A_337 = arith.constant 4 : i32
    %lt3A_338 = arith.cmpi slt, %add3A, %lt3A_337 : i32
    %convert_element_type3A_339 = arith.extui %lt3A_338 : i1 to i32
    %cond3A_340 = arith.constant 0 : i32
    %cond3A_341 = arith.cmpi ne, %convert_element_type3A_339, %cond3A_340 : i32
    scf.if %cond3A_341 {
      %add3A_363 = arith.constant 2496 : i32
      %add3A_364 = arith.addi %add3A, %add3A_363 : i32
      %mul3A_365 = arith.constant 128 : i32
      %mul3A_366 = arith.muli %add3A_364, %mul3A_365 : i32
      %dma_start3A_367 = arith.constant 0 : i32
      %dma_start3A_368 = tpu.memref_slice %arg5[%mul3A_366, %dma_start3A_367] : memref<320000x16xf32, #tpu.memory_space<hbm>> -> memref<128x16xf32, #tpu.memory_space<hbm>>
      %dma_start3A_369 = arith.constant 0 : i32
      %dma_start3A_370 = tpu.memref_slice %arg5[%mul3A_366, %dma_start3A_369] : memref<320000x16xf32, #tpu.memory_space<hbm>> -> memref<128x16xf32, #tpu.memory_space<hbm>>
      tpu.enqueue_dma source(%dma_start3A_370 : memref<128x16xf32, #tpu.memory_space<hbm>>) target(%arg19 : memref<128x16xf32, #tpu.memory_space<vmem>>) target_semaphore(%arg29 : memref<!tpu.dma_semaphore, #tpu.memory_space<semaphore_mem>>)
    } else {
    }
    %add3A_342 = arith.constant 2464 : i32
    %add3A_343 = arith.addi %add3A, %add3A_342 : i32
    %mul3A_344 = arith.constant 128 : i32
    %mul3A_345 = arith.muli %add3A_343, %mul3A_344 : i32
    %dma_wait3A_346 = arith.constant 0 : i32
    %dma_wait3A_347 = tpu.memref_slice %arg7[%mul3A_345, %dma_wait3A_346] : memref<320000x272xf32, #tpu.memory_space<hbm>> -> memref<128x128xf32, #tpu.memory_space<hbm>>
    %dma_wait3A_348 = arith.constant 0 : i32
    %dma_wait3A_349 = tpu.memref_slice %arg7[%mul3A_345, %dma_wait3A_348] : memref<320000x272xf32, #tpu.memory_space<hbm>> -> memref<128x128xf32, #tpu.memory_space<hbm>>
    tpu.wait_dma2 semaphore(%arg28 : memref<!tpu.dma_semaphore, #tpu.memory_space<semaphore_mem>>) src(%arg14 : memref<128x128xf32, #tpu.memory_space<vmem>>) dst(%dma_wait3A_349 : memref<128x128xf32, #tpu.memory_space<hbm>>)
    %dma_wait3A_350 = arith.constant 128 : i32
    %dma_wait3A_351 = tpu.memref_slice %arg7[%mul3A_345, %dma_wait3A_350] : memref<320000x272xf32, #tpu.memory_space<hbm>> -> memref<128x128xf32, #tpu.memory_space<hbm>>
    %dma_wait3A_352 = arith.constant 128 : i32
    %dma_wait3A_353 = tpu.memref_slice %arg7[%mul3A_345, %dma_wait3A_352] : memref<320000x272xf32, #tpu.memory_space<hbm>> -> memref<128x128xf32, #tpu.memory_space<hbm>>
    tpu.wait_dma2 semaphore(%arg28 : memref<!tpu.dma_semaphore, #tpu.memory_space<semaphore_mem>>) src(%arg16 : memref<128x128xf32, #tpu.memory_space<vmem>>) dst(%dma_wait3A_353 : memref<128x128xf32, #tpu.memory_space<hbm>>)
    %dma_wait3A_354 = arith.constant 0 : i32
    %dma_wait3A_355 = tpu.memref_slice %arg8[%dma_wait3A_354, %mul3A_345] : memref<2x320000xf32, #tpu.memory_space<hbm>> -> memref<2x128xf32, #tpu.memory_space<hbm>>
    %dma_wait3A_356 = arith.constant 0 : i32
    %dma_wait3A_357 = tpu.memref_slice %arg8[%dma_wait3A_356, %mul3A_345] : memref<2x320000xf32, #tpu.memory_space<hbm>> -> memref<2x128xf32, #tpu.memory_space<hbm>>
    tpu.wait_dma2 semaphore(%arg28 : memref<!tpu.dma_semaphore, #tpu.memory_space<semaphore_mem>>) src(%arg18 : memref<2x128xf32, #tpu.memory_space<vmem>>) dst(%dma_wait3A_357 : memref<2x128xf32, #tpu.memory_space<hbm>>)
    %lt3A_358 = arith.constant 4 : i32
    %lt3A_359 = arith.cmpi slt, %add3A, %lt3A_358 : i32
    %convert_element_type3A_360 = arith.extui %lt3A_359 : i1 to i32
    %cond3A_361 = arith.constant 0 : i32
    %cond3A_362 = arith.cmpi ne, %convert_element_type3A_360, %cond3A_361 : i32
    scf.if %cond3A_362 {
      %get3A_363 = arith.constant 0 : index
      %get3A_364 = tpu.vector_load %arg9[%get3A_363] {strides = array<i32>} : memref<128xi32, #tpu.memory_space<vmem>>, vector<16xi32>,
      %mul3A_365 = arith.constant 4 : i32
      %mul3A_366 = vector.broadcast %mul3A_365 : i32 to vector<16xi32>
      %mul3A_367 = arith.muli %get3A_364, %mul3A_366 : vector<16xi32>
      %get3A_368 = arith.constant 0 : index
      %get3A_369 = tpu.vector_load %arg10[%get3A_368] {strides = array<i32>} : memref<128xi32, #tpu.memory_space<vmem>>, vector<16xi32>,
      %mul3A_370 = arith.constant 4 : i32
      %mul3A_371 = vector.broadcast %mul3A_370 : i32 to vector<16xi32>
      %mul3A_372 = arith.muli %get3A_369, %mul3A_371 : vector<16xi32>
      %gather3A_373 = tpu.vector_load_idx %arg20[%mul3A_367] : memref<40000xf32, #tpu.memory_space<vmem>>[vector<16xi32>], vector<16xf32>,
      %add3A_374 = arith.constant 2 : i32
      %add3A_375 = vector.broadcast %add3A_374 : i32 to vector<16xi32>
      %add3A_376 = arith.addi %mul3A_372, %add3A_375 : vector<16xi32>
      %gather3A_377 = tpu.vector_load_idx %arg20[%add3A_376] : memref<40000xf32, #tpu.memory_space<vmem>>[vector<16xi32>], vector<16xf32>,
      %add3A_378 = arith.addf %gather3A_373, %gather3A_377 : vector<16xf32>
      %swap3A_379 = arith.constant 0 : i32
      %swap3A_380 = arith.index_cast %swap3A_379 : i32 to index
      %swap3A_381 = arith.constant 0 : index
      %swap3A_382 = tpu.vector_load %arg17[%swap3A_380, %swap3A_381] {strides = array<i32>} : memref<2x128xf32, #tpu.memory_space<vmem>>, vector<16xf32>,
      tpu.vector_store %arg17[%swap3A_380, %swap3A_381], %add3A_378 {strides = array<i32>} : memref<2x128xf32, #tpu.memory_space<vmem>>, vector<16xf32>,
      %add3A_383 = arith.constant 1 : i32
      %add3A_384 = vector.broadcast %add3A_383 : i32 to vector<16xi32>
      %add3A_385 = arith.addi %mul3A_367, %add3A_384 : vector<16xi32>
      %gather3A_386 = tpu.vector_load_idx %arg20[%add3A_385] : memref<40000xf32, #tpu.memory_space<vmem>>[vector<16xi32>], vector<16xf32>,
      %add3A_387 = arith.constant 3 : i32
      %add3A_388 = vector.broadcast %add3A_387 : i32 to vector<16xi32>
      %add3A_389 = arith.addi %mul3A_372, %add3A_388 : vector<16xi32>
      %gather3A_390 = tpu.vector_load_idx %arg20[%add3A_389] : memref<40000xf32, #tpu.memory_space<vmem>>[vector<16xi32>], vector<16xf32>,
      %add3A_391 = arith.addf %gather3A_386, %gather3A_390 : vector<16xf32>
      %swap3A_392 = arith.constant 1 : i32
      %swap3A_393 = arith.index_cast %swap3A_392 : i32 to index
      %swap3A_394 = arith.constant 0 : index
      %swap3A_395 = tpu.vector_load %arg17[%swap3A_393, %swap3A_394] {strides = array<i32>} : memref<2x128xf32, #tpu.memory_space<vmem>>, vector<16xf32>,
      tpu.vector_store %arg17[%swap3A_393, %swap3A_394], %add3A_391 {strides = array<i32>} : memref<2x128xf32, #tpu.memory_space<vmem>>, vector<16xf32>,
      %get3A_396 = arith.constant 16 : index
      %get3A_397 = tpu.vector_load %arg9[%get3A_396] {strides = array<i32>} : memref<128xi32, #tpu.memory_space<vmem>>, vector<16xi32>,
      %mul3A_398 = arith.constant 4 : i32
      %mul3A_399 = vector.broadcast %mul3A_398 : i32 to vector<16xi32>
      %mul3A_400 = arith.muli %get3A_397, %mul3A_399 : vector<16xi32>
      %get3A_401 = arith.constant 16 : index
      %get3A_402 = tpu.vector_load %arg10[%get3A_401] {strides = array<i32>} : memref<128xi32, #tpu.memory_space<vmem>>, vector<16xi32>,
      %mul3A_403 = arith.constant 4 : i32
      %mul3A_404 = vector.broadcast %mul3A_403 : i32 to vector<16xi32>
      %mul3A_405 = arith.muli %get3A_402, %mul3A_404 : vector<16xi32>
      %gather3A_406 = tpu.vector_load_idx %arg20[%mul3A_400] : memref<40000xf32, #tpu.memory_space<vmem>>[vector<16xi32>], vector<16xf32>,
      %add3A_407 = arith.constant 2 : i32
      %add3A_408 = vector.broadcast %add3A_407 : i32 to vector<16xi32>
      %add3A_409 = arith.addi %mul3A_405, %add3A_408 : vector<16xi32>
      %gather3A_410 = tpu.vector_load_idx %arg20[%add3A_409] : memref<40000xf32, #tpu.memory_space<vmem>>[vector<16xi32>], vector<16xf32>,
      %add3A_411 = arith.addf %gather3A_406, %gather3A_410 : vector<16xf32>
      %swap3A_412 = arith.constant 0 : i32
      %swap3A_413 = arith.index_cast %swap3A_412 : i32 to index
      %swap3A_414 = arith.constant 16 : index
      %swap3A_415 = tpu.vector_load %arg17[%swap3A_413, %swap3A_414] {strides = array<i32>} : memref<2x128xf32, #tpu.memory_space<vmem>>, vector<16xf32>,
      tpu.vector_store %arg17[%swap3A_413, %swap3A_414], %add3A_411 {strides = array<i32>} : memref<2x128xf32, #tpu.memory_space<vmem>>, vector<16xf32>,
      %add3A_416 = arith.constant 1 : i32
      %add3A_417 = vector.broadcast %add3A_416 : i32 to vector<16xi32>
      %add3A_418 = arith.addi %mul3A_400, %add3A_417 : vector<16xi32>
      %gather3A_419 = tpu.vector_load_idx %arg20[%add3A_418] : memref<40000xf32, #tpu.memory_space<vmem>>[vector<16xi32>], vector<16xf32>,
      %add3A_420 = arith.constant 3 : i32
      %add3A_421 = vector.broadcast %add3A_420 : i32 to vector<16xi32>
      %add3A_422 = arith.addi %mul3A_405, %add3A_421 : vector<16xi32>
      %gather3A_423 = tpu.vector_load_idx %arg20[%add3A_422] : memref<40000xf32, #tpu.memory_space<vmem>>[vector<16xi32>], vector<16xf32>,
      %add3A_424 = arith.addf %gather3A_419, %gather3A_423 : vector<16xf32>
      %swap3A_425 = arith.constant 1 : i32
      %swap3A_426 = arith.index_cast %swap3A_425 : i32 to index
      %swap3A_427 = arith.constant 16 : index
      %swap3A_428 = tpu.vector_load %arg17[%swap3A_426, %swap3A_427] {strides = array<i32>} : memref<2x128xf32, #tpu.memory_space<vmem>>, vector<16xf32>,
      tpu.vector_store %arg17[%swap3A_426, %swap3A_427], %add3A_424 {strides = array<i32>} : memref<2x128xf32, #tpu.memory_space<vmem>>, vector<16xf32>,
      %get3A_429 = arith.constant 32 : index
      %get3A_430 = tpu.vector_load %arg9[%get3A_429] {strides = array<i32>} : memref<128xi32, #tpu.memory_space<vmem>>, vector<16xi32>,
      %mul3A_431 = arith.constant 4 : i32
      %mul3A_432 = vector.broadcast %mul3A_431 : i32 to vector<16xi32>
      %mul3A_433 = arith.muli %get3A_430, %mul3A_432 : vector<16xi32>
      %get3A_434 = arith.constant 32 : index
      %get3A_435 = tpu.vector_load %arg10[%get3A_434] {strides = array<i32>} : memref<128xi32, #tpu.memory_space<vmem>>, vector<16xi32>,
      %mul3A_436 = arith.constant 4 : i32
      %mul3A_437 = vector.broadcast %mul3A_436 : i32 to vector<16xi32>
      %mul3A_438 = arith.muli %get3A_435, %mul3A_437 : vector<16xi32>
      %gather3A_439 = tpu.vector_load_idx %arg20[%mul3A_433] : memref<40000xf32, #tpu.memory_space<vmem>>[vector<16xi32>], vector<16xf32>,
      %add3A_440 = arith.constant 2 : i32
      %add3A_441 = vector.broadcast %add3A_440 : i32 to vector<16xi32>
      %add3A_442 = arith.addi %mul3A_438, %add3A_441 : vector<16xi32>
      %gather3A_443 = tpu.vector_load_idx %arg20[%add3A_442] : memref<40000xf32, #tpu.memory_space<vmem>>[vector<16xi32>], vector<16xf32>,
      %add3A_444 = arith.addf %gather3A_439, %gather3A_443 : vector<16xf32>
      %swap3A_445 = arith.constant 0 : i32
      %swap3A_446 = arith.index_cast %swap3A_445 : i32 to index
      %swap3A_447 = arith.constant 32 : index
      %swap3A_448 = tpu.vector_load %arg17[%swap3A_446, %swap3A_447] {strides = array<i32>} : memref<2x128xf32, #tpu.memory_space<vmem>>, vector<16xf32>,
      tpu.vector_store %arg17[%swap3A_446, %swap3A_447], %add3A_444 {strides = array<i32>} : memref<2x128xf32, #tpu.memory_space<vmem>>, vector<16xf32>,
      %add3A_449 = arith.constant 1 : i32
      %add3A_450 = vector.broadcast %add3A_449 : i32 to vector<16xi32>
      %add3A_451 = arith.addi %mul3A_433, %add3A_450 : vector<16xi32>
      %gather3A_452 = tpu.vector_load_idx %arg20[%add3A_451] : memref<40000xf32, #tpu.memory_space<vmem>>[vector<16xi32>], vector<16xf32>,
      %add3A_453 = arith.constant 3 : i32
      %add3A_454 = vector.broadcast %add3A_453 : i32 to vector<16xi32>
      %add3A_455 = arith.addi %mul3A_438, %add3A_454 : vector<16xi32>
      %gather3A_456 = tpu.vector_load_idx %arg20[%add3A_455] : memref<40000xf32, #tpu.memory_space<vmem>>[vector<16xi32>], vector<16xf32>,
      %add3A_457 = arith.addf %gather3A_452, %gather3A_456 : vector<16xf32>
      %swap3A_458 = arith.constant 1 : i32
      %swap3A_459 = arith.index_cast %swap3A_458 : i32 to index
      %swap3A_460 = arith.constant 32 : index
      %swap3A_461 = tpu.vector_load %arg17[%swap3A_459, %swap3A_460] {strides = array<i32>} : memref<2x128xf32, #tpu.memory_space<vmem>>, vector<16xf32>,
      tpu.vector_store %arg17[%swap3A_459, %swap3A_460], %add3A_457 {strides = array<i32>} : memref<2x128xf32, #tpu.memory_space<vmem>>, vector<16xf32>,
      %get3A_462 = arith.constant 48 : index
      %get3A_463 = tpu.vector_load %arg9[%get3A_462] {strides = array<i32>} : memref<128xi32, #tpu.memory_space<vmem>>, vector<16xi32>,
      %mul3A_464 = arith.constant 4 : i32
      %mul3A_465 = vector.broadcast %mul3A_464 : i32 to vector<16xi32>
      %mul3A_466 = arith.muli %get3A_463, %mul3A_465 : vector<16xi32>
      %get3A_467 = arith.constant 48 : index
      %get3A_468 = tpu.vector_load %arg10[%get3A_467] {strides = array<i32>} : memref<128xi32, #tpu.memory_space<vmem>>, vector<16xi32>,
      %mul3A_469 = arith.constant 4 : i32
      %mul3A_470 = vector.broadcast %mul3A_469 : i32 to vector<16xi32>
      %mul3A_471 = arith.muli %get3A_468, %mul3A_470 : vector<16xi32>
      %gather3A_472 = tpu.vector_load_idx %arg20[%mul3A_466] : memref<40000xf32, #tpu.memory_space<vmem>>[vector<16xi32>], vector<16xf32>,
      %add3A_473 = arith.constant 2 : i32
      %add3A_474 = vector.broadcast %add3A_473 : i32 to vector<16xi32>
      %add3A_475 = arith.addi %mul3A_471, %add3A_474 : vector<16xi32>
      %gather3A_476 = tpu.vector_load_idx %arg20[%add3A_475] : memref<40000xf32, #tpu.memory_space<vmem>>[vector<16xi32>], vector<16xf32>,
      %add3A_477 = arith.addf %gather3A_472, %gather3A_476 : vector<16xf32>
      %swap3A_478 = arith.constant 0 : i32
      %swap3A_479 = arith.index_cast %swap3A_478 : i32 to index
      %swap3A_480 = arith.constant 48 : index
      %swap3A_481 = tpu.vector_load %arg17[%swap3A_479, %swap3A_480] {strides = array<i32>} : memref<2x128xf32, #tpu.memory_space<vmem>>, vector<16xf32>,
      tpu.vector_store %arg17[%swap3A_479, %swap3A_480], %add3A_477 {strides = array<i32>} : memref<2x128xf32, #tpu.memory_space<vmem>>, vector<16xf32>,
      %add3A_482 = arith.constant 1 : i32
      %add3A_483 = vector.broadcast %add3A_482 : i32 to vector<16xi32>
      %add3A_484 = arith.addi %mul3A_466, %add3A_483 : vector<16xi32>
      %gather3A_485 = tpu.vector_load_idx %arg20[%add3A_484] : memref<40000xf32, #tpu.memory_space<vmem>>[vector<16xi32>], vector<16xf32>,
      %add3A_486 = arith.constant 3 : i32
      %add3A_487 = vector.broadcast %add3A_486 : i32 to vector<16xi32>
      %add3A_488 = arith.addi %mul3A_471, %add3A_487 : vector<16xi32>
      %gather3A_489 = tpu.vector_load_idx %arg20[%add3A_488] : memref<40000xf32, #tpu.memory_space<vmem>>[vector<16xi32>], vector<16xf32>,
      %add3A_490 = arith.addf %gather3A_485, %gather3A_489 : vector<16xf32>
      %swap3A_491 = arith.constant 1 : i32
      %swap3A_492 = arith.index_cast %swap3A_491 : i32 to index
      %swap3A_493 = arith.constant 48 : index
      %swap3A_494 = tpu.vector_load %arg17[%swap3A_492, %swap3A_493] {strides = array<i32>} : memref<2x128xf32, #tpu.memory_space<vmem>>, vector<16xf32>,
      tpu.vector_store %arg17[%swap3A_492, %swap3A_493], %add3A_490 {strides = array<i32>} : memref<2x128xf32, #tpu.memory_space<vmem>>, vector<16xf32>,
      %get3A_495 = arith.constant 64 : index
      %get3A_496 = tpu.vector_load %arg9[%get3A_495] {strides = array<i32>} : memref<128xi32, #tpu.memory_space<vmem>>, vector<16xi32>,
      %mul3A_497 = arith.constant 4 : i32
      %mul3A_498 = vector.broadcast %mul3A_497 : i32 to vector<16xi32>
      %mul3A_499 = arith.muli %get3A_496, %mul3A_498 : vector<16xi32>
      %get3A_500 = arith.constant 64 : index
      %get3A_501 = tpu.vector_load %arg10[%get3A_500] {strides = array<i32>} : memref<128xi32, #tpu.memory_space<vmem>>, vector<16xi32>,
      %mul3A_502 = arith.constant 4 : i32
      %mul3A_503 = vector.broadcast %mul3A_502 : i32 to vector<16xi32>
      %mul3A_504 = arith.muli %get3A_501, %mul3A_503 : vector<16xi32>
      %gather3A_505 = tpu.vector_load_idx %arg20[%mul3A_499] : memref<40000xf32, #tpu.memory_space<vmem>>[vector<16xi32>], vector<16xf32>,
      %add3A_506 = arith.constant 2 : i32
      %add3A_507 = vector.broadcast %add3A_506 : i32 to vector<16xi32>
      %add3A_508 = arith.addi %mul3A_504, %add3A_507 : vector<16xi32>
      %gather3A_509 = tpu.vector_load_idx %arg20[%add3A_508] : memref<40000xf32, #tpu.memory_space<vmem>>[vector<16xi32>], vector<16xf32>,
      %add3A_510 = arith.addf %gather3A_505, %gather3A_509 : vector<16xf32>
      %swap3A_511 = arith.constant 0 : i32
      %swap3A_512 = arith.index_cast %swap3A_511 : i32 to index
      %swap3A_513 = arith.constant 64 : index
      %swap3A_514 = tpu.vector_load %arg17[%swap3A_512, %swap3A_513] {strides = array<i32>} : memref<2x128xf32, #tpu.memory_space<vmem>>, vector<16xf32>,
      tpu.vector_store %arg17[%swap3A_512, %swap3A_513], %add3A_510 {strides = array<i32>} : memref<2x128xf32, #tpu.memory_space<vmem>>, vector<16xf32>,
      %add3A_515 = arith.constant 1 : i32
      %add3A_516 = vector.broadcast %add3A_515 : i32 to vector<16xi32>
      %add3A_517 = arith.addi %mul3A_499, %add3A_516 : vector<16xi32>
      %gather3A_518 = tpu.vector_load_idx %arg20[%add3A_517] : memref<40000xf32, #tpu.memory_space<vmem>>[vector<16xi32>], vector<16xf32>,
      %add3A_519 = arith.constant 3 : i32
      %add3A_520 = vector.broadcast %add3A_519 : i32 to vector<16xi32>
      %add3A_521 = arith.addi %mul3A_504, %add3A_520 : vector<16xi32>
      %gather3A_522 = tpu.vector_load_idx %arg20[%add3A_521] : memref<40000xf32, #tpu.memory_space<vmem>>[vector<16xi32>], vector<16xf32>,
      %add3A_523 = arith.addf %gather3A_518, %gather3A_522 : vector<16xf32>
      %swap3A_524 = arith.constant 1 : i32
      %swap3A_525 = arith.index_cast %swap3A_524 : i32 to index
      %swap3A_526 = arith.constant 64 : index
      %swap3A_527 = tpu.vector_load %arg17[%swap3A_525, %swap3A_526] {strides = array<i32>} : memref<2x128xf32, #tpu.memory_space<vmem>>, vector<16xf32>,
      tpu.vector_store %arg17[%swap3A_525, %swap3A_526], %add3A_523 {strides = array<i32>} : memref<2x128xf32, #tpu.memory_space<vmem>>, vector<16xf32>,
      %get3A_528 = arith.constant 80 : index
      %get3A_529 = tpu.vector_load %arg9[%get3A_528] {strides = array<i32>} : memref<128xi32, #tpu.memory_space<vmem>>, vector<16xi32>,
      %mul3A_530 = arith.constant 4 : i32
      %mul3A_531 = vector.broadcast %mul3A_530 : i32 to vector<16xi32>
      %mul3A_532 = arith.muli %get3A_529, %mul3A_531 : vector<16xi32>
      %get3A_533 = arith.constant 80 : index
      %get3A_534 = tpu.vector_load %arg10[%get3A_533] {strides = array<i32>} : memref<128xi32, #tpu.memory_space<vmem>>, vector<16xi32>,
      %mul3A_535 = arith.constant 4 : i32
      %mul3A_536 = vector.broadcast %mul3A_535 : i32 to vector<16xi32>
      %mul3A_537 = arith.muli %get3A_534, %mul3A_536 : vector<16xi32>
      %gather3A_538 = tpu.vector_load_idx %arg20[%mul3A_532] : memref<40000xf32, #tpu.memory_space<vmem>>[vector<16xi32>], vector<16xf32>,
      %add3A_539 = arith.constant 2 : i32
      %add3A_540 = vector.broadcast %add3A_539 : i32 to vector<16xi32>
      %add3A_541 = arith.addi %mul3A_537, %add3A_540 : vector<16xi32>
      %gather3A_542 = tpu.vector_load_idx %arg20[%add3A_541] : memref<40000xf32, #tpu.memory_space<vmem>>[vector<16xi32>], vector<16xf32>,
      %add3A_543 = arith.addf %gather3A_538, %gather3A_542 : vector<16xf32>
      %swap3A_544 = arith.constant 0 : i32
      %swap3A_545 = arith.index_cast %swap3A_544 : i32 to index
      %swap3A_546 = arith.constant 80 : index
      %swap3A_547 = tpu.vector_load %arg17[%swap3A_545, %swap3A_546] {strides = array<i32>} : memref<2x128xf32, #tpu.memory_space<vmem>>, vector<16xf32>,
      tpu.vector_store %arg17[%swap3A_545, %swap3A_546], %add3A_543 {strides = array<i32>} : memref<2x128xf32, #tpu.memory_space<vmem>>, vector<16xf32>,
      %add3A_548 = arith.constant 1 : i32
      %add3A_549 = vector.broadcast %add3A_548 : i32 to vector<16xi32>
      %add3A_550 = arith.addi %mul3A_532, %add3A_549 : vector<16xi32>
      %gather3A_551 = tpu.vector_load_idx %arg20[%add3A_550] : memref<40000xf32, #tpu.memory_space<vmem>>[vector<16xi32>], vector<16xf32>,
      %add3A_552 = arith.constant 3 : i32
      %add3A_553 = vector.broadcast %add3A_552 : i32 to vector<16xi32>
      %add3A_554 = arith.addi %mul3A_537, %add3A_553 : vector<16xi32>
      %gather3A_555 = tpu.vector_load_idx %arg20[%add3A_554] : memref<40000xf32, #tpu.memory_space<vmem>>[vector<16xi32>], vector<16xf32>,
      %add3A_556 = arith.addf %gather3A_551, %gather3A_555 : vector<16xf32>
      %swap3A_557 = arith.constant 1 : i32
      %swap3A_558 = arith.index_cast %swap3A_557 : i32 to index
      %swap3A_559 = arith.constant 80 : index
      %swap3A_560 = tpu.vector_load %arg17[%swap3A_558, %swap3A_559] {strides = array<i32>} : memref<2x128xf32, #tpu.memory_space<vmem>>, vector<16xf32>,
      tpu.vector_store %arg17[%swap3A_558, %swap3A_559], %add3A_556 {strides = array<i32>} : memref<2x128xf32, #tpu.memory_space<vmem>>, vector<16xf32>,
      %get3A_561 = arith.constant 96 : index
      %get3A_562 = tpu.vector_load %arg9[%get3A_561] {strides = array<i32>} : memref<128xi32, #tpu.memory_space<vmem>>, vector<16xi32>,
      %mul3A_563 = arith.constant 4 : i32
      %mul3A_564 = vector.broadcast %mul3A_563 : i32 to vector<16xi32>
      %mul3A_565 = arith.muli %get3A_562, %mul3A_564 : vector<16xi32>
      %get3A_566 = arith.constant 96 : index
      %get3A_567 = tpu.vector_load %arg10[%get3A_566] {strides = array<i32>} : memref<128xi32, #tpu.memory_space<vmem>>, vector<16xi32>,
      %mul3A_568 = arith.constant 4 : i32
      %mul3A_569 = vector.broadcast %mul3A_568 : i32 to vector<16xi32>
      %mul3A_570 = arith.muli %get3A_567, %mul3A_569 : vector<16xi32>
      %gather3A_571 = tpu.vector_load_idx %arg20[%mul3A_565] : memref<40000xf32, #tpu.memory_space<vmem>>[vector<16xi32>], vector<16xf32>,
      %add3A_572 = arith.constant 2 : i32
      %add3A_573 = vector.broadcast %add3A_572 : i32 to vector<16xi32>
      %add3A_574 = arith.addi %mul3A_570, %add3A_573 : vector<16xi32>
      %gather3A_575 = tpu.vector_load_idx %arg20[%add3A_574] : memref<40000xf32, #tpu.memory_space<vmem>>[vector<16xi32>], vector<16xf32>,
      %add3A_576 = arith.addf %gather3A_571, %gather3A_575 : vector<16xf32>
      %swap3A_577 = arith.constant 0 : i32
      %swap3A_578 = arith.index_cast %swap3A_577 : i32 to index
      %swap3A_579 = arith.constant 96 : index
      %swap3A_580 = tpu.vector_load %arg17[%swap3A_578, %swap3A_579] {strides = array<i32>} : memref<2x128xf32, #tpu.memory_space<vmem>>, vector<16xf32>,
      tpu.vector_store %arg17[%swap3A_578, %swap3A_579], %add3A_576 {strides = array<i32>} : memref<2x128xf32, #tpu.memory_space<vmem>>, vector<16xf32>,
      %add3A_581 = arith.constant 1 : i32
      %add3A_582 = vector.broadcast %add3A_581 : i32 to vector<16xi32>
      %add3A_583 = arith.addi %mul3A_565, %add3A_582 : vector<16xi32>
      %gather3A_584 = tpu.vector_load_idx %arg20[%add3A_583] : memref<40000xf32, #tpu.memory_space<vmem>>[vector<16xi32>], vector<16xf32>,
      %add3A_585 = arith.constant 3 : i32
      %add3A_586 = vector.broadcast %add3A_585 : i32 to vector<16xi32>
      %add3A_587 = arith.addi %mul3A_570, %add3A_586 : vector<16xi32>
      %gather3A_588 = tpu.vector_load_idx %arg20[%add3A_587] : memref<40000xf32, #tpu.memory_space<vmem>>[vector<16xi32>], vector<16xf32>,
      %add3A_589 = arith.addf %gather3A_584, %gather3A_588 : vector<16xf32>
      %swap3A_590 = arith.constant 1 : i32
      %swap3A_591 = arith.index_cast %swap3A_590 : i32 to index
      %swap3A_592 = arith.constant 96 : index
      %swap3A_593 = tpu.vector_load %arg17[%swap3A_591, %swap3A_592] {strides = array<i32>} : memref<2x128xf32, #tpu.memory_space<vmem>>, vector<16xf32>,
      tpu.vector_store %arg17[%swap3A_591, %swap3A_592], %add3A_589 {strides = array<i32>} : memref<2x128xf32, #tpu.memory_space<vmem>>, vector<16xf32>,
      %get3A_594 = arith.constant 112 : index
      %get3A_595 = tpu.vector_load %arg9[%get3A_594] {strides = array<i32>} : memref<128xi32, #tpu.memory_space<vmem>>, vector<16xi32>,
      %mul3A_596 = arith.constant 4 : i32
      %mul3A_597 = vector.broadcast %mul3A_596 : i32 to vector<16xi32>
      %mul3A_598 = arith.muli %get3A_595, %mul3A_597 : vector<16xi32>
      %get3A_599 = arith.constant 112 : index
      %get3A_600 = tpu.vector_load %arg10[%get3A_599] {strides = array<i32>} : memref<128xi32, #tpu.memory_space<vmem>>, vector<16xi32>,
      %mul3A_601 = arith.constant 4 : i32
      %mul3A_602 = vector.broadcast %mul3A_601 : i32 to vector<16xi32>
      %mul3A_603 = arith.muli %get3A_600, %mul3A_602 : vector<16xi32>
      %gather3A_604 = tpu.vector_load_idx %arg20[%mul3A_598] : memref<40000xf32, #tpu.memory_space<vmem>>[vector<16xi32>], vector<16xf32>,
      %add3A_605 = arith.constant 2 : i32
      %add3A_606 = vector.broadcast %add3A_605 : i32 to vector<16xi32>
      %add3A_607 = arith.addi %mul3A_603, %add3A_606 : vector<16xi32>
      %gather3A_608 = tpu.vector_load_idx %arg20[%add3A_607] : memref<40000xf32, #tpu.memory_space<vmem>>[vector<16xi32>], vector<16xf32>,
      %add3A_609 = arith.addf %gather3A_604, %gather3A_608 : vector<16xf32>
      %swap3A_610 = arith.constant 0 : i32
      %swap3A_611 = arith.index_cast %swap3A_610 : i32 to index
      %swap3A_612 = arith.constant 112 : index
      %swap3A_613 = tpu.vector_load %arg17[%swap3A_611, %swap3A_612] {strides = array<i32>} : memref<2x128xf32, #tpu.memory_space<vmem>>, vector<16xf32>,
      tpu.vector_store %arg17[%swap3A_611, %swap3A_612], %add3A_609 {strides = array<i32>} : memref<2x128xf32, #tpu.memory_space<vmem>>, vector<16xf32>,
      %add3A_614 = arith.constant 1 : i32
      %add3A_615 = vector.broadcast %add3A_614 : i32 to vector<16xi32>
      %add3A_616 = arith.addi %mul3A_598, %add3A_615 : vector<16xi32>
      %gather3A_617 = tpu.vector_load_idx %arg20[%add3A_616] : memref<40000xf32, #tpu.memory_space<vmem>>[vector<16xi32>], vector<16xf32>,
      %add3A_618 = arith.constant 3 : i32
      %add3A_619 = vector.broadcast %add3A_618 : i32 to vector<16xi32>
      %add3A_620 = arith.addi %mul3A_603, %add3A_619 : vector<16xi32>
      %gather3A_621 = tpu.vector_load_idx %arg20[%add3A_620] : memref<40000xf32, #tpu.memory_space<vmem>>[vector<16xi32>], vector<16xf32>,
      %add3A_622 = arith.addf %gather3A_617, %gather3A_621 : vector<16xf32>
      %swap3A_623 = arith.constant 1 : i32
      %swap3A_624 = arith.index_cast %swap3A_623 : i32 to index
      %swap3A_625 = arith.constant 112 : index
      %swap3A_626 = tpu.vector_load %arg17[%swap3A_624, %swap3A_625] {strides = array<i32>} : memref<2x128xf32, #tpu.memory_space<vmem>>, vector<16xf32>,
      tpu.vector_store %arg17[%swap3A_624, %swap3A_625], %add3A_622 {strides = array<i32>} : memref<2x128xf32, #tpu.memory_space<vmem>>, vector<16xf32>,
      %add3A_627 = arith.constant 2496 : i32
      %add3A_628 = arith.addi %add3A, %add3A_627 : i32
      %mul3A_629 = arith.constant 128 : i32
      %mul3A_630 = arith.muli %add3A_628, %mul3A_629 : i32
      %dma_start3A_631 = arith.constant 0 : i32
      %dma_start3A_632 = tpu.memref_slice %arg8[%dma_start3A_631, %mul3A_630] : memref<2x320000xf32, #tpu.memory_space<hbm>> -> memref<2x128xf32, #tpu.memory_space<hbm>>
      %dma_start3A_633 = arith.constant 0 : i32
      %dma_start3A_634 = tpu.memref_slice %arg8[%dma_start3A_633, %mul3A_630] : memref<2x320000xf32, #tpu.memory_space<hbm>> -> memref<2x128xf32, #tpu.memory_space<hbm>>
      tpu.enqueue_dma source(%arg17 : memref<2x128xf32, #tpu.memory_space<vmem>>) target(%dma_start3A_634 : memref<2x128xf32, #tpu.memory_space<hbm>>) target_semaphore(%arg27 : memref<!tpu.dma_semaphore, #tpu.memory_space<semaphore_mem>>)
      %add3A_635 = arith.constant 2496 : i32
      %add3A_636 = arith.addi %add3A, %add3A_635 : i32
      %mul3A_637 = arith.constant 128 : i32
      %mul3A_638 = arith.muli %add3A_636, %mul3A_637 : i32
      %dma_wait3A_639 = arith.constant 0 : i32
      %dma_wait3A_640 = tpu.memref_slice %arg5[%mul3A_638, %dma_wait3A_639] : memref<320000x16xf32, #tpu.memory_space<hbm>> -> memref<128x16xf32, #tpu.memory_space<hbm>>
      %dma_wait3A_641 = arith.constant 0 : i32
      %dma_wait3A_642 = tpu.memref_slice %arg5[%mul3A_638, %dma_wait3A_641] : memref<320000x16xf32, #tpu.memory_space<hbm>> -> memref<128x16xf32, #tpu.memory_space<hbm>>
      tpu.wait_dma2 semaphore(%arg29 : memref<!tpu.dma_semaphore, #tpu.memory_space<semaphore_mem>>) src(%dma_wait3A_642 : memref<128x16xf32, #tpu.memory_space<hbm>>) dst(%arg19 : memref<128x16xf32, #tpu.memory_space<vmem>>)
      %add3A_643 = arith.constant 2496 : i32
      %add3A_644 = arith.addi %add3A, %add3A_643 : i32
      %mul3A_645 = arith.constant 128 : i32
      %mul3A_646 = arith.muli %add3A_644, %mul3A_645 : i32
      %dma_start3A_647 = arith.constant 256 : i32
      %dma_start3A_648 = tpu.memref_slice %arg7[%mul3A_646, %dma_start3A_647] : memref<320000x272xf32, #tpu.memory_space<hbm>> -> memref<128x16xf32, #tpu.memory_space<hbm>>
      %dma_start3A_649 = arith.constant 256 : i32
      %dma_start3A_650 = tpu.memref_slice %arg7[%mul3A_646, %dma_start3A_649] : memref<320000x272xf32, #tpu.memory_space<hbm>> -> memref<128x16xf32, #tpu.memory_space<hbm>>
      tpu.enqueue_dma source(%arg19 : memref<128x16xf32, #tpu.memory_space<vmem>>) target(%dma_start3A_650 : memref<128x16xf32, #tpu.memory_space<hbm>>) target_semaphore(%arg30 : memref<!tpu.dma_semaphore, #tpu.memory_space<semaphore_mem>>)
      %dma_wait3A_651 = arith.constant 0 : i32
      %dma_wait3A_652 = arith.constant 0 : i32
      %dma_wait3A_653 = tpu.memref_slice %arg4[%dma_wait3A_651, %dma_wait3A_652] : memref<10000x128xf32, #tpu.memory_space<hbm>> -> memref<10000x128xf32, #tpu.memory_space<hbm>>
      tpu.wait_indirect_dma semaphore(%arg23 : memref<!tpu.dma_semaphore, #tpu.memory_space<semaphore_mem>>) src(%dma_wait3A_653 : memref<10000x128xf32, #tpu.memory_space<hbm>>) dst(%arg13 : memref<128x128xf32, #tpu.memory_space<vmem>>)
      %dma_start3A_654 = arith.constant 0 : i32
      %dma_start3A_655 = tpu.memref_slice %arg7[%mul3A_630, %dma_start3A_654] : memref<320000x272xf32, #tpu.memory_space<hbm>> -> memref<128x128xf32, #tpu.memory_space<hbm>>
      %dma_start3A_656 = arith.constant 0 : i32
      %dma_start3A_657 = tpu.memref_slice %arg7[%mul3A_630, %dma_start3A_656] : memref<320000x272xf32, #tpu.memory_space<hbm>> -> memref<128x128xf32, #tpu.memory_space<hbm>>
      tpu.enqueue_dma source(%arg13 : memref<128x128xf32, #tpu.memory_space<vmem>>) target(%dma_start3A_657 : memref<128x128xf32, #tpu.memory_space<hbm>>) target_semaphore(%arg27 : memref<!tpu.dma_semaphore, #tpu.memory_space<semaphore_mem>>)
      %dma_wait3A_658 = arith.constant 0 : i32
      %dma_wait3A_659 = arith.constant 0 : i32
      %dma_wait3A_660 = tpu.memref_slice %arg4[%dma_wait3A_658, %dma_wait3A_659] : memref<10000x128xf32, #tpu.memory_space<hbm>> -> memref<10000x128xf32, #tpu.memory_space<hbm>>
      tpu.wait_indirect_dma semaphore(%arg25 : memref<!tpu.dma_semaphore, #tpu.memory_space<semaphore_mem>>) src(%dma_wait3A_660 : memref<10000x128xf32, #tpu.memory_space<hbm>>) dst(%arg15 : memref<128x128xf32, #tpu.memory_space<vmem>>)
      %dma_start3A_661 = arith.constant 128 : i32
      %dma_start3A_662 = tpu.memref_slice %arg7[%mul3A_630, %dma_start3A_661] : memref<320000x272xf32, #tpu.memory_space<hbm>> -> memref<128x128xf32, #tpu.memory_space<hbm>>
      %dma_start3A_663 = arith.constant 128 : i32
      %dma_start3A_664 = tpu.memref_slice %arg7[%mul3A_630, %dma_start3A_663] : memref<320000x272xf32, #tpu.memory_space<hbm>> -> memref<128x128xf32, #tpu.memory_space<hbm>>
      tpu.enqueue_dma source(%arg15 : memref<128x128xf32, #tpu.memory_space<vmem>>) target(%dma_start3A_664 : memref<128x128xf32, #tpu.memory_space<hbm>>) target_semaphore(%arg27 : memref<!tpu.dma_semaphore, #tpu.memory_space<semaphore_mem>>)
      %add3A_665 = arith.constant 2496 : i32
      %add3A_666 = arith.addi %add3A, %add3A_665 : i32
      %mul3A_667 = arith.constant 128 : i32
      %mul3A_668 = arith.muli %add3A_666, %mul3A_667 : i32
      %dma_wait3A_669 = arith.constant 0 : i32
      %dma_wait3A_670 = tpu.memref_slice %arg7[%mul3A_668, %dma_wait3A_669] : memref<320000x272xf32, #tpu.memory_space<hbm>> -> memref<128x128xf32, #tpu.memory_space<hbm>>
      %dma_wait3A_671 = arith.constant 0 : i32
      %dma_wait3A_672 = tpu.memref_slice %arg7[%mul3A_668, %dma_wait3A_671] : memref<320000x272xf32, #tpu.memory_space<hbm>> -> memref<128x128xf32, #tpu.memory_space<hbm>>
      tpu.wait_dma2 semaphore(%arg27 : memref<!tpu.dma_semaphore, #tpu.memory_space<semaphore_mem>>) src(%arg13 : memref<128x128xf32, #tpu.memory_space<vmem>>) dst(%dma_wait3A_672 : memref<128x128xf32, #tpu.memory_space<hbm>>)
      %dma_wait3A_673 = arith.constant 128 : i32
      %dma_wait3A_674 = tpu.memref_slice %arg7[%mul3A_668, %dma_wait3A_673] : memref<320000x272xf32, #tpu.memory_space<hbm>> -> memref<128x128xf32, #tpu.memory_space<hbm>>
      %dma_wait3A_675 = arith.constant 128 : i32
      %dma_wait3A_676 = tpu.memref_slice %arg7[%mul3A_668, %dma_wait3A_675] : memref<320000x272xf32, #tpu.memory_space<hbm>> -> memref<128x128xf32, #tpu.memory_space<hbm>>
      tpu.wait_dma2 semaphore(%arg27 : memref<!tpu.dma_semaphore, #tpu.memory_space<semaphore_mem>>) src(%arg15 : memref<128x128xf32, #tpu.memory_space<vmem>>) dst(%dma_wait3A_676 : memref<128x128xf32, #tpu.memory_space<hbm>>)
      %dma_wait3A_677 = arith.constant 0 : i32
      %dma_wait3A_678 = tpu.memref_slice %arg8[%dma_wait3A_677, %mul3A_668] : memref<2x320000xf32, #tpu.memory_space<hbm>> -> memref<2x128xf32, #tpu.memory_space<hbm>>
      %dma_wait3A_679 = arith.constant 0 : i32
      %dma_wait3A_680 = tpu.memref_slice %arg8[%dma_wait3A_679, %mul3A_668] : memref<2x320000xf32, #tpu.memory_space<hbm>> -> memref<2x128xf32, #tpu.memory_space<hbm>>
      tpu.wait_dma2 semaphore(%arg27 : memref<!tpu.dma_semaphore, #tpu.memory_space<semaphore_mem>>) src(%arg17 : memref<2x128xf32, #tpu.memory_space<vmem>>) dst(%dma_wait3A_680 : memref<2x128xf32, #tpu.memory_space<hbm>>)
      %add3A_681 = arith.constant 2496 : i32
      %add3A_682 = arith.addi %add3A, %add3A_681 : i32
      %mul3A_683 = arith.constant 128 : i32
      %mul3A_684 = arith.muli %add3A_682, %mul3A_683 : i32
      %dma_wait3A_685 = arith.constant 256 : i32
      %dma_wait3A_686 = tpu.memref_slice %arg7[%mul3A_684, %dma_wait3A_685] : memref<320000x272xf32, #tpu.memory_space<hbm>> -> memref<128x16xf32, #tpu.memory_space<hbm>>
      %dma_wait3A_687 = arith.constant 256 : i32
      %dma_wait3A_688 = tpu.memref_slice %arg7[%mul3A_684, %dma_wait3A_687] : memref<320000x272xf32, #tpu.memory_space<hbm>> -> memref<128x16xf32, #tpu.memory_space<hbm>>
      tpu.wait_dma2 semaphore(%arg30 : memref<!tpu.dma_semaphore, #tpu.memory_space<semaphore_mem>>) src(%arg19 : memref<128x16xf32, #tpu.memory_space<vmem>>) dst(%dma_wait3A_688 : memref<128x16xf32, #tpu.memory_space<hbm>>)
    } else {
    }
    return
  }
}

module attributes {stable_mosaic.version = 14 : i64} {
  func.func @_nproj_body(%arg0: memref<10000x128xf32, #tpu.memory_space<vmem>>, %arg1: memref<128x4xf32, #tpu.memory_space<vmem>>, %arg2: memref<10000x4xf32, #tpu.memory_space<vmem>>) attributes {dimension_semantics = [], scalar_prefetch = 0 : i64, scratch_operands = 0 : i64, tpu.core_type = #tpu.core_type<tc>} {
    %get3A = arith.constant 0 : index
    %get3A_0 = arith.constant 0 : index
    %get3A_1 = vector.load %arg0[%get3A, %get3A_0] : memref<10000x128xf32, #tpu.memory_space<vmem>>, vector<10000x128xf32>
    %get3A_2 = arith.constant 0 : index
    %get3A_3 = arith.constant 0 : index
    %get3A_4 = vector.load %arg1[%get3A_2, %get3A_3] : memref<128x4xf32, #tpu.memory_space<vmem>>, vector<128x4xf32>
    %dot_general3A = arith.constant dense<0.000000e+00> : vector<10000x4xf32>
    %dot_general3A_5 = tpu.matmul %get3A_1, %get3A_4, %dot_general3A {dimension_numbers = #tpu.dot_dimension_numbers<[1], [0], [0], [1], [0, 0, 1, 1], [], []>, transpose_lhs_hint = false} : vector<10000x128xf32>, vector<128x4xf32>, vector<10000x4xf32> -> vector<10000x4xf32>
    %swap3A = arith.constant 0 : index
    %swap3A_6 = arith.constant 0 : index
    %swap3A_7 = vector.load %arg2[%swap3A, %swap3A_6] : memref<10000x4xf32, #tpu.memory_space<vmem>>, vector<10000x4xf32>
    tpu.vector_store %arg2[%swap3A, %swap3A_6], %dot_general3A_5 {strides = array<i32>} : memref<10000x4xf32, #tpu.memory_space<vmem>>, vector<10000x4xf32>,
    return
  }
}

module attributes {stable_mosaic.version = 14 : i64} {
  func.func @_epi_body(%arg0: i32, %arg1: memref<16x12800xf32, #tpu.memory_space<vmem>>, %arg2: memref<2x16xf32, #tpu.memory_space<vmem>>, %arg3: memref<2x12800xf32, #tpu.memory_space<vmem>>, %arg4: memref<2x12800xf32, #tpu.memory_space<vmem>>) attributes {dimension_semantics = [#tpu.dimension_semantics<arbitrary>], iteration_bounds = array<i64: 25>, scalar_prefetch = 0 : i64, scratch_operands = 0 : i64, tpu.core_type = #tpu.core_type<tc>, window_params = [{transform_indices = @transform_0, window_bounds = array<i64: 16, 12800>}, {pipeline_mode = #tpu.pipeline_mode<synchronous>, transform_indices = @transform_1, window_bounds = array<i64: 2, 16>}, {transform_indices = @transform_2, window_bounds = array<i64: 2, 12800>}, {transform_indices = @transform_3, window_bounds = array<i64: 2, 12800>}]} {
    %get3A = arith.constant 0 : index
    %get3A_0 = arith.constant 0 : index
    %get3A_1 = vector.load %arg2[%get3A, %get3A_0] : memref<2x16xf32, #tpu.memory_space<vmem>>, vector<2x16xf32>
    %get3A_2 = arith.constant 0 : index
    %get3A_3 = arith.constant 0 : index
    %get3A_4 = vector.load %arg1[%get3A_2, %get3A_3] : memref<16x12800xf32, #tpu.memory_space<vmem>>, vector<16x12800xf32>
    %dot_general3A = arith.constant dense<0.000000e+00> : vector<2x12800xf32>
    %dot_general3A_5 = tpu.matmul %get3A_1, %get3A_4, %dot_general3A {dimension_numbers = #tpu.dot_dimension_numbers<[1], [0], [0], [1], [0, 0, 1, 1], [], []>, transpose_lhs_hint = false} : vector<2x16xf32>, vector<16x12800xf32>, vector<2x12800xf32> -> vector<2x12800xf32>
    %get3A_6 = arith.constant 0 : index
    %get3A_7 = arith.constant 0 : index
    %get3A_8 = vector.load %arg3[%get3A_6, %get3A_7] : memref<2x12800xf32, #tpu.memory_space<vmem>>, vector<2x12800xf32>
    %add3A = arith.addf %get3A_8, %dot_general3A_5 : vector<2x12800xf32>
    %swap3A = arith.constant 0 : index
    %swap3A_9 = arith.constant 0 : index
    %swap3A_10 = vector.load %arg4[%swap3A, %swap3A_9] : memref<2x12800xf32, #tpu.memory_space<vmem>>, vector<2x12800xf32>
    tpu.vector_store %arg4[%swap3A, %swap3A_9], %add3A {strides = array<i32>} : memref<2x12800xf32, #tpu.memory_space<vmem>>, vector<2x12800xf32>,
    return
  }
  func.func @transform_0(%arg0: i32) -> (i32, i32) {
    %c0_i32 = arith.constant 0 : i32
    %c0_i32_0 = arith.constant 0 : i32
    return %c0_i32, %arg0 : i32, i32
  }
  func.func @transform_1(%arg0: i32) -> (i32, i32) {
    %c0_i32 = arith.constant 0 : i32
    %c0_i32_0 = arith.constant 0 : i32
    %c0_i32_1 = arith.constant 0 : i32
    return %c0_i32, %c0_i32_0 : i32, i32
  }
  func.func @transform_2(%arg0: i32) -> (i32, i32) {
    %c0_i32 = arith.constant 0 : i32
    %c0_i32_0 = arith.constant 0 : i32
    return %c0_i32, %arg0 : i32, i32
  }
  func.func @transform_3(%arg0: i32) -> (i32, i32) {
    %c0_i32 = arith.constant 0 : i32
    %c0_i32_0 = arith.constant 0 : i32
    return %c0_i32, %arg0 : i32, i32
  }
}

</mosaic_0001>

<sc_bundles>
// kernel: kernel.5.cloned.1.call-start
scs
__scs_entry_jumppad:
0x0: {  	(pc) =	sbr.rel $0x88, $3  }
0x1: {  	(tag) =	ssettag $0x0;
	lr =	simm.s32 $0x1  }
0x2: {  	[smem:$0x3F9D] =	sst lr;
	_ =	strace $0xD0000000  }
0x3: {  	_ = 	snop  }
0x4: {  	_ = 	snop  }
0x5: {  	_ = 	snop  }
0x6: {  	_ = 	snop  }
0x7: {  	_ = 	snop  }
__scs_overlays_trampoline_lowered:
0x8: {  	[smem:$0x3FAC] =	sst s0  }
0x9: {  	[smem:$0x3FAD] =	sst s1  }
0xa: {  	[smem:$0x3FAE] =	sst s2  }
0xb: {  	[smem:$0x3FAF] =	sst s3  }
0xc: {  	[smem:$0x3FB0] =	sst s4  }
0xd: {  	[smem:$0x3FB1] =	sst s5  }
0xe: {  	[smem:$0x3FB2] =	sst s6  }
0xf: {  	[smem:$0x3FB3] =	sst s7  }
0x10: {  	[smem:$0x3FB4] =	sst s8  }
0x11: {  	[smem:$0x3FB5] =	sst s9;
	s0 =	simm.s32 @!p0 $0x0  }
0x12: {  	s1 =	sld [smem:$0x3F9B];
	s0 =	simm.s32 @p0 $0x1  }
0x13: {  	[smem:$0x3FB6] =	sst s0;
	s0 =	simm.s32 @!p1 $0x0  }
0x14: {  	s2 =	sld [smem:$0x3F9A];
	s0 =	simm.s32 @p1 $0x1  }
0x15: {  	[smem:$0x3FB7] =	sst s0;
	s0 =	simm.s32 @!p2 $0x0  }
0x16: {  	s3 =	sld [smem:$0x3FDB];
	s0 =	simm.s32 @p2 $0x1  }
0x17: {  	s4 =	simm.s32 $0x1BF5;
	[smem:$0x3FB9] =	sst s0  }
0x18: {  	s0 =	sld [smem:$0x3F9C];
	_ =	swait.ge [sflag:s4], $0x0  }
0x19: {  	s7 =	sld [smem:$0x3F9D]  }
0x1a: {  	s8 =	sadd.s32 $0xFFFFE003, lr  }
0x1b: {  	s9 =	sadd.s32 $0xFFFFFEF7, lr;
	s5 =	simm.s32 $0xFFFFFFFF;
	p2 =	slt.u32 s8, $0xFFFFF086  }
0x1c: {  	p1 =	slt.u32 s9, $0xF7A;
	s5 =	simm.s32 @!p2 $0x0  }
0x1d: {  	s5 =	simm.s32 @p1 $0x1;
	p0 =	seq.s32 s7, s2  }
0x1e: {  	s7 =	smul.u32 @!p0 $0xF7A, s2;
	p2 =	seq.s32 @!p0 s5, $0x0  }
0x1f: {  	s9 =	smul.u32 $0xF7A, s1;
	s8 =	simm.s32 @!p0 $0x1BF5;
	p2 =	por !p2, p0  }
0x20: {  	[sflag:s8] =	ssyncset.s32 @!p0 $0xFFFFF086;
	s6 =	sadd.s32 @!p0 s3, s7;
	s7 =	simm.s32 @!p0 $0x108  }
0x21: {  	s3 =	sadd.s32 s3, s9;
	s6 =	sadd.s32 @!p0 $0x88, s6;
	s7 =	simm.s32 @p2 $0x1082  }
0x22: {  	[simem:s7], [sflag:s8] =	dma.local @!p0 [hbm:s6], $0xF7A  }
0x23: {  	s9 =	sor.u32 $0xD0000000, s2;
	s6 =	simm.s32 $0x108;
	_ =	swait.ge @!p0 [sflag:s8], $0x0  }
0x24: {  	s3 =	sadd.s32 $0x88, s3;
	s6 =	simm.s32 @!p1 $0x1082;
	[sflag:s4] =	ssyncset.s32 $0xFFFFF086  }
0x25: {  	[simem:s6], [sflag:s4] =	dma.local [hbm:s3], $0xF7A  }
0x26: {  	[smem:$0x3F9D] =	sst s1;
	(tag) =	ssettag s2;
	_ =	strace s9  }
0x27: {  	s1 =	sld [smem:$0x3FAD]  }
0x28: {  	s2 =	sld [smem:$0x3FAE]  }
0x29: {  	s4 =	sld [smem:$0x3FB0]  }
0x2a: {  	p0 =	seq.s32 s5, $0x0;
	s5 =	sld [smem:$0x3FB1]  }
0x2b: {  	s6 =	sld [smem:$0x3FB2]  }
0x2c: {  	s7 =	sld [smem:$0x3FB3]  }
0x2d: {  	s3 =	simm.s32 $0x108;
	s8 =	sld [smem:$0x3FB4]  }
0x2e: {  	s3 =	simm.s32 @!p0 $0x1082;
	s9 =	sld [smem:$0x3FB5]  }
0x2f: {  	lr =	sadd.s32 s0, s3;
	s0 =	sld [smem:$0x3FAC]  }
0x30: {  	s3 =	sld [smem:$0x3FAF]  }
0x31: {  	[smem:$0x3FB8] =	sst s10  }
0x32: {  	s10 =	sld [smem:$0x3FB6];
	_ =	sdelay $0x3  }
0x33: {  	p0 =	seq.s32 s10, $0x1;
	s10 =	sld [smem:$0x3FB8];
	_ =	sdelay $0x3  }
0x34: {  	[smem:$0x3FB8] =	sst s10  }
0x35: {  	s10 =	sld [smem:$0x3FB7];
	_ =	sdelay $0x3  }
0x36: {  	p1 =	seq.s32 s10, $0x1;
	s10 =	sld [smem:$0x3FB8];
	_ =	sdelay $0x3  }
0x37: {  	[smem:$0x3FB8] =	sst s10  }
0x38: {  	s10 =	sld [smem:$0x3FB9]  }
0x39: {  	_ = 	snop;
	(pc) =	sbr.ind lr, $3  }
0x3a: {  	_ = 	snop  }
0x3b: {  	_ = 	snop  }
0x3c: {  	p2 =	seq.s32 s10, $0x1;
	s10 =	sld [smem:$0x3FB8]  }
0x3d: {  	_ =	shalt  }
0x3e: {  	_ =	shalt  }
0x3f: {  	_ =	shalt  }
0x40: {  	_ =	shalt  }
0x41: {  	_ =	shalt  }
0x42: {  	_ =	shalt  }
0x43: {  	_ =	shalt  }
0x44: {  	_ =	shalt  }
0x45: {  	_ =	shalt  }
0x46: {  	_ =	shalt  }
0x47: {  	_ =	shalt  }
0x48: {  	_ =	shalt  }
0x49: {  	_ =	shalt  }
0x4a: {  	_ =	shalt  }
0x4b: {  	_ =	shalt  }
0x4c: {  	_ =	shalt  }
0x4d: {  	_ =	shalt  }
0x4e: {  	_ =	shalt  }
0x4f: {  	_ =	shalt  }
0x50: {  	_ =	shalt  }
0x51: {  	_ =	shalt  }
0x52: {  	_ =	shalt  }
0x53: {  	_ =	shalt  }
0x54: {  	_ =	shalt  }
0x55: {  	_ =	shalt  }
0x56: {  	_ =	shalt  }
0x57: {  	_ =	shalt  }
0x58: {  	_ =	shalt  }
0x59: {  	_ =	shalt  }
0x5a: {  	_ =	shalt  }
0x5b: {  	_ =	shalt  }
0x5c: {  	_ =	shalt  }
0x5d: {  	_ =	shalt  }
0x5e: {  	_ =	shalt  }
0x5f: {  	_ =	shalt  }
0x60: {  	_ =	shalt  }
0x61: {  	_ =	shalt  }
0x62: {  	_ =	shalt  }
0x63: {  	_ =	shalt  }
0x64: {  	_ =	shalt  }
0x65: {  	_ =	shalt  }
0x66: {  	_ =	shalt  }
0x67: {  	_ =	shalt  }
0x68: {  	_ =	shalt  }
0x69: {  	_ =	shalt  }
0x6a: {  	_ =	shalt  }
0x6b: {  	_ =	shalt  }
0x6c: {  	_ =	shalt  }
0x6d: {  	_ =	shalt  }
0x6e: {  	_ =	shalt  }
0x6f: {  	_ =	shalt  }
0x70: {  	_ =	shalt  }
0x71: {  	_ =	shalt  }
0x72: {  	_ =	shalt  }
0x73: {  	_ =	shalt  }
0x74: {  	_ =	shalt  }
0x75: {  	_ =	shalt  }
0x76: {  	_ =	shalt  }
0x77: {  	_ =	shalt  }
0x78: {  	_ =	shalt  }
0x79: {  	_ =	shalt  }
0x7a: {  	_ =	shalt  }
0x7b: {  	_ =	shalt  }
0x7c: {  	_ =	shalt  }
0x7d: {  	_ =	shalt  }
0x7e: {  	_ =	shalt  }
0x7f: {  	_ =	shalt  }
0x80: {  	_ =	shalt  }
0x81: {  	_ =	shalt  }
0x82: {  	_ =	shalt  }
0x83: {  	_ =	shalt  }
0x84: {  	_ =	shalt  }
0x85: {  	_ =	shalt  }
0x86: {  	_ =	shalt  }
0x87: {  	_ =	shalt  }
.Lfunc_end0:
.L_simem_size_0:
called_computation_lowered:
.L_overlay_start_0:
0x88: {  	s2 =	sld [smem:$0x3FD9]  }
0x89: {  	s3 =	sld [smem:$0x3FFE];
	_ =	sdelay $0x1  }
0x8a: {  	s1 =	srdreg.scid  }
0x8b: {  	s0 =	sand.u32 $0x1, s1  }
0x8c: {  	s14 =	sshll.u32 s0, $0xA;
	s2 =	sadd.s32 s3, s2  }
0x8d: {  	s2 =	sadd.s32 s2, s14  }
0x8e: {  	[smem:$0x3FC4] =	sst s2  }
0x8f: {  	_ = 	snop  }
0x90: {  	s2 =	sld [smem:$0x3FD0];
	_ =	sdelay $0x2  }
0x91: {  	s4 =	simm.s32 $0xA;
	s5 =	simm.s32 $0x10;
	s15 =	sld [smem:$0x3FC7]  }
0x92: {  	[smem:s5], [sflag:s4] =	dma.local [hbm:s2], $0x1  }
0x93: {  	_ =	swait.eq [sflag:s4], $0x1  }
0x94: {  	[sflag:s4] =	ssyncset.done $0x0  }
0x95: {  	s16 =	sld [smem:$0x10];
	[sflag:s4] =	ssyncadd.s32 $0xFFFFFFFF  }
0x96: {  	s17 =	sld [smem:$0x11];
	(tm) =	ssettm $0x1  }
0x97: {  	s18 =	sld [smem:$0x3FFB];
	_ =	sdelay $0x3  }
0x98: {  	_ =	strace s18  }
0x99: {  	s5 =	sld [smem:$0x3FFC];
	_ =	sdelay $0x3  }
0x9a: {  	_ =	strace s5  }
0x9b: {  	s5 =	sld [smem:$0x3FFD];
	_ =	sdelay $0x3  }
0x9c: {  	_ =	strace s5  }
0x9d: {  	_ =	strace $0x8FFFFFFF  }
0x9e: {  	s19 =	sld [smem:$0x3FDB];
	_ =	sdelay $0x1  }
0x9f: {  	s6 =	simm.s32 $_scs_section_size  }
0xa0: {  	s7 =	simm.s32 $_size__tile_overlayer_lowered;
	s8 =	simm.s32 $_tile_overlayer_lowered  }
0xa1: {  	s22 =	simm.s32 $0x1BFF;
	s21 =	sshll.u32 s8, $0x1;
	s5 =	sadd.s32 s6, s19  }
0xa2: {  	s9 =	simm.s32 $0x0;
	s20 =	sshll.u32 s7, $0x1;
	s7 =	sadd.s32 s21, s5  }
0xa3: {  	[timem:s9], [sflag:s22] =	dma.local [hbm:s7], s20  }
0xa4: {  	_ =	swait.ge [sflag:s22], s20  }
0xa5: {  	s6 =	ssub.s32 $0x0, s20;
	[sflag:s22] =	ssyncset.done $0x0  }
0xa6: {  	[sflag:s22] =	ssyncadd.s32 s6;
	_ =	sdelay $0x1  }
0xa7: {  	s23 =	simm.s32 $0x1B8B  }
0xa8: {  	_ =	swait.ge [sflag:s23], $0x1  }
0xa9: {  	[sflag:s23] =	ssyncset.done $0x0  }
0xaa: {  	s25 =	simm.s32 $0x1B8E;
	s24 =	sld [smem:$0x3FFE];
	[sflag:s23] =	ssyncadd.s32 $0xFFFFFFFF  }
0xab: {  	s26 =	simm.s32 $execute0_lowered;
	[smem:$0x3FD2] =	sst s25  }
0xac: {  	s7 =	sshll.u32 s26, $0x1;
	_ =	strace $0x80000046;
	[dreg:$0x1] =	wrdreg $0xFFFFFFFF  }
0xad: {  	s28 =	simm.s32 $_size_execute0_lowered;
	s5 =	sadd.s32 s5, s7;
	[dreg:$0x0] =	wrdreg $0x0  }
0xae: {  	s7 =	sshll.u32 s28, $0x1;
	[dreg:$0x2] =	wrdreg s5  }
0xaf: {  	[dreg:$0x3] =	wrdreg s7  }
0xb0: {  	[dreg:$0x4] =	wrdreg $0xC0  }
0xb1: {  	_ =	task [dreg:s9], $0x5FFFF  }
0xb2: {  	[dreg:$0x1] =	wrdreg $0xFFFFFFFF  }
0xb3: {  	[dreg:$0x0] =	wrdreg $0x60  }
0xb4: {  	[dreg:$0x2] =	wrdreg s24  }
0xb5: {  	[dreg:$0x3] =	wrdreg s15  }
0xb6: {  	[dreg:$0x4] =	wrdreg s17  }
0xb7: {  	[dreg:$0x5] =	wrdreg s16  }
0xb8: {  	[dreg:$0x6] =	wrdreg $0x9  }
0xb9: {  	_ =	task.clear_ibuf [dreg:s9], $0x7FFFF;
	_ =	strace $0x90000046  }
0xba: {  	s29 =	simm.s32 $0x9;
	_ =	strace $0x80000048  }
0xbb: {  	_ =	swait.ge [sflag:s29], $0x1  }
0xbc: {  	[sflag:s29] =	ssyncadd.s32 $0xFFFFFFFF  }
0xbd: {  	_ =	strace $0x90000048  }
0xbe: {  	_ =	sfence  }
0xbf: {  	s30 =	sld [smem:$0x0];
	_ =	sdelay $0x2  }
0xc0: {  	s31 =	sshll.u32 s1, $0xD;
	s1 =	sshrl.u32 s1, $0x2  }
0xc1: {  	s3 =	sand.u32 $0x4000, s31;
	s1 =	sadd.s32 s1, s30  }
0xc2: {  	s0 =	sor.u32 s3, s0;
	s1 =	sshll.u32 s1, $0x11  }
0xc3: {  	s0 =	sor.u32 s1, s0  }
0xc4: {  	s0 =	sadd.s32 $0x8F2B, s0  }
0xc5: {  	[sflag:s0] =	ssyncadd.remote.s32 $0x1  }
0xc6: {  	_ =	sfence.sel $0xFFFF  }
0xc7: {  	[dreg:$0x0] =	wrdreg $0xFFFFFFFF;
	(pc) =	sbr.abs _section_cstart, $3  }
0xc8: {  	[dreg:$0x1] =	wrdreg $0xFFFFFFFF  }
0xc9: {  	_ =	task.clear_ibuf [dreg:s9], $0x2FFFF;
	_ =	strace $0x9FFFFFFF  }
0xca: {  	(tm) =	ssettm $0x7FFFFFFF  }
0xcb: {  	_ =	shalt  }
tec
execute0_lowered:
.L_overlay_start_1:
0x0: {  	(tag) =	ssettag $0x1  }
0x1: {  	s0 =	rddreg [dreg:$0x0]  }
0x2: {  	s1 =	rddreg [dreg:$0x1]  }
0x3: {  	s2 =	rddreg [dreg:$0x2]  }
0x4: {  	s12 =	rddreg [dreg:$0x3]  }
0x5: {  	s3 =	simm.s32 $0x0;
	s5 =	srdreg.scid;
	s13 =	stileid.u32  }
0x6: {  	s29 =	simm.s32 $0x14400;
	s31 =	simm.s32 $0x80;
	s28 =	simm.s32 $0x4  }
0x7: {  	s30 =	simm.s32 $0x6;
	[smem:$0x7FF] =	sst s3;
	s4 =	sadd.s32 $0xA600, s0  }
0x8: {  	s6 =	sadd.s32 $0x800, s0;
	s5 =	sand.u32 $0x1, s5;
	s7 =	sshll.u32 s13, $0x1  }
0x9: {  	s8 =	sadd.s32 $0x14400, s0;
	s14 =	sadd.s32 $0x15800, s0;
	s21 =	sadd.s32 $0x15900, s0  }
0xa: {  	s16 =	sadd.s32 $0x15880, s0;
	_ =	strace $0x80000047;
	[dreg:$0x5] =	wrdreg s8  }
0xb: {  	p0 =	slt.u32 s13, $0x2;
	p1 =	sgt.u32 s13, $0x1;
	[dreg:$0x9] =	wrdreg s21  }
0xc: {  	s18 =	ssub.s32 $0x2, s5;
	s7 =	sor.u32 s5, s7;
	[dreg:$0x6] =	wrdreg s14  }
0xd: {  	s17 =	sshll.u32 s5, $0x4;
	[dreg:$0xa] =	wrdreg s16;
	s9 =	sshrl.u32 s18, $0x1  }
0xe: {  	s10 =	sshll.u32 s7, $0x7;
	s19 =	sshll.u32 s7, $0x4;
	s22 =	sshll.u32 s7, $0xB  }
0xf: {  	s8 =	ssub.s32 s18, s9;
	s11 =	sor.u32 $0x4D000, s10;
	s15 =	sadd.s32 s4, s19  }
0x10: {  	s9 =	sadd.s32 s6, s19;
	s0 =	sadd.s32 s22, s2;
	s25 =	sor.u32 $0x4E000, s10  }
0x11: {  	s18 =	sshll.u32 s13, $0xC;
	s19 =	sshll.u32 s5, $0xB;
	[dreg:$0x7] =	wrdreg s15  }
0x12: {  	s5 =	sshll.u32 s5, $0x7;
	[dreg:$0x8] =	wrdreg s9;
	s20 =	sshrl.u32 s11, $0x3  }
0x13: {  	s11 =	sshrl.u32 s11, $0x2;
	s0 =	sadd.s32 $0x4E0000, s0;
	s26 =	sshrl.u32 s25, $0x2  }
0x14: {  	s2 =	sadd.s32 s18, s2;
	s18 =	simm.s32 $0x8200;
	s9 =	smul.u32 $0x180, s20  }
0x15: {  	s11 =	sadd.s32 s12, s11;
	[dreg:$0xf] =	wrdreg s0;
	s0 =	sshrl.u32 s25, $0x3  }
0x16: {  	s2 =	sadd.s32 s19, s2;
	s20 =	sshll.u32 s13, $0x8;
	s25 =	sshll.u32 s7, $0x5  }
0x17: {  	s19 =	simm.s32 $0x100;
	s7 =	simm.s32 $0x9;
	[dreg:$0xb] =	wrdreg s11  }
0x18: {  	[dreg:$0x11] =	wrdreg s2;
	s2 =	sor.u32 s5, s20;
	s5 =	sor.u32 $0x3FFFFC00, s25  }
0x19: {  	s11 =	sshll.u32 s13, $0x5;
	s23 =	sadd.s32 s9, s21;
	[dreg:$0x17] =	wrdreg s5  }
0x1a: {  	s0 =	smul.u32 $0x180, s0;
	s24 =	sadd.s32 s14, s9;
	[dreg:$0xc] =	wrdreg s23  }
0x1b: {  	s20 =	simm.s32 $0x180;
	s9 =	sadd.s32 s9, s16;
	[dreg:$0xd] =	wrdreg s24  }
0x1c: {  	s13 =	simm.s32 $0x5;
	s11 =	sor.u32 s17, s11;
	[dreg:$0xe] =	wrdreg s9  }
0x1d: {  	s9 =	sadd.s32 s12, s26;
	s21 =	sadd.s32 s0, s21;
	s22 =	sadd.s32 s14, s0  }
0x1e: {  	s0 =	sadd.s32 s0, s16;
	s23 =	sshrl.u32 s2, $0x3;
	[dreg:$0x10] =	wrdreg s11  }
0x1f: {  	s24 =	smax.u32 s8, $0x1;
	s4 =	sadd.s32 s4, s11;
	[dreg:$0x12] =	wrdreg s9  }
0x20: {  	s2 =	sshrl.u32 s2, $0x2;
	s25 =	sadd.s32 s6, s11;
	[dreg:$0x13] =	wrdreg s21  }
0x21: {  	s8 =	simm.s32 $0x400;
	s11 =	simm.s32 $0xC00;
	[dreg:$0x14] =	wrdreg s22  }
0x22: {  	s14 =	simm.s32 $0x2;
	[dreg:$0x15] =	wrdreg s0;
	s0 =	smul.u32 $0x180, s23  }
.Ltmp0:
0x23: {  	s6 =	simm.s32 $0x0;
	[dreg:$0x16] =	wrdreg s24;
	(pc) =	sbr.rel .LBB2_1-.Ltmp0, $4  }
0x24: {  	[dreg:$0x1a] =	wrdreg s4;
	s26 =	sadd.s32 s2, s12;
	s4 =	simm.s32 $0x200  }
0x25: {  	s21 =	simm.s32 $0x10400;
	s12 =	simm.s32 $0x3;
	s22 =	simm.s32 $0xA  }
0x26: {  	s23 =	simm.s32 $0x7;
	[dreg:$0x19] =	wrdreg s26;
	s0 =	sadd.s32 s0, s16  }
0x27: {  	s24 =	simm.s32 $0xC200;
	[dreg:$0x18] =	wrdreg s0;
	s0 =	simm.s32 $0x1  }
.LBB2_7:
0x28: {  	s6 =	sadd.s32 $0x1, s6;
	s2 =	rddreg [dreg:$0x16]  }
0x29: {  	p2 =	sne.s32 s6, s2  }
.Ltmp1:
0x2a: {  	_ = 	snop;
	(pc) =	sbr.rel @!p2 .LBB2_8-.Ltmp1, $1  }
0x2b: {  	_ =	sdelay $0x3  }
.LBB2_1:
0x2c: {  	[dreg:$0x1b] =	wrdreg s6  }
0x2d: {  	s2 =	rddreg [dreg:$0x5];
	s16 =	simm.s32 $0xB  }
0x2e: {  	[tilespmem:s29], [sflag:$0xB] =	stream.linear.gather [hbm4b:s2+s3], $0x9C80, $0x38;
	[tilespmem:$0x1E080] =	vst v63  }
0x2f: {  	_ =	swait.ge [sflag:s16], $0x9C80  }
0x30: {  	s17 =	rddreg [dreg:$0x7]  }
0x31: {  	s26 =	rddreg [dreg:$0x8]  }
0x32: {  	[sflag:s16] =	ssyncset.done $0x0;
	s2 =	rddreg [dreg:$0x19]  }
.Ltmp2:
0x33: {  	s5 =	rddreg [dreg:$0x11];
	[sflag:s16] =	ssyncadd.s32 $0xFFFF6380;
	(pc) =	sbr.rel .LBB2_2-.Ltmp2, $4  }
0x34: {  	[tilespmem:s3], [sflag:$0x1] =	stream.linear.gather [hbm4b:s17+s3], $0x80, $0x38;
	[tilespmem:$0x1E080] =	vst v63  }
0x35: {  	s9 =	rddreg [dreg:$0x17]  }
0x36: {  	[tilespmem:s31], [sflag:$0x1] =	stream.linear.gather [hbm4b:s26+s3], $0x80, $0x38;
	[tilespmem:$0x1E080] =	vst v63  }
0x37: {  	s6 =	simm.s32 $0x0;
	s26 =	rddreg [dreg:$0x18]  }
.LBB2_4:
0x38: {  	_ =	swait.ge [sflag:s0], $0x80  }
0x39: {  	[sflag:s0] =	ssyncset.done $0x0  }
0x3a: {  	[sflag:s0] =	ssyncadd.s32 $0xFFFFFF80  }
0x3b: {  	_ =	swait.ge [sflag:s0], $0x80  }
0x3c: {  	[sflag:s0] =	ssyncset.done $0x0  }
0x3d: {  	s10 =	rddreg [dreg:$0x1a];
	[sflag:s0] =	ssyncadd.s32 $0xFFFFFF80  }
0x3e: {  	[tilespmem:s4], [sflag:$0x3] =	stream.indirect.gather [hbm4b:s1+s31], $0x80, s3, s31, $0xb8;
	[tilespmem:$0x1E080] =	vst v63  }
0x3f: {  	s10 =	sadd.s32 s6, s10  }
0x40: {  	[tilespmem:s18], [sflag:$0x5] =	stream.indirect.gather [hbm4b:s1+s31], $0x80, s31, s31, $0xb8;
	[tilespmem:$0x1E080] =	vst v63  }
0x41: {  	s16 =	sadd.s32 $0x200, s10  }
0x42: {  	[tilespmem:s19], [sflag:$0x2] =	stream.linear.gather [hbm4b:s16+s3], $0x80, $0x38;
	[tilespmem:$0x1E080] =	vst v63  }
0x43: {  	s16 =	sadd.s32 s6, s25  }
0x44: {  	s15 =	sadd.s32 $0x200, s16  }
0x45: {  	[tilespmem:s20], [sflag:$0x2] =	stream.linear.gather [hbm4b:s15+s3], $0x80, $0x38;
	[tilespmem:$0x1E080] =	vst v63  }
0x46: {  	s15 =	simm.s32 @!p2 $0xA  }
0x47: {  	_ =	swait.ge @!p2 [sflag:s15], $0x4000  }
0x48: {  	[sflag:s15] =	ssyncset.done @!p2 $0x0  }
0x49: {  	[sflag:s15] =	ssyncadd.s32 @!p2 $0xFFFFC000;
	s15 =	simm.s32 @!p2 $0x8  }
0x4a: {  	[tilespmem:s21], [sflag:$0x9] =	stream.linear.gather [hbm4b:s5+s3], $0x4000, $0x38;
	[tilespmem:$0x1E080] =	vst v63  }
0x4b: {  	_ =	swait.ge @!p2 [sflag:s15], $0x4000  }
0x4c: {  	[sflag:s15] =	ssyncset.done @!p2 $0x0  }
0x4d: {  	[sflag:s15] =	ssyncadd.s32 @!p2 $0xFFFFC000  }
0x4e: {  	_ =	swait.ge @!p2 [sflag:s15], $0x4000  }
0x4f: {  	[sflag:s15] =	ssyncset.done @!p2 $0x0  }
0x50: {  	[sflag:s15] =	ssyncadd.s32 @!p2 $0xFFFFC000  }
0x51: {  	_ =	swait.ge @!p2 [sflag:s15], $0x100  }
0x52: {  	[sflag:s15] =	ssyncset.done @!p2 $0x0  }
0x53: {  	[sflag:s15] =	ssyncadd.s32 @!p2 $0xFFFFFF00  }
0x54: {  	v0 =	vld [tilespmem:$0x0]  }
0x55: {  	v1 =	vld [tilespmem:$0x80];
	_ =	sdelay $0x4  }
0x56: {  	v0 =	vshll.u32 v0, $0x2;
	v1 =	vshll.u32 v1, $0x2  }
0x57: {  	v2 =	vor.u32 $0x2, v1;
	_ =	sdelay $0x3  }
0x58: {  	v3 =	vld.idx.msk [tilespmem:v0+s29+$0x0], $0xffff  }
0x59: {  	v2 =	vld.idx.msk [tilespmem:v2+s29+$0x0], $0xffff;
	_ =	sdelay $0x2  }
0x5a: {  	v0 =	vor.u32 $0x1, v0  }
0x5b: {  	v1 =	vor.u32 $0x3, v1  }
0x5c: {  	v2 =	vadd.f32 v2, v3  }
0x5d: {  	v36 =	vld [tilespmem:$0x10]  }
0x5e: {  	v37 =	vld [tilespmem:$0x90];
	[tilespmem:$0x10200] =	vst v2  }
0x5f: {  	v0 =	vld.idx.msk [tilespmem:v0+s29+$0x0], $0xffff  }
0x60: {  	v1 =	vld.idx.msk [tilespmem:v1+s29+$0x0], $0xffff;
	_ =	sdelay $0x2  }
0x61: {  	v3 =	vshll.u32 v36, $0x2;
	v2 =	vshll.u32 v37, $0x2  }
0x62: {  	v4 =	vor.u32 $0x2, v2  }
0x63: {  	v0 =	vadd.f32 v1, v0;
	_ =	sdelay $0x1  }
0x64: {  	[tilespmem:$0x10280] =	vst v0  }
0x65: {  	v0 =	vld.idx.msk [tilespmem:v3+s29+$0x0], $0xffff  }
0x66: {  	v38 =	vld.idx.msk [tilespmem:v4+s29+$0x0], $0xffff;
	_ =	sdelay $0x2  }
0x67: {  	v3 =	vor.u32 $0x1, v3  }
0x68: {  	v2 =	vor.u32 $0x3, v2  }
0x69: {  	v0 =	vadd.f32 v38, v0  }
0x6a: {  	v39 =	vld [tilespmem:$0x20]  }
0x6b: {  	v40 =	vld [tilespmem:$0xA0];
	[tilespmem:$0x10210] =	vst v0  }
0x6c: {  	v3 =	vld.idx.msk [tilespmem:v3+s29+$0x0], $0xffff  }
0x6d: {  	v2 =	vld.idx.msk [tilespmem:v2+s29+$0x0], $0xffff;
	_ =	sdelay $0x2  }
0x6e: {  	v1 =	vshll.u32 v39, $0x2;
	v0 =	vshll.u32 v40, $0x2  }
0x6f: {  	v41 =	vor.u32 $0x2, v0  }
0x70: {  	v2 =	vadd.f32 v2, v3;
	_ =	sdelay $0x1  }
0x71: {  	[tilespmem:$0x10290] =	vst v2  }
0x72: {  	v2 =	vld.idx.msk [tilespmem:v1+s29+$0x0], $0xffff  }
0x73: {  	v42 =	vld.idx.msk [tilespmem:v41+s29+$0x0], $0xffff;
	_ =	sdelay $0x2  }
0x74: {  	v1 =	vor.u32 $0x1, v1  }
0x75: {  	v0 =	vor.u32 $0x3, v0  }
0x76: {  	v2 =	vadd.f32 v42, v2  }
0x77: {  	v43 =	vld [tilespmem:$0x30]  }
0x78: {  	v44 =	vld [tilespmem:$0xB0];
	[tilespmem:$0x10220] =	vst v2  }
0x79: {  	v1 =	vld.idx.msk [tilespmem:v1+s29+$0x0], $0xffff  }
0x7a: {  	v0 =	vld.idx.msk [tilespmem:v0+s29+$0x0], $0xffff;
	_ =	sdelay $0x2  }
0x7b: {  	v3 =	vshll.u32 v43, $0x2;
	v2 =	vshll.u32 v44, $0x2  }
0x7c: {  	v45 =	vor.u32 $0x2, v2  }
0x7d: {  	v0 =	vadd.f32 v0, v1;
	_ =	sdelay $0x1  }
0x7e: {  	[tilespmem:$0x102A0] =	vst v0  }
0x7f: {  	v0 =	vld.idx.msk [tilespmem:v3+s29+$0x0], $0xffff  }
0x80: {  	v46 =	vld.idx.msk [tilespmem:v45+s29+$0x0], $0xffff;
	_ =	sdelay $0x2  }
0x81: {  	v3 =	vor.u32 $0x1, v3  }
0x82: {  	v2 =	vor.u32 $0x3, v2  }
0x83: {  	v0 =	vadd.f32 v46, v0  }
0x84: {  	v47 =	vld [tilespmem:$0x40]  }
0x85: {  	v48 =	vld [tilespmem:$0xC0];
	[tilespmem:$0x10230] =	vst v0  }
0x86: {  	v3 =	vld.idx.msk [tilespmem:v3+s29+$0x0], $0xffff  }
0x87: {  	v2 =	vld.idx.msk [tilespmem:v2+s29+$0x0], $0xffff;
	_ =	sdelay $0x2  }
0x88: {  	v1 =	vshll.u32 v47, $0x2;
	v0 =	vshll.u32 v48, $0x2  }
0x89: {  	v49 =	vor.u32 $0x2, v0  }
0x8a: {  	v2 =	vadd.f32 v2, v3;
	_ =	sdelay $0x1  }
0x8b: {  	[tilespmem:$0x102B0] =	vst v2  }
0x8c: {  	v2 =	vld.idx.msk [tilespmem:v1+s29+$0x0], $0xffff  }
0x8d: {  	v50 =	vld.idx.msk [tilespmem:v49+s29+$0x0], $0xffff;
	_ =	sdelay $0x2  }
0x8e: {  	v1 =	vor.u32 $0x1, v1  }
0x8f: {  	v0 =	vor.u32 $0x3, v0  }
0x90: {  	v2 =	vadd.f32 v50, v2  }
0x91: {  	v51 =	vld [tilespmem:$0x50]  }
0x92: {  	v52 =	vld [tilespmem:$0xD0];
	[tilespmem:$0x10240] =	vst v2  }
0x93: {  	v1 =	vld.idx.msk [tilespmem:v1+s29+$0x0], $0xffff  }
0x94: {  	v0 =	vld.idx.msk [tilespmem:v0+s29+$0x0], $0xffff;
	_ =	sdelay $0x2  }
0x95: {  	v3 =	vshll.u32 v51, $0x2;
	v2 =	vshll.u32 v52, $0x2  }
0x96: {  	v53 =	vor.u32 $0x2, v2  }
0x97: {  	v0 =	vadd.f32 v0, v1;
	_ =	sdelay $0x1  }
0x98: {  	[tilespmem:$0x102C0] =	vst v0  }
0x99: {  	v0 =	vld.idx.msk [tilespmem:v3+s29+$0x0], $0xffff  }
0x9a: {  	v54 =	vld.idx.msk [tilespmem:v53+s29+$0x0], $0xffff;
	_ =	sdelay $0x2  }
0x9b: {  	v3 =	vor.u32 $0x1, v3  }
0x9c: {  	v2 =	vor.u32 $0x3, v2  }
0x9d: {  	v0 =	vadd.f32 v54, v0  }
0x9e: {  	v55 =	vld [tilespmem:$0x60]  }
0x9f: {  	v56 =	vld [tilespmem:$0xE0];
	[tilespmem:$0x10250] =	vst v0  }
0xa0: {  	v3 =	vld.idx.msk [tilespmem:v3+s29+$0x0], $0xffff  }
0xa1: {  	v2 =	vld.idx.msk [tilespmem:v2+s29+$0x0], $0xffff;
	_ =	sdelay $0x2  }
0xa2: {  	v1 =	vshll.u32 v55, $0x2;
	v0 =	vshll.u32 v56, $0x2  }
0xa3: {  	v57 =	vor.u32 $0x2, v0  }
0xa4: {  	v2 =	vadd.f32 v2, v3;
	_ =	sdelay $0x1  }
0xa5: {  	[tilespmem:$0x102D0] =	vst v2  }
0xa6: {  	v2 =	vld.idx.msk [tilespmem:v1+s29+$0x0], $0xffff  }
0xa7: {  	v58 =	vld.idx.msk [tilespmem:v57+s29+$0x0], $0xffff;
	_ =	sdelay $0x2  }
0xa8: {  	v1 =	vor.u32 $0x1, v1  }
0xa9: {  	v0 =	vor.u32 $0x3, v0  }
0xaa: {  	v2 =	vadd.f32 v58, v2  }
0xab: {  	v59 =	vld [tilespmem:$0x70]  }
0xac: {  	v60 =	vld [tilespmem:$0xF0];
	[tilespmem:$0x10260] =	vst v2  }
0xad: {  	v1 =	vld.idx.msk [tilespmem:v1+s29+$0x0], $0xffff  }
0xae: {  	v0 =	vld.idx.msk [tilespmem:v0+s29+$0x0], $0xffff;
	_ =	sdelay $0x2  }
0xaf: {  	v3 =	vshll.u32 v59, $0x2;
	v2 =	vshll.u32 v60, $0x2  }
0xb0: {  	v61 =	vor.u32 $0x2, v2  }
0xb1: {  	v0 =	vadd.f32 v0, v1;
	_ =	sdelay $0x1  }
0xb2: {  	[tilespmem:$0x102E0] =	vst v0  }
0xb3: {  	v0 =	vld.idx.msk [tilespmem:v3+s29+$0x0], $0xffff  }
0xb4: {  	v62 =	vld.idx.msk [tilespmem:v61+s29+$0x0], $0xffff;
	_ =	sdelay $0x2  }
0xb5: {  	v3 =	vor.u32 $0x1, v3  }
0xb6: {  	v2 =	vor.u32 $0x3, v2  }
0xb7: {  	v0 =	vadd.f32 v62, v0;
	_ =	sdelay $0x1  }
0xb8: {  	[tilespmem:$0x10270] =	vst v0  }
0xb9: {  	v0 =	vld.idx.msk [tilespmem:v3+s29+$0x0], $0xffff  }
0xba: {  	v63 =	vld.idx.msk [tilespmem:v2+s29+$0x0], $0xffff;
	_ =	sdelay $0x4  }
0xbb: {  	v0 =	vadd.f32 v63, v0;
	_ =	sdelay $0x1  }
0xbc: {  	s15 =	simm.s32 $0x10200;
	[tilespmem:$0x102F0] =	vst v0  }
0xbd: {  	[hbm4b:s2+s3] =	stream.linear.scatter [tilespmem:s15], [sflag:$0x7], $0x100, $0x38;
	[tilespmem:$0x1E080] =	vst v63  }
0xbe: {  	_ =	swait.ge [sflag:s7], $0x4000  }
0xbf: {  	[sflag:s7] =	ssyncset.done $0x0  }
0xc0: {  	s15 =	sadd.s32 $0x80, s26;
	[sflag:s7] =	ssyncadd.s32 $0xFFFFC000  }
0xc1: {  	[hbm4b:s15+s8] =	stream.strided.scatter [tilespmem:s21], [sflag:$0xA], $0x4000, s11, s8, $0x38;
	[tilespmem:$0x1E080] =	vst v63  }
0xc2: {  	_ =	swait.ge [sflag:s12], $0x4000  }
0xc3: {  	[sflag:s12] =	ssyncset.done $0x0  }
0xc4: {  	s15 =	sadd.s32 $0xFFFFFF80, s26;
	[sflag:s12] =	ssyncadd.s32 $0xFFFFC000  }
0xc5: {  	[hbm4b:s15+s8] =	stream.strided.scatter [tilespmem:s4], [sflag:$0x7], $0x4000, s11, s8, $0x38;
	[tilespmem:$0x1E080] =	vst v63  }
0xc6: {  	_ =	swait.ge [sflag:s13], $0x4000  }
0xc7: {  	[sflag:s13] =	ssyncset.done $0x0  }
0xc8: {  	[sflag:s13] =	ssyncadd.s32 $0xFFFFC000  }
0xc9: {  	[hbm4b:s26+s8] =	stream.strided.scatter [tilespmem:s18], [sflag:$0x7], $0x4000, s11, s8, $0x38;
	[tilespmem:$0x1E080] =	vst v63  }
0xca: {  	_ =	swait.ge [sflag:s14], $0x80  }
0xcb: {  	[sflag:s14] =	ssyncset.done $0x0  }
0xcc: {  	[sflag:s14] =	ssyncadd.s32 $0xFFFFFF80  }
0xcd: {  	_ =	swait.ge [sflag:s14], $0x80  }
0xce: {  	[sflag:s14] =	ssyncset.done $0x0  }
0xcf: {  	p2 =	seq.s32 @!p0 s6, $0x9800;
	[sflag:s14] =	ssyncadd.s32 $0xFFFFFF80  }
0xd0: {  	[tilespmem:s17], [sflag:$0x4] =	stream.indirect.gather [hbm4b:s1+s31], $0x80, s19, s31, $0xb8;
	[tilespmem:$0x1E080] =	vst v63  }
0xd1: {  	p2 =	por p0, !p2  }
0xd2: {  	[tilespmem:s24], [sflag:$0x6] =	stream.indirect.gather [hbm4b:s1+s31], $0x80, s20, s31, $0xb8;
	[tilespmem:$0x1E080] =	vst v63  }
0xd3: {  	s10 =	sadd.s32 @p2 $0x400, s10  }
0xd4: {  	[tilespmem:s3], [sflag:$0x1] =	stream.linear.gather @p2 [hbm4b:s10+s3], $0x80, $0x38;
	[tilespmem:$0x1E080] =	vst v63  }
0xd5: {  	s6 =	sadd.s32 $0x400, s6;
	s10 =	sadd.s32 @p2 $0x400, s16  }
0xd6: {  	[tilespmem:s31], [sflag:$0x1] =	stream.linear.gather @p2 [hbm4b:s10+s3], $0x80, $0x38;
	[tilespmem:$0x1E080] =	vst v63  }
0xd7: {  	p2 =	sne.s32 s6, $0x9C00  }
.Ltmp3:
0xd8: {  	s9 =	sadd.s32 $0x800, s9;
	(pc) =	sbr.rel @!p2 .LBB2_5-.Ltmp3, $4  }
0xd9: {  	s2 =	sadd.s32 $0x800, s2;
	s15 =	simm.s32 $0x4200;
	_ =	swait.ge [sflag:s22], $0x4000  }
0xda: {  	s26 =	sadd.s32 $0x60000, s26;
	s17 =	simm.s32 $0xC200;
	[sflag:s22] =	ssyncset.done $0x0  }
0xdb: {  	s16 =	sadd.s32 $0x10000, s5;
	s5 =	sadd.s32 $0x20000, s5;
	[sflag:s22] =	ssyncadd.s32 $0xFFFFC000  }
0xdc: {  	[tilespmem:s21], [sflag:$0x9] =	stream.linear.gather [hbm4b:s16+s3], $0x4000, $0x38;
	[tilespmem:$0x1E080] =	vst v63  }
.LBB2_2:
0xdd: {  	p2 =	seq.s32 s6, $0x0  }
.Ltmp4:
0xde: {  	_ = 	snop;
	(pc) =	sbr.rel @p2 .LBB2_4-.Ltmp4, $2  }
0xdf: {  	_ =	sdelay $0x2  }
0xe0: {  	s17 =	simm.s32 $0x4200  }
0xe1: {  	_ =	swait.ge [sflag:s23], $0x4000  }
0xe2: {  	[sflag:s23] =	ssyncset.done $0x0  }
0xe3: {  	[sflag:s23] =	ssyncadd.s32 $0xFFFFC000  }
0xe4: {  	_ =	swait.ge [sflag:s23], $0x4000  }
0xe5: {  	[sflag:s23] =	ssyncset.done $0x0  }
0xe6: {  	[sflag:s23] =	ssyncadd.s32 $0xFFFFC000  }
0xe7: {  	_ =	swait.ge [sflag:s23], $0x100  }
0xe8: {  	[sflag:s23] =	ssyncset.done $0x0  }
0xe9: {  	[sflag:s23] =	ssyncadd.s32 $0xFFFFFF00  }
0xea: {  	v0 =	vld [tilespmem:$0x100]  }
0xeb: {  	v1 =	vld [tilespmem:$0x180];
	_ =	sdelay $0x4  }
0xec: {  	v0 =	vshll.u32 v0, $0x2;
	v1 =	vshll.u32 v1, $0x2  }
0xed: {  	v2 =	vor.u32 $0x2, v1;
	_ =	sdelay $0x3  }
0xee: {  	v3 =	vld.idx.msk [tilespmem:v0+s29+$0x0], $0xffff  }
0xef: {  	v2 =	vld.idx.msk [tilespmem:v2+s29+$0x0], $0xffff;
	_ =	sdelay $0x2  }
0xf0: {  	v0 =	vor.u32 $0x1, v0  }
0xf1: {  	v1 =	vor.u32 $0x3, v1  }
0xf2: {  	v2 =	vadd.f32 v2, v3  }
0xf3: {  	v36 =	vld [tilespmem:$0x110]  }
0xf4: {  	v37 =	vld [tilespmem:$0x190];
	[tilespmem:$0x10300] =	vst v2  }
0xf5: {  	v0 =	vld.idx.msk [tilespmem:v0+s29+$0x0], $0xffff  }
0xf6: {  	v1 =	vld.idx.msk [tilespmem:v1+s29+$0x0], $0xffff;
	_ =	sdelay $0x2  }
0xf7: {  	v3 =	vshll.u32 v36, $0x2;
	v2 =	vshll.u32 v37, $0x2  }
0xf8: {  	v4 =	vor.u32 $0x2, v2  }
0xf9: {  	v0 =	vadd.f32 v1, v0;
	_ =	sdelay $0x1  }
0xfa: {  	[tilespmem:$0x10380] =	vst v0  }
0xfb: {  	v0 =	vld.idx.msk [tilespmem:v3+s29+$0x0], $0xffff  }
0xfc: {  	v38 =	vld.idx.msk [tilespmem:v4+s29+$0x0], $0xffff;
	_ =	sdelay $0x2  }
0xfd: {  	v3 =	vor.u32 $0x1, v3  }
0xfe: {  	v2 =	vor.u32 $0x3, v2  }
0xff: {  	v0 =	vadd.f32 v38, v0  }
0x100: {  	v39 =	vld [tilespmem:$0x120]  }
0x101: {  	v40 =	vld [tilespmem:$0x1A0];
	[tilespmem:$0x10310] =	vst v0  }
0x102: {  	v3 =	vld.idx.msk [tilespmem:v3+s29+$0x0], $0xffff  }
0x103: {  	v2 =	vld.idx.msk [tilespmem:v2+s29+$0x0], $0xffff;
	_ =	sdelay $0x2  }
0x104: {  	v1 =	vshll.u32 v39, $0x2;
	v0 =	vshll.u32 v40, $0x2  }
0x105: {  	v41 =	vor.u32 $0x2, v0  }
0x106: {  	v2 =	vadd.f32 v2, v3;
	_ =	sdelay $0x1  }
0x107: {  	[tilespmem:$0x10390] =	vst v2  }
0x108: {  	v2 =	vld.idx.msk [tilespmem:v1+s29+$0x0], $0xffff  }
0x109: {  	v42 =	vld.idx.msk [tilespmem:v41+s29+$0x0], $0xffff;
	_ =	sdelay $0x2  }
0x10a: {  	v1 =	vor.u32 $0x1, v1  }
0x10b: {  	v0 =	vor.u32 $0x3, v0  }
0x10c: {  	v2 =	vadd.f32 v42, v2  }
0x10d: {  	v43 =	vld [tilespmem:$0x130]  }
0x10e: {  	v44 =	vld [tilespmem:$0x1B0];
	[tilespmem:$0x10320] =	vst v2  }
0x10f: {  	v1 =	vld.idx.msk [tilespmem:v1+s29+$0x0], $0xffff  }
0x110: {  	v0 =	vld.idx.msk [tilespmem:v0+s29+$0x0], $0xffff;
	_ =	sdelay $0x2  }
0x111: {  	v3 =	vshll.u32 v43, $0x2;
	v2 =	vshll.u32 v44, $0x2  }
0x112: {  	v45 =	vor.u32 $0x2, v2  }
0x113: {  	v0 =	vadd.f32 v0, v1;
	_ =	sdelay $0x1  }
0x114: {  	[tilespmem:$0x103A0] =	vst v0  }
0x115: {  	v0 =	vld.idx.msk [tilespmem:v3+s29+$0x0], $0xffff  }
0x116: {  	v46 =	vld.idx.msk [tilespmem:v45+s29+$0x0], $0xffff;
	_ =	sdelay $0x2  }
0x117: {  	v3 =	vor.u32 $0x1, v3  }
0x118: {  	v2 =	vor.u32 $0x3, v2  }
0x119: {  	v0 =	vadd.f32 v46, v0  }
0x11a: {  	v47 =	vld [tilespmem:$0x140]  }
0x11b: {  	v48 =	vld [tilespmem:$0x1C0];
	[tilespmem:$0x10330] =	vst v0  }
0x11c: {  	v3 =	vld.idx.msk [tilespmem:v3+s29+$0x0], $0xffff  }
0x11d: {  	v2 =	vld.idx.msk [tilespmem:v2+s29+$0x0], $0xffff;
	_ =	sdelay $0x2  }
0x11e: {  	v1 =	vshll.u32 v47, $0x2;
	v0 =	vshll.u32 v48, $0x2  }
0x11f: {  	v49 =	vor.u32 $0x2, v0  }
0x120: {  	v2 =	vadd.f32 v2, v3;
	_ =	sdelay $0x1  }
0x121: {  	[tilespmem:$0x103B0] =	vst v2  }
0x122: {  	v2 =	vld.idx.msk [tilespmem:v1+s29+$0x0], $0xffff  }
0x123: {  	v50 =	vld.idx.msk [tilespmem:v49+s29+$0x0], $0xffff;
	_ =	sdelay $0x2  }
0x124: {  	v1 =	vor.u32 $0x1, v1  }
0x125: {  	v0 =	vor.u32 $0x3, v0  }
0x126: {  	v2 =	vadd.f32 v50, v2  }
0x127: {  	v51 =	vld [tilespmem:$0x150]  }
0x128: {  	v52 =	vld [tilespmem:$0x1D0];
	[tilespmem:$0x10340] =	vst v2  }
0x129: {  	v1 =	vld.idx.msk [tilespmem:v1+s29+$0x0], $0xffff  }
0x12a: {  	v0 =	vld.idx.msk [tilespmem:v0+s29+$0x0], $0xffff;
	_ =	sdelay $0x2  }
0x12b: {  	v3 =	vshll.u32 v51, $0x2;
	v2 =	vshll.u32 v52, $0x2  }
0x12c: {  	v53 =	vor.u32 $0x2, v2  }
0x12d: {  	v0 =	vadd.f32 v0, v1;
	_ =	sdelay $0x1  }
0x12e: {  	[tilespmem:$0x103C0] =	vst v0  }
0x12f: {  	v0 =	vld.idx.msk [tilespmem:v3+s29+$0x0], $0xffff  }
0x130: {  	v54 =	vld.idx.msk [tilespmem:v53+s29+$0x0], $0xffff;
	_ =	sdelay $0x2  }
0x131: {  	v3 =	vor.u32 $0x1, v3  }
0x132: {  	v2 =	vor.u32 $0x3, v2  }
0x133: {  	v0 =	vadd.f32 v54, v0  }
0x134: {  	v55 =	vld [tilespmem:$0x160]  }
0x135: {  	v56 =	vld [tilespmem:$0x1E0];
	[tilespmem:$0x10350] =	vst v0  }
0x136: {  	v3 =	vld.idx.msk [tilespmem:v3+s29+$0x0], $0xffff  }
0x137: {  	v2 =	vld.idx.msk [tilespmem:v2+s29+$0x0], $0xffff;
	_ =	sdelay $0x2  }
0x138: {  	v1 =	vshll.u32 v55, $0x2;
	v0 =	vshll.u32 v56, $0x2  }
0x139: {  	v57 =	vor.u32 $0x2, v0  }
0x13a: {  	v2 =	vadd.f32 v2, v3;
	_ =	sdelay $0x1  }
0x13b: {  	[tilespmem:$0x103D0] =	vst v2  }
0x13c: {  	v2 =	vld.idx.msk [tilespmem:v1+s29+$0x0], $0xffff  }
0x13d: {  	v58 =	vld.idx.msk [tilespmem:v57+s29+$0x0], $0xffff;
	_ =	sdelay $0x2  }
0x13e: {  	v1 =	vor.u32 $0x1, v1  }
0x13f: {  	v0 =	vor.u32 $0x3, v0  }
0x140: {  	v2 =	vadd.f32 v58, v2  }
0x141: {  	v59 =	vld [tilespmem:$0x170]  }
0x142: {  	v60 =	vld [tilespmem:$0x1F0];
	[tilespmem:$0x10360] =	vst v2  }
0x143: {  	v1 =	vld.idx.msk [tilespmem:v1+s29+$0x0], $0xffff  }
0x144: {  	v0 =	vld.idx.msk [tilespmem:v0+s29+$0x0], $0xffff;
	_ =	sdelay $0x2  }
0x145: {  	v3 =	vshll.u32 v59, $0x2;
	v2 =	vshll.u32 v60, $0x2  }
0x146: {  	v61 =	vor.u32 $0x2, v2  }
0x147: {  	v0 =	vadd.f32 v0, v1;
	_ =	sdelay $0x1  }
0x148: {  	[tilespmem:$0x103E0] =	vst v0  }
0x149: {  	v0 =	vld.idx.msk [tilespmem:v3+s29+$0x0], $0xffff  }
0x14a: {  	v62 =	vld.idx.msk [tilespmem:v61+s29+$0x0], $0xffff;
	_ =	sdelay $0x2  }
0x14b: {  	v3 =	vor.u32 $0x1, v3  }
0x14c: {  	v2 =	vor.u32 $0x3, v2  }
0x14d: {  	v0 =	vadd.f32 v62, v0;
	_ =	sdelay $0x1  }
0x14e: {  	[tilespmem:$0x10370] =	vst v0  }
0x14f: {  	v0 =	vld.idx.msk [tilespmem:v3+s29+$0x0], $0xffff  }
0x150: {  	v63 =	vld.idx.msk [tilespmem:v2+s29+$0x0], $0xffff;
	_ =	sdelay $0x4  }
0x151: {  	v0 =	vadd.f32 v63, v0  }
0x152: {  	s10 =	sand.u32 $0x1FFFFFE0, s9;
	s15 =	rddreg [dreg:$0x3]  }
0x153: {  	s16 =	simm.s32 $0x10300;
	s10 =	sadd.s32 s15, s10;
	s15 =	rddreg [dreg:$0x10];
	[tilespmem:$0x103F0] =	vst v0  }
0x154: {  	[hbm4b:s10+s3] =	stream.linear.scatter [tilespmem:s16], [sflag:$0x8], $0x100, $0x38;
	[tilespmem:$0x1E080] =	vst v63  }
0x155: {  	s10 =	sadd.s32 s6, s15  }
0x156: {  	s10 =	sadd.s32 $0x1FFFFE00, s10  }
0x157: {  	s10 =	sand.u32 $0x3FFFF0, s10  }
0x158: {  	s10 =	smul.u32 $0xC00, s10  }
0x159: {  	_ =	swait.ge [sflag:s7], $0x4000  }
0x15a: {  	[sflag:s7] =	ssyncset.done $0x0;
	s16 =	rddreg [dreg:$0x9];
	s10 =	sshrl.u32 s10, $0x3  }
0x15b: {  	[sflag:s7] =	ssyncadd.s32 $0xFFFFC000;
	s16 =	sadd.s32 s10, s16  }
0x15c: {  	[hbm4b:s16+s8] =	stream.strided.scatter [tilespmem:s21], [sflag:$0xA], $0x4000, s11, s8, $0x38;
	[tilespmem:$0x1E080] =	vst v63  }
0x15d: {  	_ =	swait.ge [sflag:s28], $0x4000  }
0x15e: {  	[sflag:s28] =	ssyncset.done $0x0;
	s16 =	rddreg [dreg:$0x6]  }
0x15f: {  	[sflag:s28] =	ssyncadd.s32 $0xFFFFC000;
	s15 =	sadd.s32 s16, s10  }
0x160: {  	[hbm4b:s15+s8] =	stream.strided.scatter [tilespmem:s17], [sflag:$0x8], $0x4000, s11, s8, $0x38;
	[tilespmem:$0x1E080] =	vst v63  }
.Ltmp5:
0x161: {  	_ = 	snop;
	(pc) =	sbr.rel .LBB2_4-.Ltmp5, $4  }
0x162: {  	_ =	swait.ge [sflag:s30], $0x4000  }
0x163: {  	[sflag:s30] =	ssyncset.done $0x0;
	s16 =	rddreg [dreg:$0xa]  }
0x164: {  	[sflag:s30] =	ssyncadd.s32 $0xFFFFC000;
	s10 =	sadd.s32 s10, s16  }
0x165: {  	[hbm4b:s10+s8] =	stream.strided.scatter [tilespmem:s24], [sflag:$0x8], $0x4000, s11, s8, $0x38;
	[tilespmem:$0x1E080] =	vst v63  }
.LBB2_5:
0x166: {  	_ =	swait.ge [sflag:s23], $0x4000  }
0x167: {  	[sflag:s23] =	ssyncset.done $0x0  }
0x168: {  	[sflag:s23] =	ssyncadd.s32 $0xFFFFC000  }
0x169: {  	_ =	swait.ge [sflag:s23], $0x4000  }
0x16a: {  	[sflag:s23] =	ssyncset.done $0x0  }
0x16b: {  	[sflag:s23] =	ssyncadd.s32 $0xFFFFC000  }
0x16c: {  	_ =	swait.ge [sflag:s23], $0x100  }
0x16d: {  	[sflag:s23] =	ssyncset.done $0x0  }
0x16e: {  	[sflag:s23] =	ssyncadd.s32 $0xFFFFFF00  }
0x16f: {  	v0 =	vld [tilespmem:$0x100]  }
0x170: {  	v1 =	vld [tilespmem:$0x180];
	_ =	sdelay $0x4  }
0x171: {  	v0 =	vshll.u32 v0, $0x2;
	v1 =	vshll.u32 v1, $0x2  }
0x172: {  	v2 =	vor.u32 $0x2, v1;
	_ =	sdelay $0x3  }
0x173: {  	v3 =	vld.idx.msk [tilespmem:v0+s29+$0x0], $0xffff  }
0x174: {  	v2 =	vld.idx.msk [tilespmem:v2+s29+$0x0], $0xffff;
	_ =	sdelay $0x2  }
0x175: {  	v0 =	vor.u32 $0x1, v0  }
0x176: {  	v1 =	vor.u32 $0x3, v1  }
0x177: {  	v2 =	vadd.f32 v2, v3  }
0x178: {  	v36 =	vld [tilespmem:$0x110]  }
0x179: {  	v37 =	vld [tilespmem:$0x190];
	[tilespmem:$0x10300] =	vst v2  }
0x17a: {  	v0 =	vld.idx.msk [tilespmem:v0+s29+$0x0], $0xffff  }
0x17b: {  	v1 =	vld.idx.msk [tilespmem:v1+s29+$0x0], $0xffff;
	_ =	sdelay $0x2  }
0x17c: {  	v3 =	vshll.u32 v36, $0x2;
	v2 =	vshll.u32 v37, $0x2  }
0x17d: {  	v4 =	vor.u32 $0x2, v2  }
0x17e: {  	v0 =	vadd.f32 v1, v0;
	_ =	sdelay $0x1  }
0x17f: {  	[tilespmem:$0x10380] =	vst v0  }
0x180: {  	v0 =	vld.idx.msk [tilespmem:v3+s29+$0x0], $0xffff  }
0x181: {  	v38 =	vld.idx.msk [tilespmem:v4+s29+$0x0], $0xffff;
	_ =	sdelay $0x2  }
0x182: {  	v3 =	vor.u32 $0x1, v3  }
0x183: {  	v2 =	vor.u32 $0x3, v2  }
0x184: {  	v0 =	vadd.f32 v38, v0  }
0x185: {  	v39 =	vld [tilespmem:$0x120]  }
0x186: {  	v40 =	vld [tilespmem:$0x1A0];
	[tilespmem:$0x10310] =	vst v0  }
0x187: {  	v3 =	vld.idx.msk [tilespmem:v3+s29+$0x0], $0xffff  }
0x188: {  	v2 =	vld.idx.msk [tilespmem:v2+s29+$0x0], $0xffff;
	_ =	sdelay $0x2  }
0x189: {  	v1 =	vshll.u32 v39, $0x2;
	v0 =	vshll.u32 v40, $0x2  }
0x18a: {  	v41 =	vor.u32 $0x2, v0  }
0x18b: {  	v2 =	vadd.f32 v2, v3;
	_ =	sdelay $0x1  }
0x18c: {  	[tilespmem:$0x10390] =	vst v2  }
0x18d: {  	v2 =	vld.idx.msk [tilespmem:v1+s29+$0x0], $0xffff  }
0x18e: {  	v42 =	vld.idx.msk [tilespmem:v41+s29+$0x0], $0xffff;
	_ =	sdelay $0x2  }
0x18f: {  	v1 =	vor.u32 $0x1, v1  }
0x190: {  	v0 =	vor.u32 $0x3, v0  }
0x191: {  	v2 =	vadd.f32 v42, v2  }
0x192: {  	v43 =	vld [tilespmem:$0x130]  }
0x193: {  	v44 =	vld [tilespmem:$0x1B0];
	[tilespmem:$0x10320] =	vst v2  }
0x194: {  	v1 =	vld.idx.msk [tilespmem:v1+s29+$0x0], $0xffff  }
0x195: {  	v0 =	vld.idx.msk [tilespmem:v0+s29+$0x0], $0xffff;
	_ =	sdelay $0x2  }
0x196: {  	v3 =	vshll.u32 v43, $0x2;
	v2 =	vshll.u32 v44, $0x2  }
0x197: {  	v45 =	vor.u32 $0x2, v2  }
0x198: {  	v0 =	vadd.f32 v0, v1;
	_ =	sdelay $0x1  }
0x199: {  	[tilespmem:$0x103A0] =	vst v0  }
0x19a: {  	v0 =	vld.idx.msk [tilespmem:v3+s29+$0x0], $0xffff  }
0x19b: {  	v46 =	vld.idx.msk [tilespmem:v45+s29+$0x0], $0xffff;
	_ =	sdelay $0x2  }
0x19c: {  	v3 =	vor.u32 $0x1, v3  }
0x19d: {  	v2 =	vor.u32 $0x3, v2  }
0x19e: {  	v0 =	vadd.f32 v46, v0  }
0x19f: {  	v47 =	vld [tilespmem:$0x140]  }
0x1a0: {  	v48 =	vld [tilespmem:$0x1C0];
	[tilespmem:$0x10330] =	vst v0  }
0x1a1: {  	v3 =	vld.idx.msk [tilespmem:v3+s29+$0x0], $0xffff  }
0x1a2: {  	v2 =	vld.idx.msk [tilespmem:v2+s29+$0x0], $0xffff;
	_ =	sdelay $0x2  }
0x1a3: {  	v1 =	vshll.u32 v47, $0x2;
	v0 =	vshll.u32 v48, $0x2  }
0x1a4: {  	v49 =	vor.u32 $0x2, v0  }
0x1a5: {  	v2 =	vadd.f32 v2, v3;
	_ =	sdelay $0x1  }
0x1a6: {  	[tilespmem:$0x103B0] =	vst v2  }
0x1a7: {  	v2 =	vld.idx.msk [tilespmem:v1+s29+$0x0], $0xffff  }
0x1a8: {  	v50 =	vld.idx.msk [tilespmem:v49+s29+$0x0], $0xffff;
	_ =	sdelay $0x2  }
0x1a9: {  	v1 =	vor.u32 $0x1, v1  }
0x1aa: {  	v0 =	vor.u32 $0x3, v0  }
0x1ab: {  	v2 =	vadd.f32 v50, v2  }
0x1ac: {  	v51 =	vld [tilespmem:$0x150]  }
0x1ad: {  	v52 =	vld [tilespmem:$0x1D0];
	[tilespmem:$0x10340] =	vst v2  }
0x1ae: {  	v1 =	vld.idx.msk [tilespmem:v1+s29+$0x0], $0xffff  }
0x1af: {  	v0 =	vld.idx.msk [tilespmem:v0+s29+$0x0], $0xffff;
	_ =	sdelay $0x2  }
0x1b0: {  	v3 =	vshll.u32 v51, $0x2;
	v2 =	vshll.u32 v52, $0x2  }
0x1b1: {  	v53 =	vor.u32 $0x2, v2  }
0x1b2: {  	v0 =	vadd.f32 v0, v1;
	_ =	sdelay $0x1  }
0x1b3: {  	[tilespmem:$0x103C0] =	vst v0  }
0x1b4: {  	v0 =	vld.idx.msk [tilespmem:v3+s29+$0x0], $0xffff  }
0x1b5: {  	v54 =	vld.idx.msk [tilespmem:v53+s29+$0x0], $0xffff;
	_ =	sdelay $0x2  }
0x1b6: {  	v3 =	vor.u32 $0x1, v3  }
0x1b7: {  	v2 =	vor.u32 $0x3, v2  }
0x1b8: {  	v0 =	vadd.f32 v54, v0  }
0x1b9: {  	v55 =	vld [tilespmem:$0x160]  }
0x1ba: {  	v56 =	vld [tilespmem:$0x1E0];
	[tilespmem:$0x10350] =	vst v0  }
0x1bb: {  	v3 =	vld.idx.msk [tilespmem:v3+s29+$0x0], $0xffff  }
0x1bc: {  	v2 =	vld.idx.msk [tilespmem:v2+s29+$0x0], $0xffff;
	_ =	sdelay $0x2  }
0x1bd: {  	v1 =	vshll.u32 v55, $0x2;
	v0 =	vshll.u32 v56, $0x2  }
0x1be: {  	v57 =	vor.u32 $0x2, v0  }
0x1bf: {  	v2 =	vadd.f32 v2, v3;
	_ =	sdelay $0x1  }
0x1c0: {  	[tilespmem:$0x103D0] =	vst v2  }
0x1c1: {  	v2 =	vld.idx.msk [tilespmem:v1+s29+$0x0], $0xffff  }
0x1c2: {  	v58 =	vld.idx.msk [tilespmem:v57+s29+$0x0], $0xffff;
	_ =	sdelay $0x2  }
0x1c3: {  	v1 =	vor.u32 $0x1, v1  }
0x1c4: {  	v0 =	vor.u32 $0x3, v0  }
0x1c5: {  	v2 =	vadd.f32 v58, v2  }
0x1c6: {  	v59 =	vld [tilespmem:$0x170]  }
0x1c7: {  	v60 =	vld [tilespmem:$0x1F0];
	[tilespmem:$0x10360] =	vst v2  }
0x1c8: {  	v1 =	vld.idx.msk [tilespmem:v1+s29+$0x0], $0xffff  }
0x1c9: {  	v0 =	vld.idx.msk [tilespmem:v0+s29+$0x0], $0xffff;
	_ =	sdelay $0x2  }
0x1ca: {  	v3 =	vshll.u32 v59, $0x2;
	v2 =	vshll.u32 v60, $0x2  }
0x1cb: {  	v61 =	vor.u32 $0x2, v2  }
0x1cc: {  	v0 =	vadd.f32 v0, v1;
	_ =	sdelay $0x1  }
0x1cd: {  	[tilespmem:$0x103E0] =	vst v0  }
0x1ce: {  	v0 =	vld.idx.msk [tilespmem:v3+s29+$0x0], $0xffff  }
0x1cf: {  	v62 =	vld.idx.msk [tilespmem:v61+s29+$0x0], $0xffff;
	_ =	sdelay $0x2  }
0x1d0: {  	v3 =	vor.u32 $0x1, v3  }
0x1d1: {  	v2 =	vor.u32 $0x3, v2  }
0x1d2: {  	v0 =	vadd.f32 v62, v0;
	_ =	sdelay $0x1  }
0x1d3: {  	[tilespmem:$0x10370] =	vst v0  }
0x1d4: {  	v0 =	vld.idx.msk [tilespmem:v3+s29+$0x0], $0xffff  }
0x1d5: {  	v63 =	vld.idx.msk [tilespmem:v2+s29+$0x0], $0xffff;
	_ =	sdelay $0x4  }
0x1d6: {  	v0 =	vadd.f32 v63, v0;
	_ =	sdelay $0x1  }
0x1d7: {  	s5 =	simm.s32 $0x10300;
	s2 =	rddreg [dreg:$0xb];
	[tilespmem:$0x103F0] =	vst v0  }
0x1d8: {  	[hbm4b:s2+s3] =	stream.linear.scatter [tilespmem:s5], [sflag:$0x8], $0x100, $0x38;
	[tilespmem:$0x1E080] =	vst v63  }
0x1d9: {  	_ =	swait.ge [sflag:s7], $0x4000  }
0x1da: {  	[sflag:s7] =	ssyncset.done $0x0  }
0x1db: {  	s9 =	rddreg [dreg:$0xc];
	[sflag:s7] =	ssyncadd.s32 $0xFFFFC000  }
0x1dc: {  	[hbm4b:s9+s8] =	stream.strided.scatter [tilespmem:s21], [sflag:$0xA], $0x4000, s11, s8, $0x38;
	[tilespmem:$0x1E080] =	vst v63  }
0x1dd: {  	_ =	swait.ge [sflag:s28], $0x4000  }
0x1de: {  	[sflag:s28] =	ssyncset.done $0x0  }
0x1df: {  	s10 =	rddreg [dreg:$0xd];
	[sflag:s28] =	ssyncadd.s32 $0xFFFFC000  }
0x1e0: {  	[hbm4b:s10+s8] =	stream.strided.scatter [tilespmem:s15], [sflag:$0x8], $0x4000, s11, s8, $0x38;
	[tilespmem:$0x1E080] =	vst v63  }
0x1e1: {  	_ =	swait.ge [sflag:s30], $0x4000  }
0x1e2: {  	[sflag:s30] =	ssyncset.done $0x0  }
0x1e3: {  	s2 =	simm.s32 @p1 $0xA;
	s16 =	rddreg [dreg:$0xe];
	[sflag:s30] =	ssyncadd.s32 $0xFFFFC000  }
0x1e4: {  	[hbm4b:s16+s8] =	stream.strided.scatter [tilespmem:s17], [sflag:$0x8], $0x4000, s11, s8, $0x38;
	[tilespmem:$0x1E080] =	vst v63  }
0x1e5: {  	_ =	swait.ge @p1 [sflag:s2], $0x4000  }
0x1e6: {  	[sflag:s2] =	ssyncset.done @p1 $0x0  }
0x1e7: {  	[sflag:s2] =	ssyncadd.s32 @p1 $0xFFFFC000;
	s2 =	simm.s32 @!p1 $0x1  }
0x1e8: {  	_ =	swait.ge @!p1 [sflag:s2], $0x80  }
0x1e9: {  	[sflag:s2] =	ssyncset.done @!p1 $0x0  }
0x1ea: {  	[sflag:s2] =	ssyncadd.s32 @!p1 $0xFFFFFF80  }
0x1eb: {  	_ =	swait.ge @!p1 [sflag:s2], $0x80  }
0x1ec: {  	s6 =	simm.s32 @!p1 $0x200;
	[sflag:s2] =	ssyncset.done @!p1 $0x0  }
0x1ed: {  	s5 =	simm.s32 @!p1 $0x0;
	[sflag:s2] =	ssyncadd.s32 @!p1 $0xFFFFFF80;
	s2 =	simm.s32 @!p1 $0x80  }
0x1ee: {  	[tilespmem:s6], [sflag:$0x3] =	stream.indirect.gather @!p1 [hbm4b:s1+s2], $0x80, s5, s2, $0xb8;
	[tilespmem:$0x1E080] =	vst v63  }
0x1ef: {  	s6 =	simm.s32 @!p1 $0x8200  }
0x1f0: {  	[tilespmem:s6], [sflag:$0x5] =	stream.indirect.gather @!p1 [hbm4b:s1+s2], $0x80, s2, s2, $0xb8;
	[tilespmem:$0x1E080] =	vst v63  }
0x1f1: {  	s2 =	simm.s32 @!p1 $0xA  }
0x1f2: {  	_ =	swait.ge @!p1 [sflag:s2], $0x4000  }
0x1f3: {  	s26 =	simm.s32 $0x8;
	[sflag:s2] =	ssyncset.done @!p1 $0x0  }
0x1f4: {  	s6 =	rddreg [dreg:$0xf];
	[sflag:s2] =	ssyncadd.s32 @!p1 $0xFFFFC000;
	s2 =	simm.s32 @!p1 $0x10400  }
0x1f5: {  	[tilespmem:s2], [sflag:$0x9] =	stream.linear.gather @!p1 [hbm4b:s6+s5], $0x4000, $0x38;
	[tilespmem:$0x1E080] =	vst v63  }
0x1f6: {  	_ =	swait.ge [sflag:s26], $0x4000  }
0x1f7: {  	[sflag:s26] =	ssyncset.done $0x0  }
0x1f8: {  	[sflag:s26] =	ssyncadd.s32 $0xFFFFC000  }
0x1f9: {  	_ =	swait.ge [sflag:s26], $0x4000  }
.Ltmp6:
0x1fa: {  	[sflag:s26] =	ssyncset.done $0x0;
	(pc) =	sbr.rel @p1 .LBB2_7-.Ltmp6, $4  }
0x1fb: {  	[sflag:s26] =	ssyncadd.s32 $0xFFFFC000  }
0x1fc: {  	_ =	swait.ge [sflag:s26], $0x100  }
0x1fd: {  	[sflag:s26] =	ssyncset.done $0x0  }
0x1fe: {  	s6 =	rddreg [dreg:$0x1b];
	[sflag:s26] =	ssyncadd.s32 $0xFFFFFF00  }
0x1ff: {  	v0 =	vld [tilespmem:$0x0]  }
0x200: {  	v1 =	vld [tilespmem:$0x80];
	_ =	sdelay $0x4  }
0x201: {  	v0 =	vshll.u32 v0, $0x2;
	v1 =	vshll.u32 v1, $0x2  }
0x202: {  	v2 =	vor.u32 $0x2, v1;
	_ =	sdelay $0x3  }
0x203: {  	v3 =	vld.idx.msk [tilespmem:v0+s29+$0x0], $0xffff  }
0x204: {  	v2 =	vld.idx.msk [tilespmem:v2+s29+$0x0], $0xffff;
	_ =	sdelay $0x2  }
0x205: {  	v0 =	vor.u32 $0x1, v0  }
0x206: {  	v1 =	vor.u32 $0x3, v1  }
0x207: {  	v2 =	vadd.f32 v2, v3  }
0x208: {  	v36 =	vld [tilespmem:$0x10]  }
0x209: {  	v37 =	vld [tilespmem:$0x90];
	[tilespmem:$0x10200] =	vst v2  }
0x20a: {  	v0 =	vld.idx.msk [tilespmem:v0+s29+$0x0], $0xffff  }
0x20b: {  	v1 =	vld.idx.msk [tilespmem:v1+s29+$0x0], $0xffff;
	_ =	sdelay $0x2  }
0x20c: {  	v3 =	vshll.u32 v36, $0x2;
	v2 =	vshll.u32 v37, $0x2  }
0x20d: {  	v4 =	vor.u32 $0x2, v2  }
0x20e: {  	v0 =	vadd.f32 v1, v0;
	_ =	sdelay $0x1  }
0x20f: {  	[tilespmem:$0x10280] =	vst v0  }
0x210: {  	v0 =	vld.idx.msk [tilespmem:v3+s29+$0x0], $0xffff  }
0x211: {  	v38 =	vld.idx.msk [tilespmem:v4+s29+$0x0], $0xffff;
	_ =	sdelay $0x2  }
0x212: {  	v3 =	vor.u32 $0x1, v3  }
0x213: {  	v2 =	vor.u32 $0x3, v2  }
0x214: {  	v0 =	vadd.f32 v38, v0  }
0x215: {  	v39 =	vld [tilespmem:$0x20]  }
0x216: {  	v40 =	vld [tilespmem:$0xA0];
	[tilespmem:$0x10210] =	vst v0  }
0x217: {  	v3 =	vld.idx.msk [tilespmem:v3+s29+$0x0], $0xffff  }
0x218: {  	v2 =	vld.idx.msk [tilespmem:v2+s29+$0x0], $0xffff;
	_ =	sdelay $0x2  }
0x219: {  	v1 =	vshll.u32 v39, $0x2;
	v0 =	vshll.u32 v40, $0x2  }
0x21a: {  	v41 =	vor.u32 $0x2, v0  }
0x21b: {  	v2 =	vadd.f32 v2, v3;
	_ =	sdelay $0x1  }
0x21c: {  	[tilespmem:$0x10290] =	vst v2  }
0x21d: {  	v2 =	vld.idx.msk [tilespmem:v1+s29+$0x0], $0xffff  }
0x21e: {  	v42 =	vld.idx.msk [tilespmem:v41+s29+$0x0], $0xffff;
	_ =	sdelay $0x2  }
0x21f: {  	v1 =	vor.u32 $0x1, v1  }
0x220: {  	v0 =	vor.u32 $0x3, v0  }
0x221: {  	v2 =	vadd.f32 v42, v2  }
0x222: {  	v43 =	vld [tilespmem:$0x30]  }
0x223: {  	v44 =	vld [tilespmem:$0xB0];
	[tilespmem:$0x10220] =	vst v2  }
0x224: {  	v1 =	vld.idx.msk [tilespmem:v1+s29+$0x0], $0xffff  }
0x225: {  	v0 =	vld.idx.msk [tilespmem:v0+s29+$0x0], $0xffff;
	_ =	sdelay $0x2  }
0x226: {  	v3 =	vshll.u32 v43, $0x2;
	v2 =	vshll.u32 v44, $0x2  }
0x227: {  	v45 =	vor.u32 $0x2, v2  }
0x228: {  	v0 =	vadd.f32 v0, v1;
	_ =	sdelay $0x1  }
0x229: {  	[tilespmem:$0x102A0] =	vst v0  }
0x22a: {  	v0 =	vld.idx.msk [tilespmem:v3+s29+$0x0], $0xffff  }
0x22b: {  	v46 =	vld.idx.msk [tilespmem:v45+s29+$0x0], $0xffff;
	_ =	sdelay $0x2  }
0x22c: {  	v3 =	vor.u32 $0x1, v3  }
0x22d: {  	v2 =	vor.u32 $0x3, v2  }
0x22e: {  	v0 =	vadd.f32 v46, v0  }
0x22f: {  	v47 =	vld [tilespmem:$0x40]  }
0x230: {  	v48 =	vld [tilespmem:$0xC0];
	[tilespmem:$0x10230] =	vst v0  }
0x231: {  	v3 =	vld.idx.msk [tilespmem:v3+s29+$0x0], $0xffff  }
0x232: {  	v2 =	vld.idx.msk [tilespmem:v2+s29+$0x0], $0xffff;
	_ =	sdelay $0x2  }
0x233: {  	v1 =	vshll.u32 v47, $0x2;
	v0 =	vshll.u32 v48, $0x2  }
0x234: {  	v49 =	vor.u32 $0x2, v0  }
0x235: {  	v2 =	vadd.f32 v2, v3;
	_ =	sdelay $0x1  }
0x236: {  	[tilespmem:$0x102B0] =	vst v2  }
0x237: {  	v2 =	vld.idx.msk [tilespmem:v1+s29+$0x0], $0xffff  }
0x238: {  	v50 =	vld.idx.msk [tilespmem:v49+s29+$0x0], $0xffff;
	_ =	sdelay $0x2  }
0x239: {  	v1 =	vor.u32 $0x1, v1  }
0x23a: {  	v0 =	vor.u32 $0x3, v0  }
0x23b: {  	v2 =	vadd.f32 v50, v2  }
0x23c: {  	v51 =	vld [tilespmem:$0x50]  }
0x23d: {  	v52 =	vld [tilespmem:$0xD0];
	[tilespmem:$0x10240] =	vst v2  }
0x23e: {  	v1 =	vld.idx.msk [tilespmem:v1+s29+$0x0], $0xffff  }
0x23f: {  	v0 =	vld.idx.msk [tilespmem:v0+s29+$0x0], $0xffff;
	_ =	sdelay $0x2  }
0x240: {  	v3 =	vshll.u32 v51, $0x2;
	v2 =	vshll.u32 v52, $0x2  }
0x241: {  	v53 =	vor.u32 $0x2, v2  }
0x242: {  	v0 =	vadd.f32 v0, v1;
	_ =	sdelay $0x1  }
0x243: {  	[tilespmem:$0x102C0] =	vst v0  }
0x244: {  	v0 =	vld.idx.msk [tilespmem:v3+s29+$0x0], $0xffff  }
0x245: {  	v54 =	vld.idx.msk [tilespmem:v53+s29+$0x0], $0xffff;
	_ =	sdelay $0x2  }
0x246: {  	v3 =	vor.u32 $0x1, v3  }
0x247: {  	v2 =	vor.u32 $0x3, v2  }
0x248: {  	v0 =	vadd.f32 v54, v0  }
0x249: {  	v55 =	vld [tilespmem:$0x60]  }
0x24a: {  	v56 =	vld [tilespmem:$0xE0];
	[tilespmem:$0x10250] =	vst v0  }
0x24b: {  	v3 =	vld.idx.msk [tilespmem:v3+s29+$0x0], $0xffff  }
0x24c: {  	v2 =	vld.idx.msk [tilespmem:v2+s29+$0x0], $0xffff;
	_ =	sdelay $0x2  }
0x24d: {  	v1 =	vshll.u32 v55, $0x2;
	v0 =	vshll.u32 v56, $0x2  }
0x24e: {  	v57 =	vor.u32 $0x2, v0  }
0x24f: {  	v2 =	vadd.f32 v2, v3;
	_ =	sdelay $0x1  }
0x250: {  	[tilespmem:$0x102D0] =	vst v2  }
0x251: {  	v2 =	vld.idx.msk [tilespmem:v1+s29+$0x0], $0xffff  }
0x252: {  	v58 =	vld.idx.msk [tilespmem:v57+s29+$0x0], $0xffff;
	_ =	sdelay $0x2  }
0x253: {  	v1 =	vor.u32 $0x1, v1  }
0x254: {  	v0 =	vor.u32 $0x3, v0  }
0x255: {  	v2 =	vadd.f32 v58, v2  }
0x256: {  	v59 =	vld [tilespmem:$0x70]  }
0x257: {  	v60 =	vld [tilespmem:$0xF0];
	[tilespmem:$0x10260] =	vst v2  }
0x258: {  	v1 =	vld.idx.msk [tilespmem:v1+s29+$0x0], $0xffff  }
0x259: {  	v0 =	vld.idx.msk [tilespmem:v0+s29+$0x0], $0xffff;
	_ =	sdelay $0x2  }
0x25a: {  	v3 =	vshll.u32 v59, $0x2;
	v2 =	vshll.u32 v60, $0x2  }
0x25b: {  	v61 =	vor.u32 $0x2, v2  }
0x25c: {  	v0 =	vadd.f32 v0, v1;
	_ =	sdelay $0x1  }
0x25d: {  	[tilespmem:$0x102E0] =	vst v0  }
0x25e: {  	v0 =	vld.idx.msk [tilespmem:v3+s29+$0x0], $0xffff  }
0x25f: {  	v62 =	vld.idx.msk [tilespmem:v61+s29+$0x0], $0xffff;
	_ =	sdelay $0x2  }
0x260: {  	v3 =	vor.u32 $0x1, v3  }
0x261: {  	v2 =	vor.u32 $0x3, v2  }
0x262: {  	v0 =	vadd.f32 v62, v0;
	_ =	sdelay $0x1  }
0x263: {  	[tilespmem:$0x10270] =	vst v0  }
0x264: {  	v0 =	vld.idx.msk [tilespmem:v3+s29+$0x0], $0xffff  }
0x265: {  	v63 =	vld.idx.msk [tilespmem:v2+s29+$0x0], $0xffff;
	_ =	sdelay $0x4  }
0x266: {  	v0 =	vadd.f32 v63, v0;
	_ =	sdelay $0x1  }
0x267: {  	s2 =	rddreg [dreg:$0x12];
	s5 =	simm.s32 $0x10200;
	[tilespmem:$0x102F0] =	vst v0  }
0x268: {  	[hbm4b:s2+s3] =	stream.linear.scatter [tilespmem:s5], [sflag:$0x7], $0x100, $0x38;
	[tilespmem:$0x1E080] =	vst v63  }
0x269: {  	_ =	swait.ge [sflag:s7], $0x4000  }
0x26a: {  	[sflag:s7] =	ssyncset.done $0x0  }
0x26b: {  	s16 =	rddreg [dreg:$0x13];
	[sflag:s7] =	ssyncadd.s32 $0xFFFFC000  }
0x26c: {  	[hbm4b:s16+s8] =	stream.strided.scatter [tilespmem:s21], [sflag:$0xA], $0x4000, s11, s8, $0x38;
	[tilespmem:$0x1E080] =	vst v63  }
0x26d: {  	_ =	swait.ge [sflag:s12], $0x4000  }
0x26e: {  	[sflag:s12] =	ssyncset.done $0x0  }
0x26f: {  	s17 =	rddreg [dreg:$0x14];
	[sflag:s12] =	ssyncadd.s32 $0xFFFFC000  }
0x270: {  	[hbm4b:s17+s8] =	stream.strided.scatter [tilespmem:s4], [sflag:$0x7], $0x4000, s11, s8, $0x38;
	[tilespmem:$0x1E080] =	vst v63  }
0x271: {  	_ =	swait.ge [sflag:s13], $0x4000  }
0x272: {  	[sflag:s13] =	ssyncset.done $0x0  }
0x273: {  	s26 =	rddreg [dreg:$0x15];
	[sflag:s13] =	ssyncadd.s32 $0xFFFFC000  }
0x274: {  	[hbm4b:s26+s8] =	stream.strided.scatter [tilespmem:s18], [sflag:$0x7], $0x4000, s11, s8, $0x38;
	[tilespmem:$0x1E080] =	vst v63  }
0x275: {  	_ =	swait.ge [sflag:s23], $0x4000  }
0x276: {  	[sflag:s23] =	ssyncset.done $0x0  }
0x277: {  	[sflag:s23] =	ssyncadd.s32 $0xFFFFC000  }
0x278: {  	_ =	swait.ge [sflag:s23], $0x4000  }
0x279: {  	[sflag:s23] =	ssyncset.done $0x0  }
0x27a: {  	[sflag:s23] =	ssyncadd.s32 $0xFFFFC000  }
0x27b: {  	_ =	swait.ge [sflag:s23], $0x100  }
.Ltmp7:
0x27c: {  	[sflag:s23] =	ssyncset.done $0x0;
	(pc) =	sbr.rel .LBB2_7-.Ltmp7, $4  }
0x27d: {  	[sflag:s23] =	ssyncadd.s32 $0xFFFFFF00  }
0x27e: {  	_ =	swait.ge [sflag:s22], $0x4000  }
0x27f: {  	[sflag:s22] =	ssyncset.done $0x0  }
0x280: {  	[sflag:s22] =	ssyncadd.s32 $0xFFFFC000  }
.LBB2_8:
0x281: {  	_ =	sfence.sel $0x180000  }
0x282: {  	[bflag:$0x0] =	sbarrier.arrive $0xFFFF  }
0x283: {  	_ =	strace $0x90000047  }
0x284: {  	s0 =	stileid.u32;
	[bflag:$0x2] =	sbarrier.arrive $0xFFFF  }
0x285: {  	p0 =	sne.s32 s0, $0x0;
	s0 =	rddreg [dreg:$0x4]  }
0x286: {  	s0 =	sadd.s32 @!p0 $0x100000, s0  }
0x287: {  	[sflag:s0] =	ssyncadd.tile.s32 @!p0 $0x1;
	_ =	shalt  }
.Lfunc_end2:
_tile_overlayer_lowered:
.L_overlay_start_2:
0x288: {  	(tag) =	ssettag $0x2  }
0x289: {  	s0 =	rddreg [dreg:$0x0];
	s2 =	stileid.u32  }
0x28a: {  	s1 =	rddreg [dreg:$0x1];
	p0 =	sne.s32 s2, $0x0  }
0x28b: {  	s3 =	rddreg [dreg:$0x2];
	[bflag:$0x3] =	sbarrier.arrive $0xFFFF;
	s2 =	simm.s32 @!p0 $0x1C0B  }
0x28c: {  	[timem:s3], [sflag:s2] =	dma.local @!p0 [hbm:s0], s1  }
0x28d: {  	s0 =	simm.s32 @!p0 $0xB  }
0x28e: {  	_ =	swait.ge @!p0 [sflag:s0], s1  }
0x28f: {  	s1 =	ssub.s32 @!p0 $0x0, s1;
	[sflag:s0] =	ssyncset.done @!p0 $0x0  }
0x290: {  	[sflag:s0] =	ssyncadd.s32 @!p0 s1  }
0x291: {  	[bflag:$0x3] =	sbarrier.arrive $0xFFFF  }
0x292: {  	_ =	shalt  }

</sc_bundles>
